<compile_context>
chip_gen: v7x
topology: tpu7x:2x2x1
jax: 0.10.2.dev20260603
libtpu: 0.0.44.dev20260713+nightly
codegen_flags: <defaults>
</compile_context>

<pallas_src>
import functools

import jax
import jax.numpy as jnp
from jax import lax
from jax.experimental import pallas as pl
from jax.experimental.pallas import tpu as pltpu
from jax.experimental.pallas import tpu_sc as plsc

S = 5000
W = 100
F = 8
D = 32

NSUB = 16
FL = S * F
CH = 2496
REM = FL - NSUB * CH
NV = CH // 16
UNROLL = 4
WPAD = 112

L_BE = 0
L_B1 = L_BE + D
L_B2 = L_B1 + D
L_WD = L_B2 + D
WLEN = L_WD + 2 * D

_DNUMS = lax.GatherDimensionNumbers(offset_dims=(),
                                    collapsed_slice_dims=(0,),
                                    start_index_map=(0,))


def _gather(v, idx):
    return lax.gather(v, idx.reshape(16, 1), _DNUMS, slice_sizes=(1,),
                      mode=lax.GatherScatterMode.PROMISE_IN_BOUNDS)


def _bcast(v, lane):
    return _gather(v, jnp.full((16,), lane, jnp.int32))


def _treesum(v):
    lanes = lax.iota(jnp.int32, 16)
    for sh in (1, 2, 4, 8):
        v = v + _gather(v, lanes ^ sh)
    return v


def _policy_sc_body(packed_hbm, we_hbm, w1_hbm, w2_hbm, out_hbm,
                    buf, rembuf, stage, partv, wv, web, w1b, w2b,
                    outv, shared, sem):
    sid = lax.axis_index("s") + lax.axis_index("c") * NSUB

    copies = []

    @pl.when(sid == 0)
    def _prefetch():
        copies.append(pltpu.async_copy(
            packed_hbm.at[pl.ds(FL, WLEN)], wv, sem))
        copies.append(pltpu.async_copy(we_hbm, web, sem))
        copies.append(pltpu.async_copy(w1_hbm, w1b, sem))
        copies.append(pltpu.async_copy(w2_hbm, w2b, sem))
        copies.append(pltpu.async_copy(
            packed_hbm.at[pl.ds(NSUB * CH, REM)], rembuf, sem))

    pltpu.sync_copy(packed_hbm.at[pl.ds(sid * CH, CH)], buf)

    def body(i, accs):
        return tuple(a + buf[pl.ds((i * UNROLL + k) * 16, 16)]
                     for k, a in enumerate(accs))

    accs = lax.fori_loop(0, NV // UNROLL, body,
                         tuple(jnp.zeros((16,), jnp.float32)
                               for _ in range(UNROLL)))
    stage[...] = functools.reduce(lambda a, b: a + b, accs)
    pltpu.sync_copy(stage, shared.at[sid])

    plsc.subcore_barrier()

    @pl.when(sid == 0)
    def _tail():
        for c in copies:
            c.wait()
        pltpu.sync_copy(shared, partv)

        total = jnp.zeros((16,), jnp.float32)
        for i in range(NSUB):
            total = total + partv[i]
        for i in range(REM // 16):
            total = total + rembuf[pl.ds(i * 16, 16)]

        def wrow(off):
            return wv[pl.ds(off, 16)]

        inv_s = 1.0 / S
        mean_b = [(_bcast(total, f) + _bcast(total, f + F)) * inv_s
                  for f in range(F)]

        mw = [wrow(L_BE + h * 16) for h in range(2)]
        for f in range(F):
            for h in range(2):
                mw[h] = mw[h] + mean_b[f] * web[f, pl.ds(h * 16, 16)]

        h1w = [wrow(L_B1 + h * 16) for h in range(2)]
        for f in range(D):
            mb = _bcast(mw[f // 16], f % 16)
            for h in range(2):
                h1w[h] = h1w[h] + mb * w1b[f, pl.ds(h * 16, 16)]
        h1w = [jnp.maximum(v, 0.0) for v in h1w]
        h1s = [jnp.maximum(wrow(L_B1 + h * 16), 0.0) for h in range(2)]

        h2s = [wrow(L_B2 + h * 16) for h in range(2)]
        h2w = [wrow(L_B2 + h * 16) for h in range(2)]
        for f in range(D):
            sb = _bcast(h1w[f // 16], f % 16)
            wb = _bcast(h1s[f // 16], f % 16)
            for h in range(2):
                row = w2b[f, pl.ds(h * 16, 16)]
                h2s[h] = h2s[h] + sb * row
                h2w[h] = h2w[h] + wb * row

        partial = (h2s[0] * wrow(L_WD) + h2s[1] * wrow(L_WD + 16)
                   + h2w[0] * wrow(L_WD + 32) + h2w[1] * wrow(L_WD + 48))
        score = _treesum(partial)

        ev = jnp.exp(score - score)
        lastmask = jnp.where(lax.iota(jnp.int32, 16) < (W % 16), 1.0, 0.0)
        denom = float(W // 16) * _treesum(ev) + _treesum(ev * lastmask)
        p = ev / denom
        for i in range(WPAD // 16):
            outv[pl.ds(i * 16, 16)] = p
        pltpu.sync_copy(outv, out_hbm)


def kernel(state, W_embed, b_embed, W1, b1, W2, b2, W_dec, b_dec):
    del b_dec
    packed = jnp.concatenate([
        state[:, :F].reshape(FL),
        b_embed, b1, b2, W_dec.reshape(2 * D),
    ])
    mesh = plsc.VectorSubcoreMesh(core_axis_name="c", subcore_axis_name="s",
                                  num_cores=1, num_subcores=NSUB)
    policy = functools.partial(
        pl.kernel,
        out_type=jax.ShapeDtypeStruct((WPAD,), jnp.float32),
        mesh=mesh,
        scratch_types=[
            pltpu.VMEM((CH,), jnp.float32),
            pltpu.VMEM((REM,), jnp.float32),
            pltpu.VMEM((16,), jnp.float32),
            pltpu.VMEM((NSUB, 16), jnp.float32),
            pltpu.VMEM((WLEN,), jnp.float32),
            pltpu.VMEM((F, D), jnp.float32),
            pltpu.VMEM((D, D), jnp.float32),
            pltpu.VMEM((D, D), jnp.float32),
            pltpu.VMEM((WPAD,), jnp.float32),
            pltpu.VMEM_SHARED((NSUB, 16), jnp.float32),
            pltpu.SemaphoreType.DMA,
        ],
    )(_policy_sc_body)
    out = policy(packed, W_embed, W1, W2)
    return out[:W]

# --- scband reference (transcript-rebuilt; emitter-appended) ---
"""Pipeline reference for scband-policy-88811333747084 (READ-ONLY COPY).

The authoritative reference and input builder live on the scoring server;
editing this copy changes nothing except your own understanding.
"""

import jax, jax.numpy as jnp
import numpy as np

S = 5000   # num shifts
W = 100    # num workers
F = 8      # shift feature count (encoder.shift_features)
D = 32     # embedding / hidden dim


def setup_inputs(seed: int = 0) -> dict:
    key = jax.random.key(seed)
    ks = jax.random.split(key, 8)
    state = jax.random.uniform(ks[0], (S, F + W), dtype=jnp.float32)
    W_embed = jax.random.normal(ks[1], (F, D), dtype=jnp.float32) * 0.1
    b_embed = jnp.zeros((D,), dtype=jnp.float32)
    W1 = jax.random.normal(ks[2], (D, D), dtype=jnp.float32) * 0.1
    b1 = jnp.zeros((D,), dtype=jnp.float32)
    W2 = jax.random.normal(ks[3], (D, D), dtype=jnp.float32) * 0.1
    b2 = jnp.zeros((D,), dtype=jnp.float32)
    W_dec = jax.random.normal(ks[4], (2 * D, 1), dtype=jnp.float32) * 0.1
    b_dec = jnp.zeros((1,), dtype=jnp.float32)
    return {"state": state, "W_embed": W_embed, "b_embed": b_embed,
            "W1": W1, "b1": b1, "W2": W2, "b2": b2,
            "W_dec": W_dec, "b_dec": b_dec}


def reference(state, W_embed, b_embed, W1, b1, W2, b2, W_dec, b_dec):
    # ---- grapher: build bidirected complete bipartite shift<->worker graph ----
    shift_feats = state[:, :F]
    assign = (state[:, F:] > 0.95).astype(jnp.float32)          # worker-assignment block
    row_filled = jnp.sum(assign, axis=1) > 0
    # first shift with no assigned workers (shift_index in original code)
    shift_index = jnp.argmax(jnp.logical_not(row_filled))

    embedded_s = shift_feats @ W_embed + b_embed                # encoder.shift_embedding
    embedded_w = jnp.zeros((W, D), dtype=jnp.float32)           # torch.zeros(num_workers, 32)
    x = jnp.concatenate([embedded_s, embedded_w], axis=0)       # homogeneous node feats

    shift_ids = jnp.repeat(jnp.arange(S), W)                    # shift-major edge order
    worker_ids = jnp.tile(jnp.arange(W), S) + S
    src = jnp.concatenate([shift_ids, worker_ids])              # bidirected edges
    dst = jnp.concatenate([worker_ids, shift_ids])
    N = S + W
    deg = jnp.concatenate([jnp.full((S,), float(W), jnp.float32),
                           jnp.full((W,), float(S), jnp.float32)])

    # edge labels y: 1 for assignment edges on shifts before shift_index (edata['y'])
    mask = (jnp.arange(S) < shift_index).astype(jnp.float32)[:, None]
    y_sw = (assign * mask).reshape(-1)
    y = jnp.concatenate([y_sw, y_sw])

    # ---- encoder: 2-layer mean-aggregation GCN over the bipartite graph ----
    def mp(h):
        m = jax.ops.segment_sum(h[src], dst, num_segments=N)
        return m / deg[:, None]

    h1 = jax.nn.relu(mp(x) @ W1 + b1)
    h2 = mp(h1) @ W2 + b2

    # ---- decoder: score each worker against the open shift ----
    shift_h = h2[shift_index]
    worker_h = h2[S:]
    dec_in = jnp.concatenate([jnp.broadcast_to(shift_h[None, :], (W, D)), worker_h], axis=1)
    scores = (dec_in @ W_dec + b_dec).squeeze(-1)
    probs = jax.nn.softmax(scores)
    return probs

if __name__ == "__main__":
    import jax
    _d = setup_inputs()
    print(jax.jit(kernel)(*tuple(_d.values())))

</pallas_src>

<mosaic_0001>
#map = affine_map<(d0, d1) -> (0)>
#map1 = affine_map<(d0, d1) -> (0, 0)>
module attributes {stable_mosaic.version = 14 : i64} {
  func.func @_policy_sc_body(%arg0: i32, %arg1: i32, %arg2: memref<40160xf32, #tpu.memory_space<hbm>>, %arg3: memref<8x32xf32, #tpu.memory_space<hbm>>, %arg4: memref<32x32xf32, #tpu.memory_space<hbm>>, %arg5: memref<32x32xf32, #tpu.memory_space<hbm>>, %arg6: memref<112xf32, #tpu.memory_space<hbm>>, %arg7: memref<2496xf32, #tpu.memory_space<vmem>>, %arg8: memref<64xf32, #tpu.memory_space<vmem>>, %arg9: memref<16xf32, #tpu.memory_space<vmem>>, %arg10: memref<16x16xf32, #tpu.memory_space<vmem>>, %arg11: memref<160xf32, #tpu.memory_space<vmem>>, %arg12: memref<8x32xf32, #tpu.memory_space<vmem>>, %arg13: memref<32x32xf32, #tpu.memory_space<vmem>>, %arg14: memref<32x32xf32, #tpu.memory_space<vmem>>, %arg15: memref<112xf32, #tpu.memory_space<vmem>>, %arg16: memref<16x16xf32, #tpu.memory_space<vmem_shared>>, %arg17: memref<!tpu.dma_semaphore, #tpu.memory_space<semaphore_mem>>) attributes {dimension_semantics = [#tpu.dimension_semantics<core_parallel>, #tpu.dimension_semantics<subcore_parallel>], iteration_bounds = array<i64: 1, 16>, scalar_prefetch = 0 : i64, scratch_operands = 11 : i64, tpu.core_type = #tpu.core_type<sc_vector_subcore>, window_params = [{transform_indices = #map}, {transform_indices = #map1}, {transform_indices = #map1}, {transform_indices = #map1}, {transform_indices = #map}]} {
    %mul3A = arith.constant 16 : i32
    %mul3A_0 = arith.muli %arg0, %mul3A : i32
    %add3A = arith.addi %arg1, %mul3A_0 : i32
    %eq3A = arith.constant 0 : i32
    %eq3A_1 = arith.cmpi eq, %add3A, %eq3A : i32
    %convert_element_type3A = arith.extui %eq3A_1 : i1 to i32
    %cond3A = arith.constant 0 : i32
    %cond3A_2 = arith.cmpi ne, %convert_element_type3A, %cond3A : i32
    scf.if %cond3A_2 {
      %dma_start3A = arith.constant 40000 : i32
      %dma_start3A_28 = tpu.memref_slice %arg2[%dma_start3A] : memref<40160xf32, #tpu.memory_space<hbm>> -> memref<160xf32, #tpu.memory_space<hbm>>
      %dma_start3A_29 = arith.constant 40000 : i32
      %dma_start3A_30 = tpu.memref_slice %arg2[%dma_start3A_29] : memref<40160xf32, #tpu.memory_space<hbm>> -> memref<160xf32, #tpu.memory_space<hbm>>
      tpu.enqueue_dma source(%dma_start3A_30 : memref<160xf32, #tpu.memory_space<hbm>>) target(%arg11 : memref<160xf32, #tpu.memory_space<vmem>>) target_semaphore(%arg17 : memref<!tpu.dma_semaphore, #tpu.memory_space<semaphore_mem>>)
      tpu.enqueue_dma source(%arg3 : memref<8x32xf32, #tpu.memory_space<hbm>>) target(%arg12 : memref<8x32xf32, #tpu.memory_space<vmem>>) target_semaphore(%arg17 : memref<!tpu.dma_semaphore, #tpu.memory_space<semaphore_mem>>)
      tpu.enqueue_dma source(%arg4 : memref<32x32xf32, #tpu.memory_space<hbm>>) target(%arg13 : memref<32x32xf32, #tpu.memory_space<vmem>>) target_semaphore(%arg17 : memref<!tpu.dma_semaphore, #tpu.memory_space<semaphore_mem>>)
      tpu.enqueue_dma source(%arg5 : memref<32x32xf32, #tpu.memory_space<hbm>>) target(%arg14 : memref<32x32xf32, #tpu.memory_space<vmem>>) target_semaphore(%arg17 : memref<!tpu.dma_semaphore, #tpu.memory_space<semaphore_mem>>)
      %dma_start3A_31 = arith.constant 39936 : i32
      %dma_start3A_32 = tpu.memref_slice %arg2[%dma_start3A_31] : memref<40160xf32, #tpu.memory_space<hbm>> -> memref<64xf32, #tpu.memory_space<hbm>>
      %dma_start3A_33 = arith.constant 39936 : i32
      %dma_start3A_34 = tpu.memref_slice %arg2[%dma_start3A_33] : memref<40160xf32, #tpu.memory_space<hbm>> -> memref<64xf32, #tpu.memory_space<hbm>>
      tpu.enqueue_dma source(%dma_start3A_34 : memref<64xf32, #tpu.memory_space<hbm>>) target(%arg8 : memref<64xf32, #tpu.memory_space<vmem>>) target_semaphore(%arg17 : memref<!tpu.dma_semaphore, #tpu.memory_space<semaphore_mem>>)
    } else {
    }
    %mul3A_3 = arith.constant 2496 : i32
    %mul3A_4 = arith.muli %add3A, %mul3A_3 : i32
    "tpu.region"() ({
      %run_scoped3A = tpu.sem_alloc : memref<!tpu.dma_semaphore, #tpu.memory_space<semaphore_mem>>
      %dma_start3A = tpu.memref_slice %arg2[%mul3A_4] : memref<40160xf32, #tpu.memory_space<hbm>> -> memref<2496xf32, #tpu.memory_space<hbm>>
      %dma_start3A_28 = tpu.memref_slice %arg2[%mul3A_4] : memref<40160xf32, #tpu.memory_space<hbm>> -> memref<2496xf32, #tpu.memory_space<hbm>>
      tpu.enqueue_dma source(%dma_start3A_28 : memref<2496xf32, #tpu.memory_space<hbm>>) target(%arg7 : memref<2496xf32, #tpu.memory_space<vmem>>) target_semaphore(%run_scoped3A : memref<!tpu.dma_semaphore, #tpu.memory_space<semaphore_mem>>)
      %dma_wait3A = tpu.memref_slice %arg2[%mul3A_4] : memref<40160xf32, #tpu.memory_space<hbm>> -> memref<2496xf32, #tpu.memory_space<hbm>>
      %dma_wait3A_29 = tpu.memref_slice %arg2[%mul3A_4] : memref<40160xf32, #tpu.memory_space<hbm>> -> memref<2496xf32, #tpu.memory_space<hbm>>
      tpu.wait_dma2 semaphore(%run_scoped3A : memref<!tpu.dma_semaphore, #tpu.memory_space<semaphore_mem>>) src(%dma_wait3A_29 : memref<2496xf32, #tpu.memory_space<hbm>>) dst(%arg7 : memref<2496xf32, #tpu.memory_space<vmem>>)
      tpu.yield
    }) : () -> ()
    %broadcast_in_dim3A = arith.constant 0.000000e+00 : f32
    %broadcast_in_dim3A_5 = vector.broadcast %broadcast_in_dim3A : f32 to vector<16xf32>
    %broadcast_in_dim3A_6 = arith.constant 0.000000e+00 : f32
    %broadcast_in_dim3A_7 = vector.broadcast %broadcast_in_dim3A_6 : f32 to vector<16xf32>
    %broadcast_in_dim3A_8 = arith.constant 0.000000e+00 : f32
    %broadcast_in_dim3A_9 = vector.broadcast %broadcast_in_dim3A_8 : f32 to vector<16xf32>
    %broadcast_in_dim3A_10 = arith.constant 0.000000e+00 : f32
    %broadcast_in_dim3A_11 = vector.broadcast %broadcast_in_dim3A_10 : f32 to vector<16xf32>
    %scan3A = arith.constant 0 : i32
    %scan3A_12 = arith.constant 39 : i32
    %scan3A_13 = arith.addi %scan3A, %scan3A_12 : i32
    %scan3A_14 = arith.constant 1 : i32
    %scan3A_15:4 = scf.for %scan3A_28 = %scan3A to %scan3A_13 step %scan3A_14 iter_args(%scan3A_29 = %broadcast_in_dim3A_5, %scan3A_30 = %broadcast_in_dim3A_7, %scan3A_31 = %broadcast_in_dim3A_9, %scan3A_32 = %broadcast_in_dim3A_11) -> (vector<16xf32>, vector<16xf32>, vector<16xf32>, vector<16xf32>)  : i32 {
      %mul3A_33 = arith.constant 4 : i32
      %mul3A_34 = arith.muli %scan3A_28, %mul3A_33 : i32
      %add3A_35 = arith.constant 0 : i32
      %add3A_36 = arith.addi %mul3A_34, %add3A_35 : i32
      %mul3A_37 = arith.constant 16 : i32
      %mul3A_38 = arith.muli %add3A_36, %mul3A_37 : i32
      %get3A = arith.index_cast %mul3A_38 : i32 to index
      %get3A_39 = tpu.vector_load %arg7[%get3A] {strides = array<i32>} : memref<2496xf32, #tpu.memory_space<vmem>>, vector<16xf32>,
      %get3A_40 = vector.shape_cast %get3A_39 : vector<16xf32> to vector<16xf32>
      %add3A_41 = arith.addf %scan3A_29, %get3A_40 : vector<16xf32>
      %mul3A_42 = arith.constant 4 : i32
      %mul3A_43 = arith.muli %scan3A_28, %mul3A_42 : i32
      %add3A_44 = arith.constant 1 : i32
      %add3A_45 = arith.addi %mul3A_43, %add3A_44 : i32
      %mul3A_46 = arith.constant 16 : i32
      %mul3A_47 = arith.muli %add3A_45, %mul3A_46 : i32
      %get3A_48 = arith.index_cast %mul3A_47 : i32 to index
      %get3A_49 = tpu.vector_load %arg7[%get3A_48] {strides = array<i32>} : memref<2496xf32, #tpu.memory_space<vmem>>, vector<16xf32>,
      %get3A_50 = vector.shape_cast %get3A_49 : vector<16xf32> to vector<16xf32>
      %add3A_51 = arith.addf %scan3A_30, %get3A_50 : vector<16xf32>
      %mul3A_52 = arith.constant 4 : i32
      %mul3A_53 = arith.muli %scan3A_28, %mul3A_52 : i32
      %add3A_54 = arith.constant 2 : i32
      %add3A_55 = arith.addi %mul3A_53, %add3A_54 : i32
      %mul3A_56 = arith.constant 16 : i32
      %mul3A_57 = arith.muli %add3A_55, %mul3A_56 : i32
      %get3A_58 = arith.index_cast %mul3A_57 : i32 to index
      %get3A_59 = tpu.vector_load %arg7[%get3A_58] {strides = array<i32>} : memref<2496xf32, #tpu.memory_space<vmem>>, vector<16xf32>,
      %get3A_60 = vector.shape_cast %get3A_59 : vector<16xf32> to vector<16xf32>
      %add3A_61 = arith.addf %scan3A_31, %get3A_60 : vector<16xf32>
      %mul3A_62 = arith.constant 4 : i32
      %mul3A_63 = arith.muli %scan3A_28, %mul3A_62 : i32
      %add3A_64 = arith.constant 3 : i32
      %add3A_65 = arith.addi %mul3A_63, %add3A_64 : i32
      %mul3A_66 = arith.constant 16 : i32
      %mul3A_67 = arith.muli %add3A_65, %mul3A_66 : i32
      %get3A_68 = arith.index_cast %mul3A_67 : i32 to index
      %get3A_69 = tpu.vector_load %arg7[%get3A_68] {strides = array<i32>} : memref<2496xf32, #tpu.memory_space<vmem>>, vector<16xf32>,
      %get3A_70 = vector.shape_cast %get3A_69 : vector<16xf32> to vector<16xf32>
      %add3A_71 = arith.addf %scan3A_32, %get3A_70 : vector<16xf32>
      scf.yield %add3A_41, %add3A_51, %add3A_61, %add3A_71 : vector<16xf32>, vector<16xf32>, vector<16xf32>, vector<16xf32>
    }
    %scan3A_16 = arith.constant 39 : i32
    %add3A_17 = arith.addf %scan3A_15#0, %scan3A_15#1 : vector<16xf32>
    %add3A_18 = arith.addf %add3A_17, %scan3A_15#2 : vector<16xf32>
    %add3A_19 = arith.addf %add3A_18, %scan3A_15#3 : vector<16xf32>
    %swap3A = arith.constant 0 : index
    %swap3A_20 = tpu.vector_load %arg9[%swap3A] {strides = array<i32>} : memref<16xf32, #tpu.memory_space<vmem>>, vector<16xf32>,
    %swap3A_21 = vector.shape_cast %swap3A_20 : vector<16xf32> to vector<16xf32>
    %swap3A_22 = vector.shape_cast %add3A_19 : vector<16xf32> to vector<16xf32>
    tpu.vector_store %arg9[%swap3A], %swap3A_22 {strides = array<i32>} : memref<16xf32, #tpu.memory_space<vmem>>, vector<16xf32>,
    "tpu.region"() ({
      %run_scoped3A = tpu.sem_alloc : memref<!tpu.dma_semaphore, #tpu.memory_space<semaphore_mem>>
      %dma_start3A = arith.constant 0 : i32
      %dma_start3A_28 = tpu.memref_slice %arg16[%add3A, %dma_start3A] : memref<16x16xf32, #tpu.memory_space<vmem_shared>> -> memref<1x16xf32, #tpu.memory_space<vmem_shared>>
      %dma_start3A_29 = tpu.memref_squeeze %dma_start3A_28 : memref<1x16xf32, #tpu.memory_space<vmem_shared>> -> memref<16xf32, #tpu.memory_space<vmem_shared>>
      %dma_start3A_30 = arith.constant 0 : i32
      %dma_start3A_31 = tpu.memref_slice %arg16[%add3A, %dma_start3A_30] : memref<16x16xf32, #tpu.memory_space<vmem_shared>> -> memref<1x16xf32, #tpu.memory_space<vmem_shared>>
      %dma_start3A_32 = tpu.memref_squeeze %dma_start3A_31 : memref<1x16xf32, #tpu.memory_space<vmem_shared>> -> memref<16xf32, #tpu.memory_space<vmem_shared>>
      tpu.enqueue_dma source(%arg9 : memref<16xf32, #tpu.memory_space<vmem>>) target(%dma_start3A_32 : memref<16xf32, #tpu.memory_space<vmem_shared>>) target_semaphore(%run_scoped3A : memref<!tpu.dma_semaphore, #tpu.memory_space<semaphore_mem>>)
      %dma_wait3A = arith.constant 0 : i32
      %dma_wait3A_33 = tpu.memref_slice %arg16[%add3A, %dma_wait3A] : memref<16x16xf32, #tpu.memory_space<vmem_shared>> -> memref<1x16xf32, #tpu.memory_space<vmem_shared>>
      %dma_wait3A_34 = tpu.memref_squeeze %dma_wait3A_33 : memref<1x16xf32, #tpu.memory_space<vmem_shared>> -> memref<16xf32, #tpu.memory_space<vmem_shared>>
      %dma_wait3A_35 = arith.constant 0 : i32
      %dma_wait3A_36 = tpu.memref_slice %arg16[%add3A, %dma_wait3A_35] : memref<16x16xf32, #tpu.memory_space<vmem_shared>> -> memref<1x16xf32, #tpu.memory_space<vmem_shared>>
      %dma_wait3A_37 = tpu.memref_squeeze %dma_wait3A_36 : memref<1x16xf32, #tpu.memory_space<vmem_shared>> -> memref<16xf32, #tpu.memory_space<vmem_shared>>
      tpu.wait_dma2 semaphore(%run_scoped3A : memref<!tpu.dma_semaphore, #tpu.memory_space<semaphore_mem>>) src(%arg9 : memref<16xf32, #tpu.memory_space<vmem>>) dst(%dma_wait3A_37 : memref<16xf32, #tpu.memory_space<vmem_shared>>)
      tpu.yield
    }) : () -> ()
    %barrier3A = arith.constant 0 : index
    tpu.barrier barrier_id(%barrier3A)
    %eq3A_23 = arith.constant 0 : i32
    %eq3A_24 = arith.cmpi eq, %add3A, %eq3A_23 : i32
    %convert_element_type3A_25 = arith.extui %eq3A_24 : i1 to i32
    %cond3A_26 = arith.constant 0 : i32
    %cond3A_27 = arith.cmpi ne, %convert_element_type3A_25, %cond3A_26 : i32
    scf.if %cond3A_27 {
      %dma_wait3A = arith.constant 40000 : i32
      %dma_wait3A_28 = tpu.memref_slice %arg2[%dma_wait3A] : memref<40160xf32, #tpu.memory_space<hbm>> -> memref<160xf32, #tpu.memory_space<hbm>>
      %dma_wait3A_29 = arith.constant 40000 : i32
      %dma_wait3A_30 = tpu.memref_slice %arg2[%dma_wait3A_29] : memref<40160xf32, #tpu.memory_space<hbm>> -> memref<160xf32, #tpu.memory_space<hbm>>
      tpu.wait_dma2 semaphore(%arg17 : memref<!tpu.dma_semaphore, #tpu.memory_space<semaphore_mem>>) src(%dma_wait3A_30 : memref<160xf32, #tpu.memory_space<hbm>>) dst(%arg11 : memref<160xf32, #tpu.memory_space<vmem>>)
      tpu.wait_dma2 semaphore(%arg17 : memref<!tpu.dma_semaphore, #tpu.memory_space<semaphore_mem>>) src(%arg3 : memref<8x32xf32, #tpu.memory_space<hbm>>) dst(%arg12 : memref<8x32xf32, #tpu.memory_space<vmem>>)
      tpu.wait_dma2 semaphore(%arg17 : memref<!tpu.dma_semaphore, #tpu.memory_space<semaphore_mem>>) src(%arg4 : memref<32x32xf32, #tpu.memory_space<hbm>>) dst(%arg13 : memref<32x32xf32, #tpu.memory_space<vmem>>)
      tpu.wait_dma2 semaphore(%arg17 : memref<!tpu.dma_semaphore, #tpu.memory_space<semaphore_mem>>) src(%arg5 : memref<32x32xf32, #tpu.memory_space<hbm>>) dst(%arg14 : memref<32x32xf32, #tpu.memory_space<vmem>>)
      %dma_wait3A_31 = arith.constant 39936 : i32
      %dma_wait3A_32 = tpu.memref_slice %arg2[%dma_wait3A_31] : memref<40160xf32, #tpu.memory_space<hbm>> -> memref<64xf32, #tpu.memory_space<hbm>>
      %dma_wait3A_33 = arith.constant 39936 : i32
      %dma_wait3A_34 = tpu.memref_slice %arg2[%dma_wait3A_33] : memref<40160xf32, #tpu.memory_space<hbm>> -> memref<64xf32, #tpu.memory_space<hbm>>
      tpu.wait_dma2 semaphore(%arg17 : memref<!tpu.dma_semaphore, #tpu.memory_space<semaphore_mem>>) src(%dma_wait3A_34 : memref<64xf32, #tpu.memory_space<hbm>>) dst(%arg8 : memref<64xf32, #tpu.memory_space<vmem>>)
      "tpu.region"() ({
        %run_scoped3A = tpu.sem_alloc : memref<!tpu.dma_semaphore, #tpu.memory_space<semaphore_mem>>
        tpu.enqueue_dma source(%arg16 : memref<16x16xf32, #tpu.memory_space<vmem_shared>>) target(%arg10 : memref<16x16xf32, #tpu.memory_space<vmem>>) target_semaphore(%run_scoped3A : memref<!tpu.dma_semaphore, #tpu.memory_space<semaphore_mem>>)
        tpu.wait_dma2 semaphore(%run_scoped3A : memref<!tpu.dma_semaphore, #tpu.memory_space<semaphore_mem>>) src(%arg16 : memref<16x16xf32, #tpu.memory_space<vmem_shared>>) dst(%arg10 : memref<16x16xf32, #tpu.memory_space<vmem>>)
        tpu.yield
      }) : () -> ()
      %broadcast_in_dim3A_35 = arith.constant 0.000000e+00 : f32
      %broadcast_in_dim3A_36 = vector.broadcast %broadcast_in_dim3A_35 : f32 to vector<16xf32>
      %get3A = arith.constant 0 : i32
      %get3A_37 = arith.index_cast %get3A : i32 to index
      %get3A_38 = arith.constant 0 : index
      %get3A_39 = tpu.vector_load %arg10[%get3A_37, %get3A_38] {strides = array<i32>} : memref<16x16xf32, #tpu.memory_space<vmem>>, vector<1x16xf32>,
      %get3A_40 = vector.shape_cast %get3A_39 : vector<1x16xf32> to vector<16xf32>
      %add3A_41 = arith.addf %broadcast_in_dim3A_36, %get3A_40 : vector<16xf32>
      %get3A_42 = arith.constant 1 : i32
      %get3A_43 = arith.index_cast %get3A_42 : i32 to index
      %get3A_44 = arith.constant 0 : index
      %get3A_45 = tpu.vector_load %arg10[%get3A_43, %get3A_44] {strides = array<i32>} : memref<16x16xf32, #tpu.memory_space<vmem>>, vector<1x16xf32>,
      %get3A_46 = vector.shape_cast %get3A_45 : vector<1x16xf32> to vector<16xf32>
      %add3A_47 = arith.addf %add3A_41, %get3A_46 : vector<16xf32>
      %get3A_48 = arith.constant 2 : i32
      %get3A_49 = arith.index_cast %get3A_48 : i32 to index
      %get3A_50 = arith.constant 0 : index
      %get3A_51 = tpu.vector_load %arg10[%get3A_49, %get3A_50] {strides = array<i32>} : memref<16x16xf32, #tpu.memory_space<vmem>>, vector<1x16xf32>,
      %get3A_52 = vector.shape_cast %get3A_51 : vector<1x16xf32> to vector<16xf32>
      %add3A_53 = arith.addf %add3A_47, %get3A_52 : vector<16xf32>
      %get3A_54 = arith.constant 3 : i32
      %get3A_55 = arith.index_cast %get3A_54 : i32 to index
      %get3A_56 = arith.constant 0 : index
      %get3A_57 = tpu.vector_load %arg10[%get3A_55, %get3A_56] {strides = array<i32>} : memref<16x16xf32, #tpu.memory_space<vmem>>, vector<1x16xf32>,
      %get3A_58 = vector.shape_cast %get3A_57 : vector<1x16xf32> to vector<16xf32>
      %add3A_59 = arith.addf %add3A_53, %get3A_58 : vector<16xf32>
      %get3A_60 = arith.constant 4 : i32
      %get3A_61 = arith.index_cast %get3A_60 : i32 to index
      %get3A_62 = arith.constant 0 : index
      %get3A_63 = tpu.vector_load %arg10[%get3A_61, %get3A_62] {strides = array<i32>} : memref<16x16xf32, #tpu.memory_space<vmem>>, vector<1x16xf32>,
      %get3A_64 = vector.shape_cast %get3A_63 : vector<1x16xf32> to vector<16xf32>
      %add3A_65 = arith.addf %add3A_59, %get3A_64 : vector<16xf32>
      %get3A_66 = arith.constant 5 : i32
      %get3A_67 = arith.index_cast %get3A_66 : i32 to index
      %get3A_68 = arith.constant 0 : index
      %get3A_69 = tpu.vector_load %arg10[%get3A_67, %get3A_68] {strides = array<i32>} : memref<16x16xf32, #tpu.memory_space<vmem>>, vector<1x16xf32>,
      %get3A_70 = vector.shape_cast %get3A_69 : vector<1x16xf32> to vector<16xf32>
      %add3A_71 = arith.addf %add3A_65, %get3A_70 : vector<16xf32>
      %get3A_72 = arith.constant 6 : i32
      %get3A_73 = arith.index_cast %get3A_72 : i32 to index
      %get3A_74 = arith.constant 0 : index
      %get3A_75 = tpu.vector_load %arg10[%get3A_73, %get3A_74] {strides = array<i32>} : memref<16x16xf32, #tpu.memory_space<vmem>>, vector<1x16xf32>,
      %get3A_76 = vector.shape_cast %get3A_75 : vector<1x16xf32> to vector<16xf32>
      %add3A_77 = arith.addf %add3A_71, %get3A_76 : vector<16xf32>
      %get3A_78 = arith.constant 7 : i32
      %get3A_79 = arith.index_cast %get3A_78 : i32 to index
      %get3A_80 = arith.constant 0 : index
      %get3A_81 = tpu.vector_load %arg10[%get3A_79, %get3A_80] {strides = array<i32>} : memref<16x16xf32, #tpu.memory_space<vmem>>, vector<1x16xf32>,
      %get3A_82 = vector.shape_cast %get3A_81 : vector<1x16xf32> to vector<16xf32>
      %add3A_83 = arith.addf %add3A_77, %get3A_82 : vector<16xf32>
      %get3A_84 = arith.constant 8 : i32
      %get3A_85 = arith.index_cast %get3A_84 : i32 to index
      %get3A_86 = arith.constant 0 : index
      %get3A_87 = tpu.vector_load %arg10[%get3A_85, %get3A_86] {strides = array<i32>} : memref<16x16xf32, #tpu.memory_space<vmem>>, vector<1x16xf32>,
      %get3A_88 = vector.shape_cast %get3A_87 : vector<1x16xf32> to vector<16xf32>
      %add3A_89 = arith.addf %add3A_83, %get3A_88 : vector<16xf32>
      %get3A_90 = arith.constant 9 : i32
      %get3A_91 = arith.index_cast %get3A_90 : i32 to index
      %get3A_92 = arith.constant 0 : index
      %get3A_93 = tpu.vector_load %arg10[%get3A_91, %get3A_92] {strides = array<i32>} : memref<16x16xf32, #tpu.memory_space<vmem>>, vector<1x16xf32>,
      %get3A_94 = vector.shape_cast %get3A_93 : vector<1x16xf32> to vector<16xf32>
      %add3A_95 = arith.addf %add3A_89, %get3A_94 : vector<16xf32>
      %get3A_96 = arith.constant 10 : i32
      %get3A_97 = arith.index_cast %get3A_96 : i32 to index
      %get3A_98 = arith.constant 0 : index
      %get3A_99 = tpu.vector_load %arg10[%get3A_97, %get3A_98] {strides = array<i32>} : memref<16x16xf32, #tpu.memory_space<vmem>>, vector<1x16xf32>,
      %get3A_100 = vector.shape_cast %get3A_99 : vector<1x16xf32> to vector<16xf32>
      %add3A_101 = arith.addf %add3A_95, %get3A_100 : vector<16xf32>
      %get3A_102 = arith.constant 11 : i32
      %get3A_103 = arith.index_cast %get3A_102 : i32 to index
      %get3A_104 = arith.constant 0 : index
      %get3A_105 = tpu.vector_load %arg10[%get3A_103, %get3A_104] {strides = array<i32>} : memref<16x16xf32, #tpu.memory_space<vmem>>, vector<1x16xf32>,
      %get3A_106 = vector.shape_cast %get3A_105 : vector<1x16xf32> to vector<16xf32>
      %add3A_107 = arith.addf %add3A_101, %get3A_106 : vector<16xf32>
      %get3A_108 = arith.constant 12 : i32
      %get3A_109 = arith.index_cast %get3A_108 : i32 to index
      %get3A_110 = arith.constant 0 : index
      %get3A_111 = tpu.vector_load %arg10[%get3A_109, %get3A_110] {strides = array<i32>} : memref<16x16xf32, #tpu.memory_space<vmem>>, vector<1x16xf32>,
      %get3A_112 = vector.shape_cast %get3A_111 : vector<1x16xf32> to vector<16xf32>
      %add3A_113 = arith.addf %add3A_107, %get3A_112 : vector<16xf32>
      %get3A_114 = arith.constant 13 : i32
      %get3A_115 = arith.index_cast %get3A_114 : i32 to index
      %get3A_116 = arith.constant 0 : index
      %get3A_117 = tpu.vector_load %arg10[%get3A_115, %get3A_116] {strides = array<i32>} : memref<16x16xf32, #tpu.memory_space<vmem>>, vector<1x16xf32>,
      %get3A_118 = vector.shape_cast %get3A_117 : vector<1x16xf32> to vector<16xf32>
      %add3A_119 = arith.addf %add3A_113, %get3A_118 : vector<16xf32>
      %get3A_120 = arith.constant 14 : i32
      %get3A_121 = arith.index_cast %get3A_120 : i32 to index
      %get3A_122 = arith.constant 0 : index
      %get3A_123 = tpu.vector_load %arg10[%get3A_121, %get3A_122] {strides = array<i32>} : memref<16x16xf32, #tpu.memory_space<vmem>>, vector<1x16xf32>,
      %get3A_124 = vector.shape_cast %get3A_123 : vector<1x16xf32> to vector<16xf32>
      %add3A_125 = arith.addf %add3A_119, %get3A_124 : vector<16xf32>
      %get3A_126 = arith.constant 15 : i32
      %get3A_127 = arith.index_cast %get3A_126 : i32 to index
      %get3A_128 = arith.constant 0 : index
      %get3A_129 = tpu.vector_load %arg10[%get3A_127, %get3A_128] {strides = array<i32>} : memref<16x16xf32, #tpu.memory_space<vmem>>, vector<1x16xf32>,
      %get3A_130 = vector.shape_cast %get3A_129 : vector<1x16xf32> to vector<16xf32>
      %add3A_131 = arith.addf %add3A_125, %get3A_130 : vector<16xf32>
      %get3A_132 = arith.constant 0 : index
      %get3A_133 = tpu.vector_load %arg8[%get3A_132] {strides = array<i32>} : memref<64xf32, #tpu.memory_space<vmem>>, vector<16xf32>,
      %get3A_134 = vector.shape_cast %get3A_133 : vector<16xf32> to vector<16xf32>
      %add3A_135 = arith.addf %add3A_131, %get3A_134 : vector<16xf32>
      %get3A_136 = arith.constant 16 : index
      %get3A_137 = tpu.vector_load %arg8[%get3A_136] {strides = array<i32>} : memref<64xf32, #tpu.memory_space<vmem>>, vector<16xf32>,
      %get3A_138 = vector.shape_cast %get3A_137 : vector<16xf32> to vector<16xf32>
      %add3A_139 = arith.addf %add3A_135, %get3A_138 : vector<16xf32>
      %get3A_140 = arith.constant 32 : index
      %get3A_141 = tpu.vector_load %arg8[%get3A_140] {strides = array<i32>} : memref<64xf32, #tpu.memory_space<vmem>>, vector<16xf32>,
      %get3A_142 = vector.shape_cast %get3A_141 : vector<16xf32> to vector<16xf32>
      %add3A_143 = arith.addf %add3A_139, %get3A_142 : vector<16xf32>
      %get3A_144 = arith.constant 48 : index
      %get3A_145 = tpu.vector_load %arg8[%get3A_144] {strides = array<i32>} : memref<64xf32, #tpu.memory_space<vmem>>, vector<16xf32>,
      %get3A_146 = vector.shape_cast %get3A_145 : vector<16xf32> to vector<16xf32>
      %add3A_147 = arith.addf %add3A_143, %get3A_146 : vector<16xf32>
      %broadcast_in_dim3A_148 = arith.constant 0 : i32
      %broadcast_in_dim3A_149 = vector.broadcast %broadcast_in_dim3A_148 : i32 to vector<16xi32>
      %reshape3A = vector.shape_cast %broadcast_in_dim3A_149 : vector<16xi32> to vector<16x1xi32>
      %gather3A = vector.shape_cast %reshape3A : vector<16x1xi32> to vector<16xi32>
      %gather3A_150 = tpu.dynamic_gather %add3A_147[%gather3A] in [0] : vector<16xf32>, vector<16xi32> -> vector<16xf32>
      %broadcast_in_dim3A_151 = arith.constant 8 : i32
      %broadcast_in_dim3A_152 = vector.broadcast %broadcast_in_dim3A_151 : i32 to vector<16xi32>
      %reshape3A_153 = vector.shape_cast %broadcast_in_dim3A_152 : vector<16xi32> to vector<16x1xi32>
      %gather3A_154 = vector.shape_cast %reshape3A_153 : vector<16x1xi32> to vector<16xi32>
      %gather3A_155 = tpu.dynamic_gather %add3A_147[%gather3A_154] in [0] : vector<16xf32>, vector<16xi32> -> vector<16xf32>
      %add3A_156 = arith.addf %gather3A_150, %gather3A_155 : vector<16xf32>
      %mul3A_157 = arith.constant 2.000000e-04 : f32
      %mul3A_158 = vector.broadcast %mul3A_157 : f32 to vector<16xf32>
      %mul3A_159 = arith.mulf %add3A_156, %mul3A_158 : vector<16xf32>
      %broadcast_in_dim3A_160 = arith.constant 1 : i32
      %broadcast_in_dim3A_161 = vector.broadcast %broadcast_in_dim3A_160 : i32 to vector<16xi32>
      %reshape3A_162 = vector.shape_cast %broadcast_in_dim3A_161 : vector<16xi32> to vector<16x1xi32>
      %gather3A_163 = vector.shape_cast %reshape3A_162 : vector<16x1xi32> to vector<16xi32>
      %gather3A_164 = tpu.dynamic_gather %add3A_147[%gather3A_163] in [0] : vector<16xf32>, vector<16xi32> -> vector<16xf32>
      %broadcast_in_dim3A_165 = arith.constant 9 : i32
      %broadcast_in_dim3A_166 = vector.broadcast %broadcast_in_dim3A_165 : i32 to vector<16xi32>
      %reshape3A_167 = vector.shape_cast %broadcast_in_dim3A_166 : vector<16xi32> to vector<16x1xi32>
      %gather3A_168 = vector.shape_cast %reshape3A_167 : vector<16x1xi32> to vector<16xi32>
      %gather3A_169 = tpu.dynamic_gather %add3A_147[%gather3A_168] in [0] : vector<16xf32>, vector<16xi32> -> vector<16xf32>
      %add3A_170 = arith.addf %gather3A_164, %gather3A_169 : vector<16xf32>
      %mul3A_171 = arith.constant 2.000000e-04 : f32
      %mul3A_172 = vector.broadcast %mul3A_171 : f32 to vector<16xf32>
      %mul3A_173 = arith.mulf %add3A_170, %mul3A_172 : vector<16xf32>
      %broadcast_in_dim3A_174 = arith.constant 2 : i32
      %broadcast_in_dim3A_175 = vector.broadcast %broadcast_in_dim3A_174 : i32 to vector<16xi32>
      %reshape3A_176 = vector.shape_cast %broadcast_in_dim3A_175 : vector<16xi32> to vector<16x1xi32>
      %gather3A_177 = vector.shape_cast %reshape3A_176 : vector<16x1xi32> to vector<16xi32>
      %gather3A_178 = tpu.dynamic_gather %add3A_147[%gather3A_177] in [0] : vector<16xf32>, vector<16xi32> -> vector<16xf32>
      %broadcast_in_dim3A_179 = arith.constant 10 : i32
      %broadcast_in_dim3A_180 = vector.broadcast %broadcast_in_dim3A_179 : i32 to vector<16xi32>
      %reshape3A_181 = vector.shape_cast %broadcast_in_dim3A_180 : vector<16xi32> to vector<16x1xi32>
      %gather3A_182 = vector.shape_cast %reshape3A_181 : vector<16x1xi32> to vector<16xi32>
      %gather3A_183 = tpu.dynamic_gather %add3A_147[%gather3A_182] in [0] : vector<16xf32>, vector<16xi32> -> vector<16xf32>
      %add3A_184 = arith.addf %gather3A_178, %gather3A_183 : vector<16xf32>
      %mul3A_185 = arith.constant 2.000000e-04 : f32
      %mul3A_186 = vector.broadcast %mul3A_185 : f32 to vector<16xf32>
      %mul3A_187 = arith.mulf %add3A_184, %mul3A_186 : vector<16xf32>
      %broadcast_in_dim3A_188 = arith.constant 3 : i32
      %broadcast_in_dim3A_189 = vector.broadcast %broadcast_in_dim3A_188 : i32 to vector<16xi32>
      %reshape3A_190 = vector.shape_cast %broadcast_in_dim3A_189 : vector<16xi32> to vector<16x1xi32>
      %gather3A_191 = vector.shape_cast %reshape3A_190 : vector<16x1xi32> to vector<16xi32>
      %gather3A_192 = tpu.dynamic_gather %add3A_147[%gather3A_191] in [0] : vector<16xf32>, vector<16xi32> -> vector<16xf32>
      %broadcast_in_dim3A_193 = arith.constant 11 : i32
      %broadcast_in_dim3A_194 = vector.broadcast %broadcast_in_dim3A_193 : i32 to vector<16xi32>
      %reshape3A_195 = vector.shape_cast %broadcast_in_dim3A_194 : vector<16xi32> to vector<16x1xi32>
      %gather3A_196 = vector.shape_cast %reshape3A_195 : vector<16x1xi32> to vector<16xi32>
      %gather3A_197 = tpu.dynamic_gather %add3A_147[%gather3A_196] in [0] : vector<16xf32>, vector<16xi32> -> vector<16xf32>
      %add3A_198 = arith.addf %gather3A_192, %gather3A_197 : vector<16xf32>
      %mul3A_199 = arith.constant 2.000000e-04 : f32
      %mul3A_200 = vector.broadcast %mul3A_199 : f32 to vector<16xf32>
      %mul3A_201 = arith.mulf %add3A_198, %mul3A_200 : vector<16xf32>
      %broadcast_in_dim3A_202 = arith.constant 4 : i32
      %broadcast_in_dim3A_203 = vector.broadcast %broadcast_in_dim3A_202 : i32 to vector<16xi32>
      %reshape3A_204 = vector.shape_cast %broadcast_in_dim3A_203 : vector<16xi32> to vector<16x1xi32>
      %gather3A_205 = vector.shape_cast %reshape3A_204 : vector<16x1xi32> to vector<16xi32>
      %gather3A_206 = tpu.dynamic_gather %add3A_147[%gather3A_205] in [0] : vector<16xf32>, vector<16xi32> -> vector<16xf32>
      %broadcast_in_dim3A_207 = arith.constant 12 : i32
      %broadcast_in_dim3A_208 = vector.broadcast %broadcast_in_dim3A_207 : i32 to vector<16xi32>
      %reshape3A_209 = vector.shape_cast %broadcast_in_dim3A_208 : vector<16xi32> to vector<16x1xi32>
      %gather3A_210 = vector.shape_cast %reshape3A_209 : vector<16x1xi32> to vector<16xi32>
      %gather3A_211 = tpu.dynamic_gather %add3A_147[%gather3A_210] in [0] : vector<16xf32>, vector<16xi32> -> vector<16xf32>
      %add3A_212 = arith.addf %gather3A_206, %gather3A_211 : vector<16xf32>
      %mul3A_213 = arith.constant 2.000000e-04 : f32
      %mul3A_214 = vector.broadcast %mul3A_213 : f32 to vector<16xf32>
      %mul3A_215 = arith.mulf %add3A_212, %mul3A_214 : vector<16xf32>
      %broadcast_in_dim3A_216 = arith.constant 5 : i32
      %broadcast_in_dim3A_217 = vector.broadcast %broadcast_in_dim3A_216 : i32 to vector<16xi32>
      %reshape3A_218 = vector.shape_cast %broadcast_in_dim3A_217 : vector<16xi32> to vector<16x1xi32>
      %gather3A_219 = vector.shape_cast %reshape3A_218 : vector<16x1xi32> to vector<16xi32>
      %gather3A_220 = tpu.dynamic_gather %add3A_147[%gather3A_219] in [0] : vector<16xf32>, vector<16xi32> -> vector<16xf32>
      %broadcast_in_dim3A_221 = arith.constant 13 : i32
      %broadcast_in_dim3A_222 = vector.broadcast %broadcast_in_dim3A_221 : i32 to vector<16xi32>
      %reshape3A_223 = vector.shape_cast %broadcast_in_dim3A_222 : vector<16xi32> to vector<16x1xi32>
      %gather3A_224 = vector.shape_cast %reshape3A_223 : vector<16x1xi32> to vector<16xi32>
      %gather3A_225 = tpu.dynamic_gather %add3A_147[%gather3A_224] in [0] : vector<16xf32>, vector<16xi32> -> vector<16xf32>
      %add3A_226 = arith.addf %gather3A_220, %gather3A_225 : vector<16xf32>
      %mul3A_227 = arith.constant 2.000000e-04 : f32
      %mul3A_228 = vector.broadcast %mul3A_227 : f32 to vector<16xf32>
      %mul3A_229 = arith.mulf %add3A_226, %mul3A_228 : vector<16xf32>
      %broadcast_in_dim3A_230 = arith.constant 6 : i32
      %broadcast_in_dim3A_231 = vector.broadcast %broadcast_in_dim3A_230 : i32 to vector<16xi32>
      %reshape3A_232 = vector.shape_cast %broadcast_in_dim3A_231 : vector<16xi32> to vector<16x1xi32>
      %gather3A_233 = vector.shape_cast %reshape3A_232 : vector<16x1xi32> to vector<16xi32>
      %gather3A_234 = tpu.dynamic_gather %add3A_147[%gather3A_233] in [0] : vector<16xf32>, vector<16xi32> -> vector<16xf32>
      %broadcast_in_dim3A_235 = arith.constant 14 : i32
      %broadcast_in_dim3A_236 = vector.broadcast %broadcast_in_dim3A_235 : i32 to vector<16xi32>
      %reshape3A_237 = vector.shape_cast %broadcast_in_dim3A_236 : vector<16xi32> to vector<16x1xi32>
      %gather3A_238 = vector.shape_cast %reshape3A_237 : vector<16x1xi32> to vector<16xi32>
      %gather3A_239 = tpu.dynamic_gather %add3A_147[%gather3A_238] in [0] : vector<16xf32>, vector<16xi32> -> vector<16xf32>
      %add3A_240 = arith.addf %gather3A_234, %gather3A_239 : vector<16xf32>
      %mul3A_241 = arith.constant 2.000000e-04 : f32
      %mul3A_242 = vector.broadcast %mul3A_241 : f32 to vector<16xf32>
      %mul3A_243 = arith.mulf %add3A_240, %mul3A_242 : vector<16xf32>
      %broadcast_in_dim3A_244 = arith.constant 7 : i32
      %broadcast_in_dim3A_245 = vector.broadcast %broadcast_in_dim3A_244 : i32 to vector<16xi32>
      %reshape3A_246 = vector.shape_cast %broadcast_in_dim3A_245 : vector<16xi32> to vector<16x1xi32>
      %gather3A_247 = vector.shape_cast %reshape3A_246 : vector<16x1xi32> to vector<16xi32>
      %gather3A_248 = tpu.dynamic_gather %add3A_147[%gather3A_247] in [0] : vector<16xf32>, vector<16xi32> -> vector<16xf32>
      %broadcast_in_dim3A_249 = arith.constant 15 : i32
      %broadcast_in_dim3A_250 = vector.broadcast %broadcast_in_dim3A_249 : i32 to vector<16xi32>
      %reshape3A_251 = vector.shape_cast %broadcast_in_dim3A_250 : vector<16xi32> to vector<16x1xi32>
      %gather3A_252 = vector.shape_cast %reshape3A_251 : vector<16x1xi32> to vector<16xi32>
      %gather3A_253 = tpu.dynamic_gather %add3A_147[%gather3A_252] in [0] : vector<16xf32>, vector<16xi32> -> vector<16xf32>
      %add3A_254 = arith.addf %gather3A_248, %gather3A_253 : vector<16xf32>
      %mul3A_255 = arith.constant 2.000000e-04 : f32
      %mul3A_256 = vector.broadcast %mul3A_255 : f32 to vector<16xf32>
      %mul3A_257 = arith.mulf %add3A_254, %mul3A_256 : vector<16xf32>
      %get3A_258 = arith.constant 0 : index
      %get3A_259 = tpu.vector_load %arg11[%get3A_258] {strides = array<i32>} : memref<160xf32, #tpu.memory_space<vmem>>, vector<16xf32>,
      %get3A_260 = vector.shape_cast %get3A_259 : vector<16xf32> to vector<16xf32>
      %get3A_261 = arith.constant 16 : index
      %get3A_262 = tpu.vector_load %arg11[%get3A_261] {strides = array<i32>} : memref<160xf32, #tpu.memory_space<vmem>>, vector<16xf32>,
      %get3A_263 = vector.shape_cast %get3A_262 : vector<16xf32> to vector<16xf32>
      %get3A_264 = arith.constant 0 : i32
      %get3A_265 = arith.index_cast %get3A_264 : i32 to index
      %get3A_266 = arith.constant 0 : index
      %get3A_267 = tpu.vector_load %arg12[%get3A_265, %get3A_266] {strides = array<i32>} : memref<8x32xf32, #tpu.memory_space<vmem>>, vector<1x16xf32>,
      %get3A_268 = vector.shape_cast %get3A_267 : vector<1x16xf32> to vector<16xf32>
      %mul3A_269 = arith.mulf %mul3A_159, %get3A_268 : vector<16xf32>
      %add3A_270 = arith.addf %get3A_260, %mul3A_269 : vector<16xf32>
      %get3A_271 = arith.constant 0 : i32
      %get3A_272 = arith.index_cast %get3A_271 : i32 to index
      %get3A_273 = arith.constant 16 : index
      %get3A_274 = tpu.vector_load %arg12[%get3A_272, %get3A_273] {strides = array<i32>} : memref<8x32xf32, #tpu.memory_space<vmem>>, vector<1x16xf32>,
      %get3A_275 = vector.shape_cast %get3A_274 : vector<1x16xf32> to vector<16xf32>
      %mul3A_276 = arith.mulf %mul3A_159, %get3A_275 : vector<16xf32>
      %add3A_277 = arith.addf %get3A_263, %mul3A_276 : vector<16xf32>
      %get3A_278 = arith.constant 1 : i32
      %get3A_279 = arith.index_cast %get3A_278 : i32 to index
      %get3A_280 = arith.constant 0 : index
      %get3A_281 = tpu.vector_load %arg12[%get3A_279, %get3A_280] {strides = array<i32>} : memref<8x32xf32, #tpu.memory_space<vmem>>, vector<1x16xf32>,
      %get3A_282 = vector.shape_cast %get3A_281 : vector<1x16xf32> to vector<16xf32>
      %mul3A_283 = arith.mulf %mul3A_173, %get3A_282 : vector<16xf32>
      %add3A_284 = arith.addf %add3A_270, %mul3A_283 : vector<16xf32>
      %get3A_285 = arith.constant 1 : i32
      %get3A_286 = arith.index_cast %get3A_285 : i32 to index
      %get3A_287 = arith.constant 16 : index
      %get3A_288 = tpu.vector_load %arg12[%get3A_286, %get3A_287] {strides = array<i32>} : memref<8x32xf32, #tpu.memory_space<vmem>>, vector<1x16xf32>,
      %get3A_289 = vector.shape_cast %get3A_288 : vector<1x16xf32> to vector<16xf32>
      %mul3A_290 = arith.mulf %mul3A_173, %get3A_289 : vector<16xf32>
      %add3A_291 = arith.addf %add3A_277, %mul3A_290 : vector<16xf32>
      %get3A_292 = arith.constant 2 : i32
      %get3A_293 = arith.index_cast %get3A_292 : i32 to index
      %get3A_294 = arith.constant 0 : index
      %get3A_295 = tpu.vector_load %arg12[%get3A_293, %get3A_294] {strides = array<i32>} : memref<8x32xf32, #tpu.memory_space<vmem>>, vector<1x16xf32>,
      %get3A_296 = vector.shape_cast %get3A_295 : vector<1x16xf32> to vector<16xf32>
      %mul3A_297 = arith.mulf %mul3A_187, %get3A_296 : vector<16xf32>
      %add3A_298 = arith.addf %add3A_284, %mul3A_297 : vector<16xf32>
      %get3A_299 = arith.constant 2 : i32
      %get3A_300 = arith.index_cast %get3A_299 : i32 to index
      %get3A_301 = arith.constant 16 : index
      %get3A_302 = tpu.vector_load %arg12[%get3A_300, %get3A_301] {strides = array<i32>} : memref<8x32xf32, #tpu.memory_space<vmem>>, vector<1x16xf32>,
      %get3A_303 = vector.shape_cast %get3A_302 : vector<1x16xf32> to vector<16xf32>
      %mul3A_304 = arith.mulf %mul3A_187, %get3A_303 : vector<16xf32>
      %add3A_305 = arith.addf %add3A_291, %mul3A_304 : vector<16xf32>
      %get3A_306 = arith.constant 3 : i32
      %get3A_307 = arith.index_cast %get3A_306 : i32 to index
      %get3A_308 = arith.constant 0 : index
      %get3A_309 = tpu.vector_load %arg12[%get3A_307, %get3A_308] {strides = array<i32>} : memref<8x32xf32, #tpu.memory_space<vmem>>, vector<1x16xf32>,
      %get3A_310 = vector.shape_cast %get3A_309 : vector<1x16xf32> to vector<16xf32>
      %mul3A_311 = arith.mulf %mul3A_201, %get3A_310 : vector<16xf32>
      %add3A_312 = arith.addf %add3A_298, %mul3A_311 : vector<16xf32>
      %get3A_313 = arith.constant 3 : i32
      %get3A_314 = arith.index_cast %get3A_313 : i32 to index
      %get3A_315 = arith.constant 16 : index
      %get3A_316 = tpu.vector_load %arg12[%get3A_314, %get3A_315] {strides = array<i32>} : memref<8x32xf32, #tpu.memory_space<vmem>>, vector<1x16xf32>,
      %get3A_317 = vector.shape_cast %get3A_316 : vector<1x16xf32> to vector<16xf32>
      %mul3A_318 = arith.mulf %mul3A_201, %get3A_317 : vector<16xf32>
      %add3A_319 = arith.addf %add3A_305, %mul3A_318 : vector<16xf32>
      %get3A_320 = arith.constant 4 : i32
      %get3A_321 = arith.index_cast %get3A_320 : i32 to index
      %get3A_322 = arith.constant 0 : index
      %get3A_323 = tpu.vector_load %arg12[%get3A_321, %get3A_322] {strides = array<i32>} : memref<8x32xf32, #tpu.memory_space<vmem>>, vector<1x16xf32>,
      %get3A_324 = vector.shape_cast %get3A_323 : vector<1x16xf32> to vector<16xf32>
      %mul3A_325 = arith.mulf %mul3A_215, %get3A_324 : vector<16xf32>
      %add3A_326 = arith.addf %add3A_312, %mul3A_325 : vector<16xf32>
      %get3A_327 = arith.constant 4 : i32
      %get3A_328 = arith.index_cast %get3A_327 : i32 to index
      %get3A_329 = arith.constant 16 : index
      %get3A_330 = tpu.vector_load %arg12[%get3A_328, %get3A_329] {strides = array<i32>} : memref<8x32xf32, #tpu.memory_space<vmem>>, vector<1x16xf32>,
      %get3A_331 = vector.shape_cast %get3A_330 : vector<1x16xf32> to vector<16xf32>
      %mul3A_332 = arith.mulf %mul3A_215, %get3A_331 : vector<16xf32>
      %add3A_333 = arith.addf %add3A_319, %mul3A_332 : vector<16xf32>
      %get3A_334 = arith.constant 5 : i32
      %get3A_335 = arith.index_cast %get3A_334 : i32 to index
      %get3A_336 = arith.constant 0 : index
      %get3A_337 = tpu.vector_load %arg12[%get3A_335, %get3A_336] {strides = array<i32>} : memref<8x32xf32, #tpu.memory_space<vmem>>, vector<1x16xf32>,
      %get3A_338 = vector.shape_cast %get3A_337 : vector<1x16xf32> to vector<16xf32>
      %mul3A_339 = arith.mulf %mul3A_229, %get3A_338 : vector<16xf32>
      %add3A_340 = arith.addf %add3A_326, %mul3A_339 : vector<16xf32>
      %get3A_341 = arith.constant 5 : i32
      %get3A_342 = arith.index_cast %get3A_341 : i32 to index
      %get3A_343 = arith.constant 16 : index
      %get3A_344 = tpu.vector_load %arg12[%get3A_342, %get3A_343] {strides = array<i32>} : memref<8x32xf32, #tpu.memory_space<vmem>>, vector<1x16xf32>,
      %get3A_345 = vector.shape_cast %get3A_344 : vector<1x16xf32> to vector<16xf32>
      %mul3A_346 = arith.mulf %mul3A_229, %get3A_345 : vector<16xf32>
      %add3A_347 = arith.addf %add3A_333, %mul3A_346 : vector<16xf32>
      %get3A_348 = arith.constant 6 : i32
      %get3A_349 = arith.index_cast %get3A_348 : i32 to index
      %get3A_350 = arith.constant 0 : index
      %get3A_351 = tpu.vector_load %arg12[%get3A_349, %get3A_350] {strides = array<i32>} : memref<8x32xf32, #tpu.memory_space<vmem>>, vector<1x16xf32>,
      %get3A_352 = vector.shape_cast %get3A_351 : vector<1x16xf32> to vector<16xf32>
      %mul3A_353 = arith.mulf %mul3A_243, %get3A_352 : vector<16xf32>
      %add3A_354 = arith.addf %add3A_340, %mul3A_353 : vector<16xf32>
      %get3A_355 = arith.constant 6 : i32
      %get3A_356 = arith.index_cast %get3A_355 : i32 to index
      %get3A_357 = arith.constant 16 : index
      %get3A_358 = tpu.vector_load %arg12[%get3A_356, %get3A_357] {strides = array<i32>} : memref<8x32xf32, #tpu.memory_space<vmem>>, vector<1x16xf32>,
      %get3A_359 = vector.shape_cast %get3A_358 : vector<1x16xf32> to vector<16xf32>
      %mul3A_360 = arith.mulf %mul3A_243, %get3A_359 : vector<16xf32>
      %add3A_361 = arith.addf %add3A_347, %mul3A_360 : vector<16xf32>
      %get3A_362 = arith.constant 7 : i32
      %get3A_363 = arith.index_cast %get3A_362 : i32 to index
      %get3A_364 = arith.constant 0 : index
      %get3A_365 = tpu.vector_load %arg12[%get3A_363, %get3A_364] {strides = array<i32>} : memref<8x32xf32, #tpu.memory_space<vmem>>, vector<1x16xf32>,
      %get3A_366 = vector.shape_cast %get3A_365 : vector<1x16xf32> to vector<16xf32>
      %mul3A_367 = arith.mulf %mul3A_257, %get3A_366 : vector<16xf32>
      %add3A_368 = arith.addf %add3A_354, %mul3A_367 : vector<16xf32>
      %get3A_369 = arith.constant 7 : i32
      %get3A_370 = arith.index_cast %get3A_369 : i32 to index
      %get3A_371 = arith.constant 16 : index
      %get3A_372 = tpu.vector_load %arg12[%get3A_370, %get3A_371] {strides = array<i32>} : memref<8x32xf32, #tpu.memory_space<vmem>>, vector<1x16xf32>,
      %get3A_373 = vector.shape_cast %get3A_372 : vector<1x16xf32> to vector<16xf32>
      %mul3A_374 = arith.mulf %mul3A_257, %get3A_373 : vector<16xf32>
      %add3A_375 = arith.addf %add3A_361, %mul3A_374 : vector<16xf32>
      %get3A_376 = arith.constant 32 : index
      %get3A_377 = tpu.vector_load %arg11[%get3A_376] {strides = array<i32>} : memref<160xf32, #tpu.memory_space<vmem>>, vector<16xf32>,
      %get3A_378 = vector.shape_cast %get3A_377 : vector<16xf32> to vector<16xf32>
      %get3A_379 = arith.constant 48 : index
      %get3A_380 = tpu.vector_load %arg11[%get3A_379] {strides = array<i32>} : memref<160xf32, #tpu.memory_space<vmem>>, vector<16xf32>,
      %get3A_381 = vector.shape_cast %get3A_380 : vector<16xf32> to vector<16xf32>
      %broadcast_in_dim3A_382 = arith.constant 0 : i32
      %broadcast_in_dim3A_383 = vector.broadcast %broadcast_in_dim3A_382 : i32 to vector<16xi32>
      %reshape3A_384 = vector.shape_cast %broadcast_in_dim3A_383 : vector<16xi32> to vector<16x1xi32>
      %gather3A_385 = vector.shape_cast %reshape3A_384 : vector<16x1xi32> to vector<16xi32>
      %gather3A_386 = tpu.dynamic_gather %add3A_368[%gather3A_385] in [0] : vector<16xf32>, vector<16xi32> -> vector<16xf32>
      %get3A_387 = arith.constant 0 : i32
      %get3A_388 = arith.index_cast %get3A_387 : i32 to index
      %get3A_389 = arith.constant 0 : index
      %get3A_390 = tpu.vector_load %arg13[%get3A_388, %get3A_389] {strides = array<i32>} : memref<32x32xf32, #tpu.memory_space<vmem>>, vector<1x16xf32>,
      %get3A_391 = vector.shape_cast %get3A_390 : vector<1x16xf32> to vector<16xf32>
      %mul3A_392 = arith.mulf %gather3A_386, %get3A_391 : vector<16xf32>
      %add3A_393 = arith.addf %get3A_378, %mul3A_392 : vector<16xf32>
      %get3A_394 = arith.constant 0 : i32
      %get3A_395 = arith.index_cast %get3A_394 : i32 to index
      %get3A_396 = arith.constant 16 : index
      %get3A_397 = tpu.vector_load %arg13[%get3A_395, %get3A_396] {strides = array<i32>} : memref<32x32xf32, #tpu.memory_space<vmem>>, vector<1x16xf32>,
      %get3A_398 = vector.shape_cast %get3A_397 : vector<1x16xf32> to vector<16xf32>
      %mul3A_399 = arith.mulf %gather3A_386, %get3A_398 : vector<16xf32>
      %add3A_400 = arith.addf %get3A_381, %mul3A_399 : vector<16xf32>
      %broadcast_in_dim3A_401 = arith.constant 1 : i32
      %broadcast_in_dim3A_402 = vector.broadcast %broadcast_in_dim3A_401 : i32 to vector<16xi32>
      %reshape3A_403 = vector.shape_cast %broadcast_in_dim3A_402 : vector<16xi32> to vector<16x1xi32>
      %gather3A_404 = vector.shape_cast %reshape3A_403 : vector<16x1xi32> to vector<16xi32>
      %gather3A_405 = tpu.dynamic_gather %add3A_368[%gather3A_404] in [0] : vector<16xf32>, vector<16xi32> -> vector<16xf32>
      %get3A_406 = arith.constant 1 : i32
      %get3A_407 = arith.index_cast %get3A_406 : i32 to index
      %get3A_408 = arith.constant 0 : index
      %get3A_409 = tpu.vector_load %arg13[%get3A_407, %get3A_408] {strides = array<i32>} : memref<32x32xf32, #tpu.memory_space<vmem>>, vector<1x16xf32>,
      %get3A_410 = vector.shape_cast %get3A_409 : vector<1x16xf32> to vector<16xf32>
      %mul3A_411 = arith.mulf %gather3A_405, %get3A_410 : vector<16xf32>
      %add3A_412 = arith.addf %add3A_393, %mul3A_411 : vector<16xf32>
      %get3A_413 = arith.constant 1 : i32
      %get3A_414 = arith.index_cast %get3A_413 : i32 to index
      %get3A_415 = arith.constant 16 : index
      %get3A_416 = tpu.vector_load %arg13[%get3A_414, %get3A_415] {strides = array<i32>} : memref<32x32xf32, #tpu.memory_space<vmem>>, vector<1x16xf32>,
      %get3A_417 = vector.shape_cast %get3A_416 : vector<1x16xf32> to vector<16xf32>
      %mul3A_418 = arith.mulf %gather3A_405, %get3A_417 : vector<16xf32>
      %add3A_419 = arith.addf %add3A_400, %mul3A_418 : vector<16xf32>
      %broadcast_in_dim3A_420 = arith.constant 2 : i32
      %broadcast_in_dim3A_421 = vector.broadcast %broadcast_in_dim3A_420 : i32 to vector<16xi32>
      %reshape3A_422 = vector.shape_cast %broadcast_in_dim3A_421 : vector<16xi32> to vector<16x1xi32>
      %gather3A_423 = vector.shape_cast %reshape3A_422 : vector<16x1xi32> to vector<16xi32>
      %gather3A_424 = tpu.dynamic_gather %add3A_368[%gather3A_423] in [0] : vector<16xf32>, vector<16xi32> -> vector<16xf32>
      %get3A_425 = arith.constant 2 : i32
      %get3A_426 = arith.index_cast %get3A_425 : i32 to index
      %get3A_427 = arith.constant 0 : index
      %get3A_428 = tpu.vector_load %arg13[%get3A_426, %get3A_427] {strides = array<i32>} : memref<32x32xf32, #tpu.memory_space<vmem>>, vector<1x16xf32>,
      %get3A_429 = vector.shape_cast %get3A_428 : vector<1x16xf32> to vector<16xf32>
      %mul3A_430 = arith.mulf %gather3A_424, %get3A_429 : vector<16xf32>
      %add3A_431 = arith.addf %add3A_412, %mul3A_430 : vector<16xf32>
      %get3A_432 = arith.constant 2 : i32
      %get3A_433 = arith.index_cast %get3A_432 : i32 to index
      %get3A_434 = arith.constant 16 : index
      %get3A_435 = tpu.vector_load %arg13[%get3A_433, %get3A_434] {strides = array<i32>} : memref<32x32xf32, #tpu.memory_space<vmem>>, vector<1x16xf32>,
      %get3A_436 = vector.shape_cast %get3A_435 : vector<1x16xf32> to vector<16xf32>
      %mul3A_437 = arith.mulf %gather3A_424, %get3A_436 : vector<16xf32>
      %add3A_438 = arith.addf %add3A_419, %mul3A_437 : vector<16xf32>
      %broadcast_in_dim3A_439 = arith.constant 3 : i32
      %broadcast_in_dim3A_440 = vector.broadcast %broadcast_in_dim3A_439 : i32 to vector<16xi32>
      %reshape3A_441 = vector.shape_cast %broadcast_in_dim3A_440 : vector<16xi32> to vector<16x1xi32>
      %gather3A_442 = vector.shape_cast %reshape3A_441 : vector<16x1xi32> to vector<16xi32>
      %gather3A_443 = tpu.dynamic_gather %add3A_368[%gather3A_442] in [0] : vector<16xf32>, vector<16xi32> -> vector<16xf32>
      %get3A_444 = arith.constant 3 : i32
      %get3A_445 = arith.index_cast %get3A_444 : i32 to index
      %get3A_446 = arith.constant 0 : index
      %get3A_447 = tpu.vector_load %arg13[%get3A_445, %get3A_446] {strides = array<i32>} : memref<32x32xf32, #tpu.memory_space<vmem>>, vector<1x16xf32>,
      %get3A_448 = vector.shape_cast %get3A_447 : vector<1x16xf32> to vector<16xf32>
      %mul3A_449 = arith.mulf %gather3A_443, %get3A_448 : vector<16xf32>
      %add3A_450 = arith.addf %add3A_431, %mul3A_449 : vector<16xf32>
      %get3A_451 = arith.constant 3 : i32
      %get3A_452 = arith.index_cast %get3A_451 : i32 to index
      %get3A_453 = arith.constant 16 : index
      %get3A_454 = tpu.vector_load %arg13[%get3A_452, %get3A_453] {strides = array<i32>} : memref<32x32xf32, #tpu.memory_space<vmem>>, vector<1x16xf32>,
      %get3A_455 = vector.shape_cast %get3A_454 : vector<1x16xf32> to vector<16xf32>
      %mul3A_456 = arith.mulf %gather3A_443, %get3A_455 : vector<16xf32>
      %add3A_457 = arith.addf %add3A_438, %mul3A_456 : vector<16xf32>
      %broadcast_in_dim3A_458 = arith.constant 4 : i32
      %broadcast_in_dim3A_459 = vector.broadcast %broadcast_in_dim3A_458 : i32 to vector<16xi32>
      %reshape3A_460 = vector.shape_cast %broadcast_in_dim3A_459 : vector<16xi32> to vector<16x1xi32>
      %gather3A_461 = vector.shape_cast %reshape3A_460 : vector<16x1xi32> to vector<16xi32>
      %gather3A_462 = tpu.dynamic_gather %add3A_368[%gather3A_461] in [0] : vector<16xf32>, vector<16xi32> -> vector<16xf32>
      %get3A_463 = arith.constant 4 : i32
      %get3A_464 = arith.index_cast %get3A_463 : i32 to index
      %get3A_465 = arith.constant 0 : index
      %get3A_466 = tpu.vector_load %arg13[%get3A_464, %get3A_465] {strides = array<i32>} : memref<32x32xf32, #tpu.memory_space<vmem>>, vector<1x16xf32>,
      %get3A_467 = vector.shape_cast %get3A_466 : vector<1x16xf32> to vector<16xf32>
      %mul3A_468 = arith.mulf %gather3A_462, %get3A_467 : vector<16xf32>
      %add3A_469 = arith.addf %add3A_450, %mul3A_468 : vector<16xf32>
      %get3A_470 = arith.constant 4 : i32
      %get3A_471 = arith.index_cast %get3A_470 : i32 to index
      %get3A_472 = arith.constant 16 : index
      %get3A_473 = tpu.vector_load %arg13[%get3A_471, %get3A_472] {strides = array<i32>} : memref<32x32xf32, #tpu.memory_space<vmem>>, vector<1x16xf32>,
      %get3A_474 = vector.shape_cast %get3A_473 : vector<1x16xf32> to vector<16xf32>
      %mul3A_475 = arith.mulf %gather3A_462, %get3A_474 : vector<16xf32>
      %add3A_476 = arith.addf %add3A_457, %mul3A_475 : vector<16xf32>
      %broadcast_in_dim3A_477 = arith.constant 5 : i32
      %broadcast_in_dim3A_478 = vector.broadcast %broadcast_in_dim3A_477 : i32 to vector<16xi32>
      %reshape3A_479 = vector.shape_cast %broadcast_in_dim3A_478 : vector<16xi32> to vector<16x1xi32>
      %gather3A_480 = vector.shape_cast %reshape3A_479 : vector<16x1xi32> to vector<16xi32>
      %gather3A_481 = tpu.dynamic_gather %add3A_368[%gather3A_480] in [0] : vector<16xf32>, vector<16xi32> -> vector<16xf32>
      %get3A_482 = arith.constant 5 : i32
      %get3A_483 = arith.index_cast %get3A_482 : i32 to index
      %get3A_484 = arith.constant 0 : index
      %get3A_485 = tpu.vector_load %arg13[%get3A_483, %get3A_484] {strides = array<i32>} : memref<32x32xf32, #tpu.memory_space<vmem>>, vector<1x16xf32>,
      %get3A_486 = vector.shape_cast %get3A_485 : vector<1x16xf32> to vector<16xf32>
      %mul3A_487 = arith.mulf %gather3A_481, %get3A_486 : vector<16xf32>
      %add3A_488 = arith.addf %add3A_469, %mul3A_487 : vector<16xf32>
      %get3A_489 = arith.constant 5 : i32
      %get3A_490 = arith.index_cast %get3A_489 : i32 to index
      %get3A_491 = arith.constant 16 : index
      %get3A_492 = tpu.vector_load %arg13[%get3A_490, %get3A_491] {strides = array<i32>} : memref<32x32xf32, #tpu.memory_space<vmem>>, vector<1x16xf32>,
      %get3A_493 = vector.shape_cast %get3A_492 : vector<1x16xf32> to vector<16xf32>
      %mul3A_494 = arith.mulf %gather3A_481, %get3A_493 : vector<16xf32>
      %add3A_495 = arith.addf %add3A_476, %mul3A_494 : vector<16xf32>
      %broadcast_in_dim3A_496 = arith.constant 6 : i32
      %broadcast_in_dim3A_497 = vector.broadcast %broadcast_in_dim3A_496 : i32 to vector<16xi32>
      %reshape3A_498 = vector.shape_cast %broadcast_in_dim3A_497 : vector<16xi32> to vector<16x1xi32>
      %gather3A_499 = vector.shape_cast %reshape3A_498 : vector<16x1xi32> to vector<16xi32>
      %gather3A_500 = tpu.dynamic_gather %add3A_368[%gather3A_499] in [0] : vector<16xf32>, vector<16xi32> -> vector<16xf32>
      %get3A_501 = arith.constant 6 : i32
      %get3A_502 = arith.index_cast %get3A_501 : i32 to index
      %get3A_503 = arith.constant 0 : index
      %get3A_504 = tpu.vector_load %arg13[%get3A_502, %get3A_503] {strides = array<i32>} : memref<32x32xf32, #tpu.memory_space<vmem>>, vector<1x16xf32>,
      %get3A_505 = vector.shape_cast %get3A_504 : vector<1x16xf32> to vector<16xf32>
      %mul3A_506 = arith.mulf %gather3A_500, %get3A_505 : vector<16xf32>
      %add3A_507 = arith.addf %add3A_488, %mul3A_506 : vector<16xf32>
      %get3A_508 = arith.constant 6 : i32
      %get3A_509 = arith.index_cast %get3A_508 : i32 to index
      %get3A_510 = arith.constant 16 : index
      %get3A_511 = tpu.vector_load %arg13[%get3A_509, %get3A_510] {strides = array<i32>} : memref<32x32xf32, #tpu.memory_space<vmem>>, vector<1x16xf32>,
      %get3A_512 = vector.shape_cast %get3A_511 : vector<1x16xf32> to vector<16xf32>
      %mul3A_513 = arith.mulf %gather3A_500, %get3A_512 : vector<16xf32>
      %add3A_514 = arith.addf %add3A_495, %mul3A_513 : vector<16xf32>
      %broadcast_in_dim3A_515 = arith.constant 7 : i32
      %broadcast_in_dim3A_516 = vector.broadcast %broadcast_in_dim3A_515 : i32 to vector<16xi32>
      %reshape3A_517 = vector.shape_cast %broadcast_in_dim3A_516 : vector<16xi32> to vector<16x1xi32>
      %gather3A_518 = vector.shape_cast %reshape3A_517 : vector<16x1xi32> to vector<16xi32>
      %gather3A_519 = tpu.dynamic_gather %add3A_368[%gather3A_518] in [0] : vector<16xf32>, vector<16xi32> -> vector<16xf32>
      %get3A_520 = arith.constant 7 : i32
      %get3A_521 = arith.index_cast %get3A_520 : i32 to index
      %get3A_522 = arith.constant 0 : index
      %get3A_523 = tpu.vector_load %arg13[%get3A_521, %get3A_522] {strides = array<i32>} : memref<32x32xf32, #tpu.memory_space<vmem>>, vector<1x16xf32>,
      %get3A_524 = vector.shape_cast %get3A_523 : vector<1x16xf32> to vector<16xf32>
      %mul3A_525 = arith.mulf %gather3A_519, %get3A_524 : vector<16xf32>
      %add3A_526 = arith.addf %add3A_507, %mul3A_525 : vector<16xf32>
      %get3A_527 = arith.constant 7 : i32
      %get3A_528 = arith.index_cast %get3A_527 : i32 to index
      %get3A_529 = arith.constant 16 : index
      %get3A_530 = tpu.vector_load %arg13[%get3A_528, %get3A_529] {strides = array<i32>} : memref<32x32xf32, #tpu.memory_space<vmem>>, vector<1x16xf32>,
      %get3A_531 = vector.shape_cast %get3A_530 : vector<1x16xf32> to vector<16xf32>
      %mul3A_532 = arith.mulf %gather3A_519, %get3A_531 : vector<16xf32>
      %add3A_533 = arith.addf %add3A_514, %mul3A_532 : vector<16xf32>
      %broadcast_in_dim3A_534 = arith.constant 8 : i32
      %broadcast_in_dim3A_535 = vector.broadcast %broadcast_in_dim3A_534 : i32 to vector<16xi32>
      %reshape3A_536 = vector.shape_cast %broadcast_in_dim3A_535 : vector<16xi32> to vector<16x1xi32>
      %gather3A_537 = vector.shape_cast %reshape3A_536 : vector<16x1xi32> to vector<16xi32>
      %gather3A_538 = tpu.dynamic_gather %add3A_368[%gather3A_537] in [0] : vector<16xf32>, vector<16xi32> -> vector<16xf32>
      %get3A_539 = arith.constant 8 : i32
      %get3A_540 = arith.index_cast %get3A_539 : i32 to index
      %get3A_541 = arith.constant 0 : index
      %get3A_542 = tpu.vector_load %arg13[%get3A_540, %get3A_541] {strides = array<i32>} : memref<32x32xf32, #tpu.memory_space<vmem>>, vector<1x16xf32>,
      %get3A_543 = vector.shape_cast %get3A_542 : vector<1x16xf32> to vector<16xf32>
      %mul3A_544 = arith.mulf %gather3A_538, %get3A_543 : vector<16xf32>
      %add3A_545 = arith.addf %add3A_526, %mul3A_544 : vector<16xf32>
      %get3A_546 = arith.constant 8 : i32
      %get3A_547 = arith.index_cast %get3A_546 : i32 to index
      %get3A_548 = arith.constant 16 : index
      %get3A_549 = tpu.vector_load %arg13[%get3A_547, %get3A_548] {strides = array<i32>} : memref<32x32xf32, #tpu.memory_space<vmem>>, vector<1x16xf32>,
      %get3A_550 = vector.shape_cast %get3A_549 : vector<1x16xf32> to vector<16xf32>
      %mul3A_551 = arith.mulf %gather3A_538, %get3A_550 : vector<16xf32>
      %add3A_552 = arith.addf %add3A_533, %mul3A_551 : vector<16xf32>
      %broadcast_in_dim3A_553 = arith.constant 9 : i32
      %broadcast_in_dim3A_554 = vector.broadcast %broadcast_in_dim3A_553 : i32 to vector<16xi32>
      %reshape3A_555 = vector.shape_cast %broadcast_in_dim3A_554 : vector<16xi32> to vector<16x1xi32>
      %gather3A_556 = vector.shape_cast %reshape3A_555 : vector<16x1xi32> to vector<16xi32>
      %gather3A_557 = tpu.dynamic_gather %add3A_368[%gather3A_556] in [0] : vector<16xf32>, vector<16xi32> -> vector<16xf32>
      %get3A_558 = arith.constant 9 : i32
      %get3A_559 = arith.index_cast %get3A_558 : i32 to index
      %get3A_560 = arith.constant 0 : index
      %get3A_561 = tpu.vector_load %arg13[%get3A_559, %get3A_560] {strides = array<i32>} : memref<32x32xf32, #tpu.memory_space<vmem>>, vector<1x16xf32>,
      %get3A_562 = vector.shape_cast %get3A_561 : vector<1x16xf32> to vector<16xf32>
      %mul3A_563 = arith.mulf %gather3A_557, %get3A_562 : vector<16xf32>
      %add3A_564 = arith.addf %add3A_545, %mul3A_563 : vector<16xf32>
      %get3A_565 = arith.constant 9 : i32
      %get3A_566 = arith.index_cast %get3A_565 : i32 to index
      %get3A_567 = arith.constant 16 : index
      %get3A_568 = tpu.vector_load %arg13[%get3A_566, %get3A_567] {strides = array<i32>} : memref<32x32xf32, #tpu.memory_space<vmem>>, vector<1x16xf32>,
      %get3A_569 = vector.shape_cast %get3A_568 : vector<1x16xf32> to vector<16xf32>
      %mul3A_570 = arith.mulf %gather3A_557, %get3A_569 : vector<16xf32>
      %add3A_571 = arith.addf %add3A_552, %mul3A_570 : vector<16xf32>
      %broadcast_in_dim3A_572 = arith.constant 10 : i32
      %broadcast_in_dim3A_573 = vector.broadcast %broadcast_in_dim3A_572 : i32 to vector<16xi32>
      %reshape3A_574 = vector.shape_cast %broadcast_in_dim3A_573 : vector<16xi32> to vector<16x1xi32>
      %gather3A_575 = vector.shape_cast %reshape3A_574 : vector<16x1xi32> to vector<16xi32>
      %gather3A_576 = tpu.dynamic_gather %add3A_368[%gather3A_575] in [0] : vector<16xf32>, vector<16xi32> -> vector<16xf32>
      %get3A_577 = arith.constant 10 : i32
      %get3A_578 = arith.index_cast %get3A_577 : i32 to index
      %get3A_579 = arith.constant 0 : index
      %get3A_580 = tpu.vector_load %arg13[%get3A_578, %get3A_579] {strides = array<i32>} : memref<32x32xf32, #tpu.memory_space<vmem>>, vector<1x16xf32>,
      %get3A_581 = vector.shape_cast %get3A_580 : vector<1x16xf32> to vector<16xf32>
      %mul3A_582 = arith.mulf %gather3A_576, %get3A_581 : vector<16xf32>
      %add3A_583 = arith.addf %add3A_564, %mul3A_582 : vector<16xf32>
      %get3A_584 = arith.constant 10 : i32
      %get3A_585 = arith.index_cast %get3A_584 : i32 to index
      %get3A_586 = arith.constant 16 : index
      %get3A_587 = tpu.vector_load %arg13[%get3A_585, %get3A_586] {strides = array<i32>} : memref<32x32xf32, #tpu.memory_space<vmem>>, vector<1x16xf32>,
      %get3A_588 = vector.shape_cast %get3A_587 : vector<1x16xf32> to vector<16xf32>
      %mul3A_589 = arith.mulf %gather3A_576, %get3A_588 : vector<16xf32>
      %add3A_590 = arith.addf %add3A_571, %mul3A_589 : vector<16xf32>
      %broadcast_in_dim3A_591 = arith.constant 11 : i32
      %broadcast_in_dim3A_592 = vector.broadcast %broadcast_in_dim3A_591 : i32 to vector<16xi32>
      %reshape3A_593 = vector.shape_cast %broadcast_in_dim3A_592 : vector<16xi32> to vector<16x1xi32>
      %gather3A_594 = vector.shape_cast %reshape3A_593 : vector<16x1xi32> to vector<16xi32>
      %gather3A_595 = tpu.dynamic_gather %add3A_368[%gather3A_594] in [0] : vector<16xf32>, vector<16xi32> -> vector<16xf32>
      %get3A_596 = arith.constant 11 : i32
      %get3A_597 = arith.index_cast %get3A_596 : i32 to index
      %get3A_598 = arith.constant 0 : index
      %get3A_599 = tpu.vector_load %arg13[%get3A_597, %get3A_598] {strides = array<i32>} : memref<32x32xf32, #tpu.memory_space<vmem>>, vector<1x16xf32>,
      %get3A_600 = vector.shape_cast %get3A_599 : vector<1x16xf32> to vector<16xf32>
      %mul3A_601 = arith.mulf %gather3A_595, %get3A_600 : vector<16xf32>
      %add3A_602 = arith.addf %add3A_583, %mul3A_601 : vector<16xf32>
      %get3A_603 = arith.constant 11 : i32
      %get3A_604 = arith.index_cast %get3A_603 : i32 to index
      %get3A_605 = arith.constant 16 : index
      %get3A_606 = tpu.vector_load %arg13[%get3A_604, %get3A_605] {strides = array<i32>} : memref<32x32xf32, #tpu.memory_space<vmem>>, vector<1x16xf32>,
      %get3A_607 = vector.shape_cast %get3A_606 : vector<1x16xf32> to vector<16xf32>
      %mul3A_608 = arith.mulf %gather3A_595, %get3A_607 : vector<16xf32>
      %add3A_609 = arith.addf %add3A_590, %mul3A_608 : vector<16xf32>
      %broadcast_in_dim3A_610 = arith.constant 12 : i32
      %broadcast_in_dim3A_611 = vector.broadcast %broadcast_in_dim3A_610 : i32 to vector<16xi32>
      %reshape3A_612 = vector.shape_cast %broadcast_in_dim3A_611 : vector<16xi32> to vector<16x1xi32>
      %gather3A_613 = vector.shape_cast %reshape3A_612 : vector<16x1xi32> to vector<16xi32>
      %gather3A_614 = tpu.dynamic_gather %add3A_368[%gather3A_613] in [0] : vector<16xf32>, vector<16xi32> -> vector<16xf32>
      %get3A_615 = arith.constant 12 : i32
      %get3A_616 = arith.index_cast %get3A_615 : i32 to index
      %get3A_617 = arith.constant 0 : index
      %get3A_618 = tpu.vector_load %arg13[%get3A_616, %get3A_617] {strides = array<i32>} : memref<32x32xf32, #tpu.memory_space<vmem>>, vector<1x16xf32>,
      %get3A_619 = vector.shape_cast %get3A_618 : vector<1x16xf32> to vector<16xf32>
      %mul3A_620 = arith.mulf %gather3A_614, %get3A_619 : vector<16xf32>
      %add3A_621 = arith.addf %add3A_602, %mul3A_620 : vector<16xf32>
      %get3A_622 = arith.constant 12 : i32
      %get3A_623 = arith.index_cast %get3A_622 : i32 to index
      %get3A_624 = arith.constant 16 : index
      %get3A_625 = tpu.vector_load %arg13[%get3A_623, %get3A_624] {strides = array<i32>} : memref<32x32xf32, #tpu.memory_space<vmem>>, vector<1x16xf32>,
      %get3A_626 = vector.shape_cast %get3A_625 : vector<1x16xf32> to vector<16xf32>
      %mul3A_627 = arith.mulf %gather3A_614, %get3A_626 : vector<16xf32>
      %add3A_628 = arith.addf %add3A_609, %mul3A_627 : vector<16xf32>
      %broadcast_in_dim3A_629 = arith.constant 13 : i32
      %broadcast_in_dim3A_630 = vector.broadcast %broadcast_in_dim3A_629 : i32 to vector<16xi32>
      %reshape3A_631 = vector.shape_cast %broadcast_in_dim3A_630 : vector<16xi32> to vector<16x1xi32>
      %gather3A_632 = vector.shape_cast %reshape3A_631 : vector<16x1xi32> to vector<16xi32>
      %gather3A_633 = tpu.dynamic_gather %add3A_368[%gather3A_632] in [0] : vector<16xf32>, vector<16xi32> -> vector<16xf32>
      %get3A_634 = arith.constant 13 : i32
      %get3A_635 = arith.index_cast %get3A_634 : i32 to index
      %get3A_636 = arith.constant 0 : index
      %get3A_637 = tpu.vector_load %arg13[%get3A_635, %get3A_636] {strides = array<i32>} : memref<32x32xf32, #tpu.memory_space<vmem>>, vector<1x16xf32>,
      %get3A_638 = vector.shape_cast %get3A_637 : vector<1x16xf32> to vector<16xf32>
      %mul3A_639 = arith.mulf %gather3A_633, %get3A_638 : vector<16xf32>
      %add3A_640 = arith.addf %add3A_621, %mul3A_639 : vector<16xf32>
      %get3A_641 = arith.constant 13 : i32
      %get3A_642 = arith.index_cast %get3A_641 : i32 to index
      %get3A_643 = arith.constant 16 : index
      %get3A_644 = tpu.vector_load %arg13[%get3A_642, %get3A_643] {strides = array<i32>} : memref<32x32xf32, #tpu.memory_space<vmem>>, vector<1x16xf32>,
      %get3A_645 = vector.shape_cast %get3A_644 : vector<1x16xf32> to vector<16xf32>
      %mul3A_646 = arith.mulf %gather3A_633, %get3A_645 : vector<16xf32>
      %add3A_647 = arith.addf %add3A_628, %mul3A_646 : vector<16xf32>
      %broadcast_in_dim3A_648 = arith.constant 14 : i32
      %broadcast_in_dim3A_649 = vector.broadcast %broadcast_in_dim3A_648 : i32 to vector<16xi32>
      %reshape3A_650 = vector.shape_cast %broadcast_in_dim3A_649 : vector<16xi32> to vector<16x1xi32>
      %gather3A_651 = vector.shape_cast %reshape3A_650 : vector<16x1xi32> to vector<16xi32>
      %gather3A_652 = tpu.dynamic_gather %add3A_368[%gather3A_651] in [0] : vector<16xf32>, vector<16xi32> -> vector<16xf32>
      %get3A_653 = arith.constant 14 : i32
      %get3A_654 = arith.index_cast %get3A_653 : i32 to index
      %get3A_655 = arith.constant 0 : index
      %get3A_656 = tpu.vector_load %arg13[%get3A_654, %get3A_655] {strides = array<i32>} : memref<32x32xf32, #tpu.memory_space<vmem>>, vector<1x16xf32>,
      %get3A_657 = vector.shape_cast %get3A_656 : vector<1x16xf32> to vector<16xf32>
      %mul3A_658 = arith.mulf %gather3A_652, %get3A_657 : vector<16xf32>
      %add3A_659 = arith.addf %add3A_640, %mul3A_658 : vector<16xf32>
      %get3A_660 = arith.constant 14 : i32
      %get3A_661 = arith.index_cast %get3A_660 : i32 to index
      %get3A_662 = arith.constant 16 : index
      %get3A_663 = tpu.vector_load %arg13[%get3A_661, %get3A_662] {strides = array<i32>} : memref<32x32xf32, #tpu.memory_space<vmem>>, vector<1x16xf32>,
      %get3A_664 = vector.shape_cast %get3A_663 : vector<1x16xf32> to vector<16xf32>
      %mul3A_665 = arith.mulf %gather3A_652, %get3A_664 : vector<16xf32>
      %add3A_666 = arith.addf %add3A_647, %mul3A_665 : vector<16xf32>
      %broadcast_in_dim3A_667 = arith.constant 15 : i32
      %broadcast_in_dim3A_668 = vector.broadcast %broadcast_in_dim3A_667 : i32 to vector<16xi32>
      %reshape3A_669 = vector.shape_cast %broadcast_in_dim3A_668 : vector<16xi32> to vector<16x1xi32>
      %gather3A_670 = vector.shape_cast %reshape3A_669 : vector<16x1xi32> to vector<16xi32>
      %gather3A_671 = tpu.dynamic_gather %add3A_368[%gather3A_670] in [0] : vector<16xf32>, vector<16xi32> -> vector<16xf32>
      %get3A_672 = arith.constant 15 : i32
      %get3A_673 = arith.index_cast %get3A_672 : i32 to index
      %get3A_674 = arith.constant 0 : index
      %get3A_675 = tpu.vector_load %arg13[%get3A_673, %get3A_674] {strides = array<i32>} : memref<32x32xf32, #tpu.memory_space<vmem>>, vector<1x16xf32>,
      %get3A_676 = vector.shape_cast %get3A_675 : vector<1x16xf32> to vector<16xf32>
      %mul3A_677 = arith.mulf %gather3A_671, %get3A_676 : vector<16xf32>
      %add3A_678 = arith.addf %add3A_659, %mul3A_677 : vector<16xf32>
      %get3A_679 = arith.constant 15 : i32
      %get3A_680 = arith.index_cast %get3A_679 : i32 to index
      %get3A_681 = arith.constant 16 : index
      %get3A_682 = tpu.vector_load %arg13[%get3A_680, %get3A_681] {strides = array<i32>} : memref<32x32xf32, #tpu.memory_space<vmem>>, vector<1x16xf32>,
      %get3A_683 = vector.shape_cast %get3A_682 : vector<1x16xf32> to vector<16xf32>
      %mul3A_684 = arith.mulf %gather3A_671, %get3A_683 : vector<16xf32>
      %add3A_685 = arith.addf %add3A_666, %mul3A_684 : vector<16xf32>
      %broadcast_in_dim3A_686 = arith.constant 0 : i32
      %broadcast_in_dim3A_687 = vector.broadcast %broadcast_in_dim3A_686 : i32 to vector<16xi32>
      %reshape3A_688 = vector.shape_cast %broadcast_in_dim3A_687 : vector<16xi32> to vector<16x1xi32>
      %gather3A_689 = vector.shape_cast %reshape3A_688 : vector<16x1xi32> to vector<16xi32>
      %gather3A_690 = tpu.dynamic_gather %add3A_375[%gather3A_689] in [0] : vector<16xf32>, vector<16xi32> -> vector<16xf32>
      %get3A_691 = arith.constant 16 : i32
      %get3A_692 = arith.index_cast %get3A_691 : i32 to index
      %get3A_693 = arith.constant 0 : index
      %get3A_694 = tpu.vector_load %arg13[%get3A_692, %get3A_693] {strides = array<i32>} : memref<32x32xf32, #tpu.memory_space<vmem>>, vector<1x16xf32>,
      %get3A_695 = vector.shape_cast %get3A_694 : vector<1x16xf32> to vector<16xf32>
      %mul3A_696 = arith.mulf %gather3A_690, %get3A_695 : vector<16xf32>
      %add3A_697 = arith.addf %add3A_678, %mul3A_696 : vector<16xf32>
      %get3A_698 = arith.constant 16 : i32
      %get3A_699 = arith.index_cast %get3A_698 : i32 to index
      %get3A_700 = arith.constant 16 : index
      %get3A_701 = tpu.vector_load %arg13[%get3A_699, %get3A_700] {strides = array<i32>} : memref<32x32xf32, #tpu.memory_space<vmem>>, vector<1x16xf32>,
      %get3A_702 = vector.shape_cast %get3A_701 : vector<1x16xf32> to vector<16xf32>
      %mul3A_703 = arith.mulf %gather3A_690, %get3A_702 : vector<16xf32>
      %add3A_704 = arith.addf %add3A_685, %mul3A_703 : vector<16xf32>
      %broadcast_in_dim3A_705 = arith.constant 1 : i32
      %broadcast_in_dim3A_706 = vector.broadcast %broadcast_in_dim3A_705 : i32 to vector<16xi32>
      %reshape3A_707 = vector.shape_cast %broadcast_in_dim3A_706 : vector<16xi32> to vector<16x1xi32>
      %gather3A_708 = vector.shape_cast %reshape3A_707 : vector<16x1xi32> to vector<16xi32>
      %gather3A_709 = tpu.dynamic_gather %add3A_375[%gather3A_708] in [0] : vector<16xf32>, vector<16xi32> -> vector<16xf32>
      %get3A_710 = arith.constant 17 : i32
      %get3A_711 = arith.index_cast %get3A_710 : i32 to index
      %get3A_712 = arith.constant 0 : index
      %get3A_713 = tpu.vector_load %arg13[%get3A_711, %get3A_712] {strides = array<i32>} : memref<32x32xf32, #tpu.memory_space<vmem>>, vector<1x16xf32>,
      %get3A_714 = vector.shape_cast %get3A_713 : vector<1x16xf32> to vector<16xf32>
      %mul3A_715 = arith.mulf %gather3A_709, %get3A_714 : vector<16xf32>
      %add3A_716 = arith.addf %add3A_697, %mul3A_715 : vector<16xf32>
      %get3A_717 = arith.constant 17 : i32
      %get3A_718 = arith.index_cast %get3A_717 : i32 to index
      %get3A_719 = arith.constant 16 : index
      %get3A_720 = tpu.vector_load %arg13[%get3A_718, %get3A_719] {strides = array<i32>} : memref<32x32xf32, #tpu.memory_space<vmem>>, vector<1x16xf32>,
      %get3A_721 = vector.shape_cast %get3A_720 : vector<1x16xf32> to vector<16xf32>
      %mul3A_722 = arith.mulf %gather3A_709, %get3A_721 : vector<16xf32>
      %add3A_723 = arith.addf %add3A_704, %mul3A_722 : vector<16xf32>
      %broadcast_in_dim3A_724 = arith.constant 2 : i32
      %broadcast_in_dim3A_725 = vector.broadcast %broadcast_in_dim3A_724 : i32 to vector<16xi32>
      %reshape3A_726 = vector.shape_cast %broadcast_in_dim3A_725 : vector<16xi32> to vector<16x1xi32>
      %gather3A_727 = vector.shape_cast %reshape3A_726 : vector<16x1xi32> to vector<16xi32>
      %gather3A_728 = tpu.dynamic_gather %add3A_375[%gather3A_727] in [0] : vector<16xf32>, vector<16xi32> -> vector<16xf32>
      %get3A_729 = arith.constant 18 : i32
      %get3A_730 = arith.index_cast %get3A_729 : i32 to index
      %get3A_731 = arith.constant 0 : index
      %get3A_732 = tpu.vector_load %arg13[%get3A_730, %get3A_731] {strides = array<i32>} : memref<32x32xf32, #tpu.memory_space<vmem>>, vector<1x16xf32>,
      %get3A_733 = vector.shape_cast %get3A_732 : vector<1x16xf32> to vector<16xf32>
      %mul3A_734 = arith.mulf %gather3A_728, %get3A_733 : vector<16xf32>
      %add3A_735 = arith.addf %add3A_716, %mul3A_734 : vector<16xf32>
      %get3A_736 = arith.constant 18 : i32
      %get3A_737 = arith.index_cast %get3A_736 : i32 to index
      %get3A_738 = arith.constant 16 : index
      %get3A_739 = tpu.vector_load %arg13[%get3A_737, %get3A_738] {strides = array<i32>} : memref<32x32xf32, #tpu.memory_space<vmem>>, vector<1x16xf32>,
      %get3A_740 = vector.shape_cast %get3A_739 : vector<1x16xf32> to vector<16xf32>
      %mul3A_741 = arith.mulf %gather3A_728, %get3A_740 : vector<16xf32>
      %add3A_742 = arith.addf %add3A_723, %mul3A_741 : vector<16xf32>
      %broadcast_in_dim3A_743 = arith.constant 3 : i32
      %broadcast_in_dim3A_744 = vector.broadcast %broadcast_in_dim3A_743 : i32 to vector<16xi32>
      %reshape3A_745 = vector.shape_cast %broadcast_in_dim3A_744 : vector<16xi32> to vector<16x1xi32>
      %gather3A_746 = vector.shape_cast %reshape3A_745 : vector<16x1xi32> to vector<16xi32>
      %gather3A_747 = tpu.dynamic_gather %add3A_375[%gather3A_746] in [0] : vector<16xf32>, vector<16xi32> -> vector<16xf32>
      %get3A_748 = arith.constant 19 : i32
      %get3A_749 = arith.index_cast %get3A_748 : i32 to index
      %get3A_750 = arith.constant 0 : index
      %get3A_751 = tpu.vector_load %arg13[%get3A_749, %get3A_750] {strides = array<i32>} : memref<32x32xf32, #tpu.memory_space<vmem>>, vector<1x16xf32>,
      %get3A_752 = vector.shape_cast %get3A_751 : vector<1x16xf32> to vector<16xf32>
      %mul3A_753 = arith.mulf %gather3A_747, %get3A_752 : vector<16xf32>
      %add3A_754 = arith.addf %add3A_735, %mul3A_753 : vector<16xf32>
      %get3A_755 = arith.constant 19 : i32
      %get3A_756 = arith.index_cast %get3A_755 : i32 to index
      %get3A_757 = arith.constant 16 : index
      %get3A_758 = tpu.vector_load %arg13[%get3A_756, %get3A_757] {strides = array<i32>} : memref<32x32xf32, #tpu.memory_space<vmem>>, vector<1x16xf32>,
      %get3A_759 = vector.shape_cast %get3A_758 : vector<1x16xf32> to vector<16xf32>
      %mul3A_760 = arith.mulf %gather3A_747, %get3A_759 : vector<16xf32>
      %add3A_761 = arith.addf %add3A_742, %mul3A_760 : vector<16xf32>
      %broadcast_in_dim3A_762 = arith.constant 4 : i32
      %broadcast_in_dim3A_763 = vector.broadcast %broadcast_in_dim3A_762 : i32 to vector<16xi32>
      %reshape3A_764 = vector.shape_cast %broadcast_in_dim3A_763 : vector<16xi32> to vector<16x1xi32>
      %gather3A_765 = vector.shape_cast %reshape3A_764 : vector<16x1xi32> to vector<16xi32>
      %gather3A_766 = tpu.dynamic_gather %add3A_375[%gather3A_765] in [0] : vector<16xf32>, vector<16xi32> -> vector<16xf32>
      %get3A_767 = arith.constant 20 : i32
      %get3A_768 = arith.index_cast %get3A_767 : i32 to index
      %get3A_769 = arith.constant 0 : index
      %get3A_770 = tpu.vector_load %arg13[%get3A_768, %get3A_769] {strides = array<i32>} : memref<32x32xf32, #tpu.memory_space<vmem>>, vector<1x16xf32>,
      %get3A_771 = vector.shape_cast %get3A_770 : vector<1x16xf32> to vector<16xf32>
      %mul3A_772 = arith.mulf %gather3A_766, %get3A_771 : vector<16xf32>
      %add3A_773 = arith.addf %add3A_754, %mul3A_772 : vector<16xf32>
      %get3A_774 = arith.constant 20 : i32
      %get3A_775 = arith.index_cast %get3A_774 : i32 to index
      %get3A_776 = arith.constant 16 : index
      %get3A_777 = tpu.vector_load %arg13[%get3A_775, %get3A_776] {strides = array<i32>} : memref<32x32xf32, #tpu.memory_space<vmem>>, vector<1x16xf32>,
      %get3A_778 = vector.shape_cast %get3A_777 : vector<1x16xf32> to vector<16xf32>
      %mul3A_779 = arith.mulf %gather3A_766, %get3A_778 : vector<16xf32>
      %add3A_780 = arith.addf %add3A_761, %mul3A_779 : vector<16xf32>
      %broadcast_in_dim3A_781 = arith.constant 5 : i32
      %broadcast_in_dim3A_782 = vector.broadcast %broadcast_in_dim3A_781 : i32 to vector<16xi32>
      %reshape3A_783 = vector.shape_cast %broadcast_in_dim3A_782 : vector<16xi32> to vector<16x1xi32>
      %gather3A_784 = vector.shape_cast %reshape3A_783 : vector<16x1xi32> to vector<16xi32>
      %gather3A_785 = tpu.dynamic_gather %add3A_375[%gather3A_784] in [0] : vector<16xf32>, vector<16xi32> -> vector<16xf32>
      %get3A_786 = arith.constant 21 : i32
      %get3A_787 = arith.index_cast %get3A_786 : i32 to index
      %get3A_788 = arith.constant 0 : index
      %get3A_789 = tpu.vector_load %arg13[%get3A_787, %get3A_788] {strides = array<i32>} : memref<32x32xf32, #tpu.memory_space<vmem>>, vector<1x16xf32>,
      %get3A_790 = vector.shape_cast %get3A_789 : vector<1x16xf32> to vector<16xf32>
      %mul3A_791 = arith.mulf %gather3A_785, %get3A_790 : vector<16xf32>
      %add3A_792 = arith.addf %add3A_773, %mul3A_791 : vector<16xf32>
      %get3A_793 = arith.constant 21 : i32
      %get3A_794 = arith.index_cast %get3A_793 : i32 to index
      %get3A_795 = arith.constant 16 : index
      %get3A_796 = tpu.vector_load %arg13[%get3A_794, %get3A_795] {strides = array<i32>} : memref<32x32xf32, #tpu.memory_space<vmem>>, vector<1x16xf32>,
      %get3A_797 = vector.shape_cast %get3A_796 : vector<1x16xf32> to vector<16xf32>
      %mul3A_798 = arith.mulf %gather3A_785, %get3A_797 : vector<16xf32>
      %add3A_799 = arith.addf %add3A_780, %mul3A_798 : vector<16xf32>
      %broadcast_in_dim3A_800 = arith.constant 6 : i32
      %broadcast_in_dim3A_801 = vector.broadcast %broadcast_in_dim3A_800 : i32 to vector<16xi32>
      %reshape3A_802 = vector.shape_cast %broadcast_in_dim3A_801 : vector<16xi32> to vector<16x1xi32>
      %gather3A_803 = vector.shape_cast %reshape3A_802 : vector<16x1xi32> to vector<16xi32>
      %gather3A_804 = tpu.dynamic_gather %add3A_375[%gather3A_803] in [0] : vector<16xf32>, vector<16xi32> -> vector<16xf32>
      %get3A_805 = arith.constant 22 : i32
      %get3A_806 = arith.index_cast %get3A_805 : i32 to index
      %get3A_807 = arith.constant 0 : index
      %get3A_808 = tpu.vector_load %arg13[%get3A_806, %get3A_807] {strides = array<i32>} : memref<32x32xf32, #tpu.memory_space<vmem>>, vector<1x16xf32>,
      %get3A_809 = vector.shape_cast %get3A_808 : vector<1x16xf32> to vector<16xf32>
      %mul3A_810 = arith.mulf %gather3A_804, %get3A_809 : vector<16xf32>
      %add3A_811 = arith.addf %add3A_792, %mul3A_810 : vector<16xf32>
      %get3A_812 = arith.constant 22 : i32
      %get3A_813 = arith.index_cast %get3A_812 : i32 to index
      %get3A_814 = arith.constant 16 : index
      %get3A_815 = tpu.vector_load %arg13[%get3A_813, %get3A_814] {strides = array<i32>} : memref<32x32xf32, #tpu.memory_space<vmem>>, vector<1x16xf32>,
      %get3A_816 = vector.shape_cast %get3A_815 : vector<1x16xf32> to vector<16xf32>
      %mul3A_817 = arith.mulf %gather3A_804, %get3A_816 : vector<16xf32>
      %add3A_818 = arith.addf %add3A_799, %mul3A_817 : vector<16xf32>
      %broadcast_in_dim3A_819 = arith.constant 7 : i32
      %broadcast_in_dim3A_820 = vector.broadcast %broadcast_in_dim3A_819 : i32 to vector<16xi32>
      %reshape3A_821 = vector.shape_cast %broadcast_in_dim3A_820 : vector<16xi32> to vector<16x1xi32>
      %gather3A_822 = vector.shape_cast %reshape3A_821 : vector<16x1xi32> to vector<16xi32>
      %gather3A_823 = tpu.dynamic_gather %add3A_375[%gather3A_822] in [0] : vector<16xf32>, vector<16xi32> -> vector<16xf32>
      %get3A_824 = arith.constant 23 : i32
      %get3A_825 = arith.index_cast %get3A_824 : i32 to index
      %get3A_826 = arith.constant 0 : index
      %get3A_827 = tpu.vector_load %arg13[%get3A_825, %get3A_826] {strides = array<i32>} : memref<32x32xf32, #tpu.memory_space<vmem>>, vector<1x16xf32>,
      %get3A_828 = vector.shape_cast %get3A_827 : vector<1x16xf32> to vector<16xf32>
      %mul3A_829 = arith.mulf %gather3A_823, %get3A_828 : vector<16xf32>
      %add3A_830 = arith.addf %add3A_811, %mul3A_829 : vector<16xf32>
      %get3A_831 = arith.constant 23 : i32
      %get3A_832 = arith.index_cast %get3A_831 : i32 to index
      %get3A_833 = arith.constant 16 : index
      %get3A_834 = tpu.vector_load %arg13[%get3A_832, %get3A_833] {strides = array<i32>} : memref<32x32xf32, #tpu.memory_space<vmem>>, vector<1x16xf32>,
      %get3A_835 = vector.shape_cast %get3A_834 : vector<1x16xf32> to vector<16xf32>
      %mul3A_836 = arith.mulf %gather3A_823, %get3A_835 : vector<16xf32>
      %add3A_837 = arith.addf %add3A_818, %mul3A_836 : vector<16xf32>
      %broadcast_in_dim3A_838 = arith.constant 8 : i32
      %broadcast_in_dim3A_839 = vector.broadcast %broadcast_in_dim3A_838 : i32 to vector<16xi32>
      %reshape3A_840 = vector.shape_cast %broadcast_in_dim3A_839 : vector<16xi32> to vector<16x1xi32>
      %gather3A_841 = vector.shape_cast %reshape3A_840 : vector<16x1xi32> to vector<16xi32>
      %gather3A_842 = tpu.dynamic_gather %add3A_375[%gather3A_841] in [0] : vector<16xf32>, vector<16xi32> -> vector<16xf32>
      %get3A_843 = arith.constant 24 : i32
      %get3A_844 = arith.index_cast %get3A_843 : i32 to index
      %get3A_845 = arith.constant 0 : index
      %get3A_846 = tpu.vector_load %arg13[%get3A_844, %get3A_845] {strides = array<i32>} : memref<32x32xf32, #tpu.memory_space<vmem>>, vector<1x16xf32>,
      %get3A_847 = vector.shape_cast %get3A_846 : vector<1x16xf32> to vector<16xf32>
      %mul3A_848 = arith.mulf %gather3A_842, %get3A_847 : vector<16xf32>
      %add3A_849 = arith.addf %add3A_830, %mul3A_848 : vector<16xf32>
      %get3A_850 = arith.constant 24 : i32
      %get3A_851 = arith.index_cast %get3A_850 : i32 to index
      %get3A_852 = arith.constant 16 : index
      %get3A_853 = tpu.vector_load %arg13[%get3A_851, %get3A_852] {strides = array<i32>} : memref<32x32xf32, #tpu.memory_space<vmem>>, vector<1x16xf32>,
      %get3A_854 = vector.shape_cast %get3A_853 : vector<1x16xf32> to vector<16xf32>
      %mul3A_855 = arith.mulf %gather3A_842, %get3A_854 : vector<16xf32>
      %add3A_856 = arith.addf %add3A_837, %mul3A_855 : vector<16xf32>
      %broadcast_in_dim3A_857 = arith.constant 9 : i32
      %broadcast_in_dim3A_858 = vector.broadcast %broadcast_in_dim3A_857 : i32 to vector<16xi32>
      %reshape3A_859 = vector.shape_cast %broadcast_in_dim3A_858 : vector<16xi32> to vector<16x1xi32>
      %gather3A_860 = vector.shape_cast %reshape3A_859 : vector<16x1xi32> to vector<16xi32>
      %gather3A_861 = tpu.dynamic_gather %add3A_375[%gather3A_860] in [0] : vector<16xf32>, vector<16xi32> -> vector<16xf32>
      %get3A_862 = arith.constant 25 : i32
      %get3A_863 = arith.index_cast %get3A_862 : i32 to index
      %get3A_864 = arith.constant 0 : index
      %get3A_865 = tpu.vector_load %arg13[%get3A_863, %get3A_864] {strides = array<i32>} : memref<32x32xf32, #tpu.memory_space<vmem>>, vector<1x16xf32>,
      %get3A_866 = vector.shape_cast %get3A_865 : vector<1x16xf32> to vector<16xf32>
      %mul3A_867 = arith.mulf %gather3A_861, %get3A_866 : vector<16xf32>
      %add3A_868 = arith.addf %add3A_849, %mul3A_867 : vector<16xf32>
      %get3A_869 = arith.constant 25 : i32
      %get3A_870 = arith.index_cast %get3A_869 : i32 to index
      %get3A_871 = arith.constant 16 : index
      %get3A_872 = tpu.vector_load %arg13[%get3A_870, %get3A_871] {strides = array<i32>} : memref<32x32xf32, #tpu.memory_space<vmem>>, vector<1x16xf32>,
      %get3A_873 = vector.shape_cast %get3A_872 : vector<1x16xf32> to vector<16xf32>
      %mul3A_874 = arith.mulf %gather3A_861, %get3A_873 : vector<16xf32>
      %add3A_875 = arith.addf %add3A_856, %mul3A_874 : vector<16xf32>
      %broadcast_in_dim3A_876 = arith.constant 10 : i32
      %broadcast_in_dim3A_877 = vector.broadcast %broadcast_in_dim3A_876 : i32 to vector<16xi32>
      %reshape3A_878 = vector.shape_cast %broadcast_in_dim3A_877 : vector<16xi32> to vector<16x1xi32>
      %gather3A_879 = vector.shape_cast %reshape3A_878 : vector<16x1xi32> to vector<16xi32>
      %gather3A_880 = tpu.dynamic_gather %add3A_375[%gather3A_879] in [0] : vector<16xf32>, vector<16xi32> -> vector<16xf32>
      %get3A_881 = arith.constant 26 : i32
      %get3A_882 = arith.index_cast %get3A_881 : i32 to index
      %get3A_883 = arith.constant 0 : index
      %get3A_884 = tpu.vector_load %arg13[%get3A_882, %get3A_883] {strides = array<i32>} : memref<32x32xf32, #tpu.memory_space<vmem>>, vector<1x16xf32>,
      %get3A_885 = vector.shape_cast %get3A_884 : vector<1x16xf32> to vector<16xf32>
      %mul3A_886 = arith.mulf %gather3A_880, %get3A_885 : vector<16xf32>
      %add3A_887 = arith.addf %add3A_868, %mul3A_886 : vector<16xf32>
      %get3A_888 = arith.constant 26 : i32
      %get3A_889 = arith.index_cast %get3A_888 : i32 to index
      %get3A_890 = arith.constant 16 : index
      %get3A_891 = tpu.vector_load %arg13[%get3A_889, %get3A_890] {strides = array<i32>} : memref<32x32xf32, #tpu.memory_space<vmem>>, vector<1x16xf32>,
      %get3A_892 = vector.shape_cast %get3A_891 : vector<1x16xf32> to vector<16xf32>
      %mul3A_893 = arith.mulf %gather3A_880, %get3A_892 : vector<16xf32>
      %add3A_894 = arith.addf %add3A_875, %mul3A_893 : vector<16xf32>
      %broadcast_in_dim3A_895 = arith.constant 11 : i32
      %broadcast_in_dim3A_896 = vector.broadcast %broadcast_in_dim3A_895 : i32 to vector<16xi32>
      %reshape3A_897 = vector.shape_cast %broadcast_in_dim3A_896 : vector<16xi32> to vector<16x1xi32>
      %gather3A_898 = vector.shape_cast %reshape3A_897 : vector<16x1xi32> to vector<16xi32>
      %gather3A_899 = tpu.dynamic_gather %add3A_375[%gather3A_898] in [0] : vector<16xf32>, vector<16xi32> -> vector<16xf32>
      %get3A_900 = arith.constant 27 : i32
      %get3A_901 = arith.index_cast %get3A_900 : i32 to index
      %get3A_902 = arith.constant 0 : index
      %get3A_903 = tpu.vector_load %arg13[%get3A_901, %get3A_902] {strides = array<i32>} : memref<32x32xf32, #tpu.memory_space<vmem>>, vector<1x16xf32>,
      %get3A_904 = vector.shape_cast %get3A_903 : vector<1x16xf32> to vector<16xf32>
      %mul3A_905 = arith.mulf %gather3A_899, %get3A_904 : vector<16xf32>
      %add3A_906 = arith.addf %add3A_887, %mul3A_905 : vector<16xf32>
      %get3A_907 = arith.constant 27 : i32
      %get3A_908 = arith.index_cast %get3A_907 : i32 to index
      %get3A_909 = arith.constant 16 : index
      %get3A_910 = tpu.vector_load %arg13[%get3A_908, %get3A_909] {strides = array<i32>} : memref<32x32xf32, #tpu.memory_space<vmem>>, vector<1x16xf32>,
      %get3A_911 = vector.shape_cast %get3A_910 : vector<1x16xf32> to vector<16xf32>
      %mul3A_912 = arith.mulf %gather3A_899, %get3A_911 : vector<16xf32>
      %add3A_913 = arith.addf %add3A_894, %mul3A_912 : vector<16xf32>
      %broadcast_in_dim3A_914 = arith.constant 12 : i32
      %broadcast_in_dim3A_915 = vector.broadcast %broadcast_in_dim3A_914 : i32 to vector<16xi32>
      %reshape3A_916 = vector.shape_cast %broadcast_in_dim3A_915 : vector<16xi32> to vector<16x1xi32>
      %gather3A_917 = vector.shape_cast %reshape3A_916 : vector<16x1xi32> to vector<16xi32>
      %gather3A_918 = tpu.dynamic_gather %add3A_375[%gather3A_917] in [0] : vector<16xf32>, vector<16xi32> -> vector<16xf32>
      %get3A_919 = arith.constant 28 : i32
      %get3A_920 = arith.index_cast %get3A_919 : i32 to index
      %get3A_921 = arith.constant 0 : index
      %get3A_922 = tpu.vector_load %arg13[%get3A_920, %get3A_921] {strides = array<i32>} : memref<32x32xf32, #tpu.memory_space<vmem>>, vector<1x16xf32>,
      %get3A_923 = vector.shape_cast %get3A_922 : vector<1x16xf32> to vector<16xf32>
      %mul3A_924 = arith.mulf %gather3A_918, %get3A_923 : vector<16xf32>
      %add3A_925 = arith.addf %add3A_906, %mul3A_924 : vector<16xf32>
      %get3A_926 = arith.constant 28 : i32
      %get3A_927 = arith.index_cast %get3A_926 : i32 to index
      %get3A_928 = arith.constant 16 : index
      %get3A_929 = tpu.vector_load %arg13[%get3A_927, %get3A_928] {strides = array<i32>} : memref<32x32xf32, #tpu.memory_space<vmem>>, vector<1x16xf32>,
      %get3A_930 = vector.shape_cast %get3A_929 : vector<1x16xf32> to vector<16xf32>
      %mul3A_931 = arith.mulf %gather3A_918, %get3A_930 : vector<16xf32>
      %add3A_932 = arith.addf %add3A_913, %mul3A_931 : vector<16xf32>
      %broadcast_in_dim3A_933 = arith.constant 13 : i32
      %broadcast_in_dim3A_934 = vector.broadcast %broadcast_in_dim3A_933 : i32 to vector<16xi32>
      %reshape3A_935 = vector.shape_cast %broadcast_in_dim3A_934 : vector<16xi32> to vector<16x1xi32>
      %gather3A_936 = vector.shape_cast %reshape3A_935 : vector<16x1xi32> to vector<16xi32>
      %gather3A_937 = tpu.dynamic_gather %add3A_375[%gather3A_936] in [0] : vector<16xf32>, vector<16xi32> -> vector<16xf32>
      %get3A_938 = arith.constant 29 : i32
      %get3A_939 = arith.index_cast %get3A_938 : i32 to index
      %get3A_940 = arith.constant 0 : index
      %get3A_941 = tpu.vector_load %arg13[%get3A_939, %get3A_940] {strides = array<i32>} : memref<32x32xf32, #tpu.memory_space<vmem>>, vector<1x16xf32>,
      %get3A_942 = vector.shape_cast %get3A_941 : vector<1x16xf32> to vector<16xf32>
      %mul3A_943 = arith.mulf %gather3A_937, %get3A_942 : vector<16xf32>
      %add3A_944 = arith.addf %add3A_925, %mul3A_943 : vector<16xf32>
      %get3A_945 = arith.constant 29 : i32
      %get3A_946 = arith.index_cast %get3A_945 : i32 to index
      %get3A_947 = arith.constant 16 : index
      %get3A_948 = tpu.vector_load %arg13[%get3A_946, %get3A_947] {strides = array<i32>} : memref<32x32xf32, #tpu.memory_space<vmem>>, vector<1x16xf32>,
      %get3A_949 = vector.shape_cast %get3A_948 : vector<1x16xf32> to vector<16xf32>
      %mul3A_950 = arith.mulf %gather3A_937, %get3A_949 : vector<16xf32>
      %add3A_951 = arith.addf %add3A_932, %mul3A_950 : vector<16xf32>
      %broadcast_in_dim3A_952 = arith.constant 14 : i32
      %broadcast_in_dim3A_953 = vector.broadcast %broadcast_in_dim3A_952 : i32 to vector<16xi32>
      %reshape3A_954 = vector.shape_cast %broadcast_in_dim3A_953 : vector<16xi32> to vector<16x1xi32>
      %gather3A_955 = vector.shape_cast %reshape3A_954 : vector<16x1xi32> to vector<16xi32>
      %gather3A_956 = tpu.dynamic_gather %add3A_375[%gather3A_955] in [0] : vector<16xf32>, vector<16xi32> -> vector<16xf32>
      %get3A_957 = arith.constant 30 : i32
      %get3A_958 = arith.index_cast %get3A_957 : i32 to index
      %get3A_959 = arith.constant 0 : index
      %get3A_960 = tpu.vector_load %arg13[%get3A_958, %get3A_959] {strides = array<i32>} : memref<32x32xf32, #tpu.memory_space<vmem>>, vector<1x16xf32>,
      %get3A_961 = vector.shape_cast %get3A_960 : vector<1x16xf32> to vector<16xf32>
      %mul3A_962 = arith.mulf %gather3A_956, %get3A_961 : vector<16xf32>
      %add3A_963 = arith.addf %add3A_944, %mul3A_962 : vector<16xf32>
      %get3A_964 = arith.constant 30 : i32
      %get3A_965 = arith.index_cast %get3A_964 : i32 to index
      %get3A_966 = arith.constant 16 : index
      %get3A_967 = tpu.vector_load %arg13[%get3A_965, %get3A_966] {strides = array<i32>} : memref<32x32xf32, #tpu.memory_space<vmem>>, vector<1x16xf32>,
      %get3A_968 = vector.shape_cast %get3A_967 : vector<1x16xf32> to vector<16xf32>
      %mul3A_969 = arith.mulf %gather3A_956, %get3A_968 : vector<16xf32>
      %add3A_970 = arith.addf %add3A_951, %mul3A_969 : vector<16xf32>
      %broadcast_in_dim3A_971 = arith.constant 15 : i32
      %broadcast_in_dim3A_972 = vector.broadcast %broadcast_in_dim3A_971 : i32 to vector<16xi32>
      %reshape3A_973 = vector.shape_cast %broadcast_in_dim3A_972 : vector<16xi32> to vector<16x1xi32>
      %gather3A_974 = vector.shape_cast %reshape3A_973 : vector<16x1xi32> to vector<16xi32>
      %gather3A_975 = tpu.dynamic_gather %add3A_375[%gather3A_974] in [0] : vector<16xf32>, vector<16xi32> -> vector<16xf32>
      %get3A_976 = arith.constant 31 : i32
      %get3A_977 = arith.index_cast %get3A_976 : i32 to index
      %get3A_978 = arith.constant 0 : index
      %get3A_979 = tpu.vector_load %arg13[%get3A_977, %get3A_978] {strides = array<i32>} : memref<32x32xf32, #tpu.memory_space<vmem>>, vector<1x16xf32>,
      %get3A_980 = vector.shape_cast %get3A_979 : vector<1x16xf32> to vector<16xf32>
      %mul3A_981 = arith.mulf %gather3A_975, %get3A_980 : vector<16xf32>
      %add3A_982 = arith.addf %add3A_963, %mul3A_981 : vector<16xf32>
      %get3A_983 = arith.constant 31 : i32
      %get3A_984 = arith.index_cast %get3A_983 : i32 to index
      %get3A_985 = arith.constant 16 : index
      %get3A_986 = tpu.vector_load %arg13[%get3A_984, %get3A_985] {strides = array<i32>} : memref<32x32xf32, #tpu.memory_space<vmem>>, vector<1x16xf32>,
      %get3A_987 = vector.shape_cast %get3A_986 : vector<1x16xf32> to vector<16xf32>
      %mul3A_988 = arith.mulf %gather3A_975, %get3A_987 : vector<16xf32>
      %add3A_989 = arith.addf %add3A_970, %mul3A_988 : vector<16xf32>
      %max3A = arith.constant 0.000000e+00 : f32
      %max3A_990 = vector.broadcast %max3A : f32 to vector<16xf32>
      %max3A_991 = arith.maximumf %add3A_982, %max3A_990 : vector<16xf32>
      %max3A_992 = arith.constant 0.000000e+00 : f32
      %max3A_993 = vector.broadcast %max3A_992 : f32 to vector<16xf32>
      %max3A_994 = arith.maximumf %add3A_989, %max3A_993 : vector<16xf32>
      %get3A_995 = arith.constant 32 : index
      %get3A_996 = tpu.vector_load %arg11[%get3A_995] {strides = array<i32>} : memref<160xf32, #tpu.memory_space<vmem>>, vector<16xf32>,
      %get3A_997 = vector.shape_cast %get3A_996 : vector<16xf32> to vector<16xf32>
      %max3A_998 = arith.constant 0.000000e+00 : f32
      %max3A_999 = vector.broadcast %max3A_998 : f32 to vector<16xf32>
      %max3A_1000 = arith.maximumf %get3A_997, %max3A_999 : vector<16xf32>
      %get3A_1001 = arith.constant 48 : index
      %get3A_1002 = tpu.vector_load %arg11[%get3A_1001] {strides = array<i32>} : memref<160xf32, #tpu.memory_space<vmem>>, vector<16xf32>,
      %get3A_1003 = vector.shape_cast %get3A_1002 : vector<16xf32> to vector<16xf32>
      %max3A_1004 = arith.constant 0.000000e+00 : f32
      %max3A_1005 = vector.broadcast %max3A_1004 : f32 to vector<16xf32>
      %max3A_1006 = arith.maximumf %get3A_1003, %max3A_1005 : vector<16xf32>
      %get3A_1007 = arith.constant 64 : index
      %get3A_1008 = tpu.vector_load %arg11[%get3A_1007] {strides = array<i32>} : memref<160xf32, #tpu.memory_space<vmem>>, vector<16xf32>,
      %get3A_1009 = vector.shape_cast %get3A_1008 : vector<16xf32> to vector<16xf32>
      %get3A_1010 = arith.constant 80 : index
      %get3A_1011 = tpu.vector_load %arg11[%get3A_1010] {strides = array<i32>} : memref<160xf32, #tpu.memory_space<vmem>>, vector<16xf32>,
      %get3A_1012 = vector.shape_cast %get3A_1011 : vector<16xf32> to vector<16xf32>
      %get3A_1013 = arith.constant 64 : index
      %get3A_1014 = tpu.vector_load %arg11[%get3A_1013] {strides = array<i32>} : memref<160xf32, #tpu.memory_space<vmem>>, vector<16xf32>,
      %get3A_1015 = vector.shape_cast %get3A_1014 : vector<16xf32> to vector<16xf32>
      %get3A_1016 = arith.constant 80 : index
      %get3A_1017 = tpu.vector_load %arg11[%get3A_1016] {strides = array<i32>} : memref<160xf32, #tpu.memory_space<vmem>>, vector<16xf32>,
      %get3A_1018 = vector.shape_cast %get3A_1017 : vector<16xf32> to vector<16xf32>
      %broadcast_in_dim3A_1019 = arith.constant 0 : i32
      %broadcast_in_dim3A_1020 = vector.broadcast %broadcast_in_dim3A_1019 : i32 to vector<16xi32>
      %reshape3A_1021 = vector.shape_cast %broadcast_in_dim3A_1020 : vector<16xi32> to vector<16x1xi32>
      %gather3A_1022 = vector.shape_cast %reshape3A_1021 : vector<16x1xi32> to vector<16xi32>
      %gather3A_1023 = tpu.dynamic_gather %max3A_991[%gather3A_1022] in [0] : vector<16xf32>, vector<16xi32> -> vector<16xf32>
      %broadcast_in_dim3A_1024 = arith.constant 0 : i32
      %broadcast_in_dim3A_1025 = vector.broadcast %broadcast_in_dim3A_1024 : i32 to vector<16xi32>
      %reshape3A_1026 = vector.shape_cast %broadcast_in_dim3A_1025 : vector<16xi32> to vector<16x1xi32>
      %gather3A_1027 = vector.shape_cast %reshape3A_1026 : vector<16x1xi32> to vector<16xi32>
      %gather3A_1028 = tpu.dynamic_gather %max3A_1000[%gather3A_1027] in [0] : vector<16xf32>, vector<16xi32> -> vector<16xf32>
      %get3A_1029 = arith.constant 0 : i32
      %get3A_1030 = arith.index_cast %get3A_1029 : i32 to index
      %get3A_1031 = arith.constant 0 : index
      %get3A_1032 = tpu.vector_load %arg14[%get3A_1030, %get3A_1031] {strides = array<i32>} : memref<32x32xf32, #tpu.memory_space<vmem>>, vector<1x16xf32>,
      %get3A_1033 = vector.shape_cast %get3A_1032 : vector<1x16xf32> to vector<16xf32>
      %mul3A_1034 = arith.mulf %gather3A_1023, %get3A_1033 : vector<16xf32>
      %add3A_1035 = arith.addf %get3A_1009, %mul3A_1034 : vector<16xf32>
      %mul3A_1036 = arith.mulf %gather3A_1028, %get3A_1033 : vector<16xf32>
      %add3A_1037 = arith.addf %get3A_1015, %mul3A_1036 : vector<16xf32>
      %get3A_1038 = arith.constant 0 : i32
      %get3A_1039 = arith.index_cast %get3A_1038 : i32 to index
      %get3A_1040 = arith.constant 16 : index
      %get3A_1041 = tpu.vector_load %arg14[%get3A_1039, %get3A_1040] {strides = array<i32>} : memref<32x32xf32, #tpu.memory_space<vmem>>, vector<1x16xf32>,
      %get3A_1042 = vector.shape_cast %get3A_1041 : vector<1x16xf32> to vector<16xf32>
      %mul3A_1043 = arith.mulf %gather3A_1023, %get3A_1042 : vector<16xf32>
      %add3A_1044 = arith.addf %get3A_1012, %mul3A_1043 : vector<16xf32>
      %mul3A_1045 = arith.mulf %gather3A_1028, %get3A_1042 : vector<16xf32>
      %add3A_1046 = arith.addf %get3A_1018, %mul3A_1045 : vector<16xf32>
      %broadcast_in_dim3A_1047 = arith.constant 1 : i32
      %broadcast_in_dim3A_1048 = vector.broadcast %broadcast_in_dim3A_1047 : i32 to vector<16xi32>
      %reshape3A_1049 = vector.shape_cast %broadcast_in_dim3A_1048 : vector<16xi32> to vector<16x1xi32>
      %gather3A_1050 = vector.shape_cast %reshape3A_1049 : vector<16x1xi32> to vector<16xi32>
      %gather3A_1051 = tpu.dynamic_gather %max3A_991[%gather3A_1050] in [0] : vector<16xf32>, vector<16xi32> -> vector<16xf32>
      %broadcast_in_dim3A_1052 = arith.constant 1 : i32
      %broadcast_in_dim3A_1053 = vector.broadcast %broadcast_in_dim3A_1052 : i32 to vector<16xi32>
      %reshape3A_1054 = vector.shape_cast %broadcast_in_dim3A_1053 : vector<16xi32> to vector<16x1xi32>
      %gather3A_1055 = vector.shape_cast %reshape3A_1054 : vector<16x1xi32> to vector<16xi32>
      %gather3A_1056 = tpu.dynamic_gather %max3A_1000[%gather3A_1055] in [0] : vector<16xf32>, vector<16xi32> -> vector<16xf32>
      %get3A_1057 = arith.constant 1 : i32
      %get3A_1058 = arith.index_cast %get3A_1057 : i32 to index
      %get3A_1059 = arith.constant 0 : index
      %get3A_1060 = tpu.vector_load %arg14[%get3A_1058, %get3A_1059] {strides = array<i32>} : memref<32x32xf32, #tpu.memory_space<vmem>>, vector<1x16xf32>,
      %get3A_1061 = vector.shape_cast %get3A_1060 : vector<1x16xf32> to vector<16xf32>
      %mul3A_1062 = arith.mulf %gather3A_1051, %get3A_1061 : vector<16xf32>
      %add3A_1063 = arith.addf %add3A_1035, %mul3A_1062 : vector<16xf32>
      %mul3A_1064 = arith.mulf %gather3A_1056, %get3A_1061 : vector<16xf32>
      %add3A_1065 = arith.addf %add3A_1037, %mul3A_1064 : vector<16xf32>
      %get3A_1066 = arith.constant 1 : i32
      %get3A_1067 = arith.index_cast %get3A_1066 : i32 to index
      %get3A_1068 = arith.constant 16 : index
      %get3A_1069 = tpu.vector_load %arg14[%get3A_1067, %get3A_1068] {strides = array<i32>} : memref<32x32xf32, #tpu.memory_space<vmem>>, vector<1x16xf32>,
      %get3A_1070 = vector.shape_cast %get3A_1069 : vector<1x16xf32> to vector<16xf32>
      %mul3A_1071 = arith.mulf %gather3A_1051, %get3A_1070 : vector<16xf32>
      %add3A_1072 = arith.addf %add3A_1044, %mul3A_1071 : vector<16xf32>
      %mul3A_1073 = arith.mulf %gather3A_1056, %get3A_1070 : vector<16xf32>
      %add3A_1074 = arith.addf %add3A_1046, %mul3A_1073 : vector<16xf32>
      %broadcast_in_dim3A_1075 = arith.constant 2 : i32
      %broadcast_in_dim3A_1076 = vector.broadcast %broadcast_in_dim3A_1075 : i32 to vector<16xi32>
      %reshape3A_1077 = vector.shape_cast %broadcast_in_dim3A_1076 : vector<16xi32> to vector<16x1xi32>
      %gather3A_1078 = vector.shape_cast %reshape3A_1077 : vector<16x1xi32> to vector<16xi32>
      %gather3A_1079 = tpu.dynamic_gather %max3A_991[%gather3A_1078] in [0] : vector<16xf32>, vector<16xi32> -> vector<16xf32>
      %broadcast_in_dim3A_1080 = arith.constant 2 : i32
      %broadcast_in_dim3A_1081 = vector.broadcast %broadcast_in_dim3A_1080 : i32 to vector<16xi32>
      %reshape3A_1082 = vector.shape_cast %broadcast_in_dim3A_1081 : vector<16xi32> to vector<16x1xi32>
      %gather3A_1083 = vector.shape_cast %reshape3A_1082 : vector<16x1xi32> to vector<16xi32>
      %gather3A_1084 = tpu.dynamic_gather %max3A_1000[%gather3A_1083] in [0] : vector<16xf32>, vector<16xi32> -> vector<16xf32>
      %get3A_1085 = arith.constant 2 : i32
      %get3A_1086 = arith.index_cast %get3A_1085 : i32 to index
      %get3A_1087 = arith.constant 0 : index
      %get3A_1088 = tpu.vector_load %arg14[%get3A_1086, %get3A_1087] {strides = array<i32>} : memref<32x32xf32, #tpu.memory_space<vmem>>, vector<1x16xf32>,
      %get3A_1089 = vector.shape_cast %get3A_1088 : vector<1x16xf32> to vector<16xf32>
      %mul3A_1090 = arith.mulf %gather3A_1079, %get3A_1089 : vector<16xf32>
      %add3A_1091 = arith.addf %add3A_1063, %mul3A_1090 : vector<16xf32>
      %mul3A_1092 = arith.mulf %gather3A_1084, %get3A_1089 : vector<16xf32>
      %add3A_1093 = arith.addf %add3A_1065, %mul3A_1092 : vector<16xf32>
      %get3A_1094 = arith.constant 2 : i32
      %get3A_1095 = arith.index_cast %get3A_1094 : i32 to index
      %get3A_1096 = arith.constant 16 : index
      %get3A_1097 = tpu.vector_load %arg14[%get3A_1095, %get3A_1096] {strides = array<i32>} : memref<32x32xf32, #tpu.memory_space<vmem>>, vector<1x16xf32>,
      %get3A_1098 = vector.shape_cast %get3A_1097 : vector<1x16xf32> to vector<16xf32>
      %mul3A_1099 = arith.mulf %gather3A_1079, %get3A_1098 : vector<16xf32>
      %add3A_1100 = arith.addf %add3A_1072, %mul3A_1099 : vector<16xf32>
      %mul3A_1101 = arith.mulf %gather3A_1084, %get3A_1098 : vector<16xf32>
      %add3A_1102 = arith.addf %add3A_1074, %mul3A_1101 : vector<16xf32>
      %broadcast_in_dim3A_1103 = arith.constant 3 : i32
      %broadcast_in_dim3A_1104 = vector.broadcast %broadcast_in_dim3A_1103 : i32 to vector<16xi32>
      %reshape3A_1105 = vector.shape_cast %broadcast_in_dim3A_1104 : vector<16xi32> to vector<16x1xi32>
      %gather3A_1106 = vector.shape_cast %reshape3A_1105 : vector<16x1xi32> to vector<16xi32>
      %gather3A_1107 = tpu.dynamic_gather %max3A_991[%gather3A_1106] in [0] : vector<16xf32>, vector<16xi32> -> vector<16xf32>
      %broadcast_in_dim3A_1108 = arith.constant 3 : i32
      %broadcast_in_dim3A_1109 = vector.broadcast %broadcast_in_dim3A_1108 : i32 to vector<16xi32>
      %reshape3A_1110 = vector.shape_cast %broadcast_in_dim3A_1109 : vector<16xi32> to vector<16x1xi32>
      %gather3A_1111 = vector.shape_cast %reshape3A_1110 : vector<16x1xi32> to vector<16xi32>
      %gather3A_1112 = tpu.dynamic_gather %max3A_1000[%gather3A_1111] in [0] : vector<16xf32>, vector<16xi32> -> vector<16xf32>
      %get3A_1113 = arith.constant 3 : i32
      %get3A_1114 = arith.index_cast %get3A_1113 : i32 to index
      %get3A_1115 = arith.constant 0 : index
      %get3A_1116 = tpu.vector_load %arg14[%get3A_1114, %get3A_1115] {strides = array<i32>} : memref<32x32xf32, #tpu.memory_space<vmem>>, vector<1x16xf32>,
      %get3A_1117 = vector.shape_cast %get3A_1116 : vector<1x16xf32> to vector<16xf32>
      %mul3A_1118 = arith.mulf %gather3A_1107, %get3A_1117 : vector<16xf32>
      %add3A_1119 = arith.addf %add3A_1091, %mul3A_1118 : vector<16xf32>
      %mul3A_1120 = arith.mulf %gather3A_1112, %get3A_1117 : vector<16xf32>
      %add3A_1121 = arith.addf %add3A_1093, %mul3A_1120 : vector<16xf32>
      %get3A_1122 = arith.constant 3 : i32
      %get3A_1123 = arith.index_cast %get3A_1122 : i32 to index
      %get3A_1124 = arith.constant 16 : index
      %get3A_1125 = tpu.vector_load %arg14[%get3A_1123, %get3A_1124] {strides = array<i32>} : memref<32x32xf32, #tpu.memory_space<vmem>>, vector<1x16xf32>,
      %get3A_1126 = vector.shape_cast %get3A_1125 : vector<1x16xf32> to vector<16xf32>
      %mul3A_1127 = arith.mulf %gather3A_1107, %get3A_1126 : vector<16xf32>
      %add3A_1128 = arith.addf %add3A_1100, %mul3A_1127 : vector<16xf32>
      %mul3A_1129 = arith.mulf %gather3A_1112, %get3A_1126 : vector<16xf32>
      %add3A_1130 = arith.addf %add3A_1102, %mul3A_1129 : vector<16xf32>
      %broadcast_in_dim3A_1131 = arith.constant 4 : i32
      %broadcast_in_dim3A_1132 = vector.broadcast %broadcast_in_dim3A_1131 : i32 to vector<16xi32>
      %reshape3A_1133 = vector.shape_cast %broadcast_in_dim3A_1132 : vector<16xi32> to vector<16x1xi32>
      %gather3A_1134 = vector.shape_cast %reshape3A_1133 : vector<16x1xi32> to vector<16xi32>
      %gather3A_1135 = tpu.dynamic_gather %max3A_991[%gather3A_1134] in [0] : vector<16xf32>, vector<16xi32> -> vector<16xf32>
      %broadcast_in_dim3A_1136 = arith.constant 4 : i32
      %broadcast_in_dim3A_1137 = vector.broadcast %broadcast_in_dim3A_1136 : i32 to vector<16xi32>
      %reshape3A_1138 = vector.shape_cast %broadcast_in_dim3A_1137 : vector<16xi32> to vector<16x1xi32>
      %gather3A_1139 = vector.shape_cast %reshape3A_1138 : vector<16x1xi32> to vector<16xi32>
      %gather3A_1140 = tpu.dynamic_gather %max3A_1000[%gather3A_1139] in [0] : vector<16xf32>, vector<16xi32> -> vector<16xf32>
      %get3A_1141 = arith.constant 4 : i32
      %get3A_1142 = arith.index_cast %get3A_1141 : i32 to index
      %get3A_1143 = arith.constant 0 : index
      %get3A_1144 = tpu.vector_load %arg14[%get3A_1142, %get3A_1143] {strides = array<i32>} : memref<32x32xf32, #tpu.memory_space<vmem>>, vector<1x16xf32>,
      %get3A_1145 = vector.shape_cast %get3A_1144 : vector<1x16xf32> to vector<16xf32>
      %mul3A_1146 = arith.mulf %gather3A_1135, %get3A_1145 : vector<16xf32>
      %add3A_1147 = arith.addf %add3A_1119, %mul3A_1146 : vector<16xf32>
      %mul3A_1148 = arith.mulf %gather3A_1140, %get3A_1145 : vector<16xf32>
      %add3A_1149 = arith.addf %add3A_1121, %mul3A_1148 : vector<16xf32>
      %get3A_1150 = arith.constant 4 : i32
      %get3A_1151 = arith.index_cast %get3A_1150 : i32 to index
      %get3A_1152 = arith.constant 16 : index
      %get3A_1153 = tpu.vector_load %arg14[%get3A_1151, %get3A_1152] {strides = array<i32>} : memref<32x32xf32, #tpu.memory_space<vmem>>, vector<1x16xf32>,
      %get3A_1154 = vector.shape_cast %get3A_1153 : vector<1x16xf32> to vector<16xf32>
      %mul3A_1155 = arith.mulf %gather3A_1135, %get3A_1154 : vector<16xf32>
      %add3A_1156 = arith.addf %add3A_1128, %mul3A_1155 : vector<16xf32>
      %mul3A_1157 = arith.mulf %gather3A_1140, %get3A_1154 : vector<16xf32>
      %add3A_1158 = arith.addf %add3A_1130, %mul3A_1157 : vector<16xf32>
      %broadcast_in_dim3A_1159 = arith.constant 5 : i32
      %broadcast_in_dim3A_1160 = vector.broadcast %broadcast_in_dim3A_1159 : i32 to vector<16xi32>
      %reshape3A_1161 = vector.shape_cast %broadcast_in_dim3A_1160 : vector<16xi32> to vector<16x1xi32>
      %gather3A_1162 = vector.shape_cast %reshape3A_1161 : vector<16x1xi32> to vector<16xi32>
      %gather3A_1163 = tpu.dynamic_gather %max3A_991[%gather3A_1162] in [0] : vector<16xf32>, vector<16xi32> -> vector<16xf32>
      %broadcast_in_dim3A_1164 = arith.constant 5 : i32
      %broadcast_in_dim3A_1165 = vector.broadcast %broadcast_in_dim3A_1164 : i32 to vector<16xi32>
      %reshape3A_1166 = vector.shape_cast %broadcast_in_dim3A_1165 : vector<16xi32> to vector<16x1xi32>
      %gather3A_1167 = vector.shape_cast %reshape3A_1166 : vector<16x1xi32> to vector<16xi32>
      %gather3A_1168 = tpu.dynamic_gather %max3A_1000[%gather3A_1167] in [0] : vector<16xf32>, vector<16xi32> -> vector<16xf32>
      %get3A_1169 = arith.constant 5 : i32
      %get3A_1170 = arith.index_cast %get3A_1169 : i32 to index
      %get3A_1171 = arith.constant 0 : index
      %get3A_1172 = tpu.vector_load %arg14[%get3A_1170, %get3A_1171] {strides = array<i32>} : memref<32x32xf32, #tpu.memory_space<vmem>>, vector<1x16xf32>,
      %get3A_1173 = vector.shape_cast %get3A_1172 : vector<1x16xf32> to vector<16xf32>
      %mul3A_1174 = arith.mulf %gather3A_1163, %get3A_1173 : vector<16xf32>
      %add3A_1175 = arith.addf %add3A_1147, %mul3A_1174 : vector<16xf32>
      %mul3A_1176 = arith.mulf %gather3A_1168, %get3A_1173 : vector<16xf32>
      %add3A_1177 = arith.addf %add3A_1149, %mul3A_1176 : vector<16xf32>
      %get3A_1178 = arith.constant 5 : i32
      %get3A_1179 = arith.index_cast %get3A_1178 : i32 to index
      %get3A_1180 = arith.constant 16 : index
      %get3A_1181 = tpu.vector_load %arg14[%get3A_1179, %get3A_1180] {strides = array<i32>} : memref<32x32xf32, #tpu.memory_space<vmem>>, vector<1x16xf32>,
      %get3A_1182 = vector.shape_cast %get3A_1181 : vector<1x16xf32> to vector<16xf32>
      %mul3A_1183 = arith.mulf %gather3A_1163, %get3A_1182 : vector<16xf32>
      %add3A_1184 = arith.addf %add3A_1156, %mul3A_1183 : vector<16xf32>
      %mul3A_1185 = arith.mulf %gather3A_1168, %get3A_1182 : vector<16xf32>
      %add3A_1186 = arith.addf %add3A_1158, %mul3A_1185 : vector<16xf32>
      %broadcast_in_dim3A_1187 = arith.constant 6 : i32
      %broadcast_in_dim3A_1188 = vector.broadcast %broadcast_in_dim3A_1187 : i32 to vector<16xi32>
      %reshape3A_1189 = vector.shape_cast %broadcast_in_dim3A_1188 : vector<16xi32> to vector<16x1xi32>
      %gather3A_1190 = vector.shape_cast %reshape3A_1189 : vector<16x1xi32> to vector<16xi32>
      %gather3A_1191 = tpu.dynamic_gather %max3A_991[%gather3A_1190] in [0] : vector<16xf32>, vector<16xi32> -> vector<16xf32>
      %broadcast_in_dim3A_1192 = arith.constant 6 : i32
      %broadcast_in_dim3A_1193 = vector.broadcast %broadcast_in_dim3A_1192 : i32 to vector<16xi32>
      %reshape3A_1194 = vector.shape_cast %broadcast_in_dim3A_1193 : vector<16xi32> to vector<16x1xi32>
      %gather3A_1195 = vector.shape_cast %reshape3A_1194 : vector<16x1xi32> to vector<16xi32>
      %gather3A_1196 = tpu.dynamic_gather %max3A_1000[%gather3A_1195] in [0] : vector<16xf32>, vector<16xi32> -> vector<16xf32>
      %get3A_1197 = arith.constant 6 : i32
      %get3A_1198 = arith.index_cast %get3A_1197 : i32 to index
      %get3A_1199 = arith.constant 0 : index
      %get3A_1200 = tpu.vector_load %arg14[%get3A_1198, %get3A_1199] {strides = array<i32>} : memref<32x32xf32, #tpu.memory_space<vmem>>, vector<1x16xf32>,
      %get3A_1201 = vector.shape_cast %get3A_1200 : vector<1x16xf32> to vector<16xf32>
      %mul3A_1202 = arith.mulf %gather3A_1191, %get3A_1201 : vector<16xf32>
      %add3A_1203 = arith.addf %add3A_1175, %mul3A_1202 : vector<16xf32>
      %mul3A_1204 = arith.mulf %gather3A_1196, %get3A_1201 : vector<16xf32>
      %add3A_1205 = arith.addf %add3A_1177, %mul3A_1204 : vector<16xf32>
      %get3A_1206 = arith.constant 6 : i32
      %get3A_1207 = arith.index_cast %get3A_1206 : i32 to index
      %get3A_1208 = arith.constant 16 : index
      %get3A_1209 = tpu.vector_load %arg14[%get3A_1207, %get3A_1208] {strides = array<i32>} : memref<32x32xf32, #tpu.memory_space<vmem>>, vector<1x16xf32>,
      %get3A_1210 = vector.shape_cast %get3A_1209 : vector<1x16xf32> to vector<16xf32>
      %mul3A_1211 = arith.mulf %gather3A_1191, %get3A_1210 : vector<16xf32>
      %add3A_1212 = arith.addf %add3A_1184, %mul3A_1211 : vector<16xf32>
      %mul3A_1213 = arith.mulf %gather3A_1196, %get3A_1210 : vector<16xf32>
      %add3A_1214 = arith.addf %add3A_1186, %mul3A_1213 : vector<16xf32>
      %broadcast_in_dim3A_1215 = arith.constant 7 : i32
      %broadcast_in_dim3A_1216 = vector.broadcast %broadcast_in_dim3A_1215 : i32 to vector<16xi32>
      %reshape3A_1217 = vector.shape_cast %broadcast_in_dim3A_1216 : vector<16xi32> to vector<16x1xi32>
      %gather3A_1218 = vector.shape_cast %reshape3A_1217 : vector<16x1xi32> to vector<16xi32>
      %gather3A_1219 = tpu.dynamic_gather %max3A_991[%gather3A_1218] in [0] : vector<16xf32>, vector<16xi32> -> vector<16xf32>
      %broadcast_in_dim3A_1220 = arith.constant 7 : i32
      %broadcast_in_dim3A_1221 = vector.broadcast %broadcast_in_dim3A_1220 : i32 to vector<16xi32>
      %reshape3A_1222 = vector.shape_cast %broadcast_in_dim3A_1221 : vector<16xi32> to vector<16x1xi32>
      %gather3A_1223 = vector.shape_cast %reshape3A_1222 : vector<16x1xi32> to vector<16xi32>
      %gather3A_1224 = tpu.dynamic_gather %max3A_1000[%gather3A_1223] in [0] : vector<16xf32>, vector<16xi32> -> vector<16xf32>
      %get3A_1225 = arith.constant 7 : i32
      %get3A_1226 = arith.index_cast %get3A_1225 : i32 to index
      %get3A_1227 = arith.constant 0 : index
      %get3A_1228 = tpu.vector_load %arg14[%get3A_1226, %get3A_1227] {strides = array<i32>} : memref<32x32xf32, #tpu.memory_space<vmem>>, vector<1x16xf32>,
      %get3A_1229 = vector.shape_cast %get3A_1228 : vector<1x16xf32> to vector<16xf32>
      %mul3A_1230 = arith.mulf %gather3A_1219, %get3A_1229 : vector<16xf32>
      %add3A_1231 = arith.addf %add3A_1203, %mul3A_1230 : vector<16xf32>
      %mul3A_1232 = arith.mulf %gather3A_1224, %get3A_1229 : vector<16xf32>
      %add3A_1233 = arith.addf %add3A_1205, %mul3A_1232 : vector<16xf32>
      %get3A_1234 = arith.constant 7 : i32
      %get3A_1235 = arith.index_cast %get3A_1234 : i32 to index
      %get3A_1236 = arith.constant 16 : index
      %get3A_1237 = tpu.vector_load %arg14[%get3A_1235, %get3A_1236] {strides = array<i32>} : memref<32x32xf32, #tpu.memory_space<vmem>>, vector<1x16xf32>,
      %get3A_1238 = vector.shape_cast %get3A_1237 : vector<1x16xf32> to vector<16xf32>
      %mul3A_1239 = arith.mulf %gather3A_1219, %get3A_1238 : vector<16xf32>
      %add3A_1240 = arith.addf %add3A_1212, %mul3A_1239 : vector<16xf32>
      %mul3A_1241 = arith.mulf %gather3A_1224, %get3A_1238 : vector<16xf32>
      %add3A_1242 = arith.addf %add3A_1214, %mul3A_1241 : vector<16xf32>
      %broadcast_in_dim3A_1243 = arith.constant 8 : i32
      %broadcast_in_dim3A_1244 = vector.broadcast %broadcast_in_dim3A_1243 : i32 to vector<16xi32>
      %reshape3A_1245 = vector.shape_cast %broadcast_in_dim3A_1244 : vector<16xi32> to vector<16x1xi32>
      %gather3A_1246 = vector.shape_cast %reshape3A_1245 : vector<16x1xi32> to vector<16xi32>
      %gather3A_1247 = tpu.dynamic_gather %max3A_991[%gather3A_1246] in [0] : vector<16xf32>, vector<16xi32> -> vector<16xf32>
      %broadcast_in_dim3A_1248 = arith.constant 8 : i32
      %broadcast_in_dim3A_1249 = vector.broadcast %broadcast_in_dim3A_1248 : i32 to vector<16xi32>
      %reshape3A_1250 = vector.shape_cast %broadcast_in_dim3A_1249 : vector<16xi32> to vector<16x1xi32>
      %gather3A_1251 = vector.shape_cast %reshape3A_1250 : vector<16x1xi32> to vector<16xi32>
      %gather3A_1252 = tpu.dynamic_gather %max3A_1000[%gather3A_1251] in [0] : vector<16xf32>, vector<16xi32> -> vector<16xf32>
      %get3A_1253 = arith.constant 8 : i32
      %get3A_1254 = arith.index_cast %get3A_1253 : i32 to index
      %get3A_1255 = arith.constant 0 : index
      %get3A_1256 = tpu.vector_load %arg14[%get3A_1254, %get3A_1255] {strides = array<i32>} : memref<32x32xf32, #tpu.memory_space<vmem>>, vector<1x16xf32>,
      %get3A_1257 = vector.shape_cast %get3A_1256 : vector<1x16xf32> to vector<16xf32>
      %mul3A_1258 = arith.mulf %gather3A_1247, %get3A_1257 : vector<16xf32>
      %add3A_1259 = arith.addf %add3A_1231, %mul3A_1258 : vector<16xf32>
      %mul3A_1260 = arith.mulf %gather3A_1252, %get3A_1257 : vector<16xf32>
      %add3A_1261 = arith.addf %add3A_1233, %mul3A_1260 : vector<16xf32>
      %get3A_1262 = arith.constant 8 : i32
      %get3A_1263 = arith.index_cast %get3A_1262 : i32 to index
      %get3A_1264 = arith.constant 16 : index
      %get3A_1265 = tpu.vector_load %arg14[%get3A_1263, %get3A_1264] {strides = array<i32>} : memref<32x32xf32, #tpu.memory_space<vmem>>, vector<1x16xf32>,
      %get3A_1266 = vector.shape_cast %get3A_1265 : vector<1x16xf32> to vector<16xf32>
      %mul3A_1267 = arith.mulf %gather3A_1247, %get3A_1266 : vector<16xf32>
      %add3A_1268 = arith.addf %add3A_1240, %mul3A_1267 : vector<16xf32>
      %mul3A_1269 = arith.mulf %gather3A_1252, %get3A_1266 : vector<16xf32>
      %add3A_1270 = arith.addf %add3A_1242, %mul3A_1269 : vector<16xf32>
      %broadcast_in_dim3A_1271 = arith.constant 9 : i32
      %broadcast_in_dim3A_1272 = vector.broadcast %broadcast_in_dim3A_1271 : i32 to vector<16xi32>
      %reshape3A_1273 = vector.shape_cast %broadcast_in_dim3A_1272 : vector<16xi32> to vector<16x1xi32>
      %gather3A_1274 = vector.shape_cast %reshape3A_1273 : vector<16x1xi32> to vector<16xi32>
      %gather3A_1275 = tpu.dynamic_gather %max3A_991[%gather3A_1274] in [0] : vector<16xf32>, vector<16xi32> -> vector<16xf32>
      %broadcast_in_dim3A_1276 = arith.constant 9 : i32
      %broadcast_in_dim3A_1277 = vector.broadcast %broadcast_in_dim3A_1276 : i32 to vector<16xi32>
      %reshape3A_1278 = vector.shape_cast %broadcast_in_dim3A_1277 : vector<16xi32> to vector<16x1xi32>
      %gather3A_1279 = vector.shape_cast %reshape3A_1278 : vector<16x1xi32> to vector<16xi32>
      %gather3A_1280 = tpu.dynamic_gather %max3A_1000[%gather3A_1279] in [0] : vector<16xf32>, vector<16xi32> -> vector<16xf32>
      %get3A_1281 = arith.constant 9 : i32
      %get3A_1282 = arith.index_cast %get3A_1281 : i32 to index
      %get3A_1283 = arith.constant 0 : index
      %get3A_1284 = tpu.vector_load %arg14[%get3A_1282, %get3A_1283] {strides = array<i32>} : memref<32x32xf32, #tpu.memory_space<vmem>>, vector<1x16xf32>,
      %get3A_1285 = vector.shape_cast %get3A_1284 : vector<1x16xf32> to vector<16xf32>
      %mul3A_1286 = arith.mulf %gather3A_1275, %get3A_1285 : vector<16xf32>
      %add3A_1287 = arith.addf %add3A_1259, %mul3A_1286 : vector<16xf32>
      %mul3A_1288 = arith.mulf %gather3A_1280, %get3A_1285 : vector<16xf32>
      %add3A_1289 = arith.addf %add3A_1261, %mul3A_1288 : vector<16xf32>
      %get3A_1290 = arith.constant 9 : i32
      %get3A_1291 = arith.index_cast %get3A_1290 : i32 to index
      %get3A_1292 = arith.constant 16 : index
      %get3A_1293 = tpu.vector_load %arg14[%get3A_1291, %get3A_1292] {strides = array<i32>} : memref<32x32xf32, #tpu.memory_space<vmem>>, vector<1x16xf32>,
      %get3A_1294 = vector.shape_cast %get3A_1293 : vector<1x16xf32> to vector<16xf32>
      %mul3A_1295 = arith.mulf %gather3A_1275, %get3A_1294 : vector<16xf32>
      %add3A_1296 = arith.addf %add3A_1268, %mul3A_1295 : vector<16xf32>
      %mul3A_1297 = arith.mulf %gather3A_1280, %get3A_1294 : vector<16xf32>
      %add3A_1298 = arith.addf %add3A_1270, %mul3A_1297 : vector<16xf32>
      %broadcast_in_dim3A_1299 = arith.constant 10 : i32
      %broadcast_in_dim3A_1300 = vector.broadcast %broadcast_in_dim3A_1299 : i32 to vector<16xi32>
      %reshape3A_1301 = vector.shape_cast %broadcast_in_dim3A_1300 : vector<16xi32> to vector<16x1xi32>
      %gather3A_1302 = vector.shape_cast %reshape3A_1301 : vector<16x1xi32> to vector<16xi32>
      %gather3A_1303 = tpu.dynamic_gather %max3A_991[%gather3A_1302] in [0] : vector<16xf32>, vector<16xi32> -> vector<16xf32>
      %broadcast_in_dim3A_1304 = arith.constant 10 : i32
      %broadcast_in_dim3A_1305 = vector.broadcast %broadcast_in_dim3A_1304 : i32 to vector<16xi32>
      %reshape3A_1306 = vector.shape_cast %broadcast_in_dim3A_1305 : vector<16xi32> to vector<16x1xi32>
      %gather3A_1307 = vector.shape_cast %reshape3A_1306 : vector<16x1xi32> to vector<16xi32>
      %gather3A_1308 = tpu.dynamic_gather %max3A_1000[%gather3A_1307] in [0] : vector<16xf32>, vector<16xi32> -> vector<16xf32>
      %get3A_1309 = arith.constant 10 : i32
      %get3A_1310 = arith.index_cast %get3A_1309 : i32 to index
      %get3A_1311 = arith.constant 0 : index
      %get3A_1312 = tpu.vector_load %arg14[%get3A_1310, %get3A_1311] {strides = array<i32>} : memref<32x32xf32, #tpu.memory_space<vmem>>, vector<1x16xf32>,
      %get3A_1313 = vector.shape_cast %get3A_1312 : vector<1x16xf32> to vector<16xf32>
      %mul3A_1314 = arith.mulf %gather3A_1303, %get3A_1313 : vector<16xf32>
      %add3A_1315 = arith.addf %add3A_1287, %mul3A_1314 : vector<16xf32>
      %mul3A_1316 = arith.mulf %gather3A_1308, %get3A_1313 : vector<16xf32>
      %add3A_1317 = arith.addf %add3A_1289, %mul3A_1316 : vector<16xf32>
      %get3A_1318 = arith.constant 10 : i32
      %get3A_1319 = arith.index_cast %get3A_1318 : i32 to index
      %get3A_1320 = arith.constant 16 : index
      %get3A_1321 = tpu.vector_load %arg14[%get3A_1319, %get3A_1320] {strides = array<i32>} : memref<32x32xf32, #tpu.memory_space<vmem>>, vector<1x16xf32>,
      %get3A_1322 = vector.shape_cast %get3A_1321 : vector<1x16xf32> to vector<16xf32>
      %mul3A_1323 = arith.mulf %gather3A_1303, %get3A_1322 : vector<16xf32>
      %add3A_1324 = arith.addf %add3A_1296, %mul3A_1323 : vector<16xf32>
      %mul3A_1325 = arith.mulf %gather3A_1308, %get3A_1322 : vector<16xf32>
      %add3A_1326 = arith.addf %add3A_1298, %mul3A_1325 : vector<16xf32>
      %broadcast_in_dim3A_1327 = arith.constant 11 : i32
      %broadcast_in_dim3A_1328 = vector.broadcast %broadcast_in_dim3A_1327 : i32 to vector<16xi32>
      %reshape3A_1329 = vector.shape_cast %broadcast_in_dim3A_1328 : vector<16xi32> to vector<16x1xi32>
      %gather3A_1330 = vector.shape_cast %reshape3A_1329 : vector<16x1xi32> to vector<16xi32>
      %gather3A_1331 = tpu.dynamic_gather %max3A_991[%gather3A_1330] in [0] : vector<16xf32>, vector<16xi32> -> vector<16xf32>
      %broadcast_in_dim3A_1332 = arith.constant 11 : i32
      %broadcast_in_dim3A_1333 = vector.broadcast %broadcast_in_dim3A_1332 : i32 to vector<16xi32>
      %reshape3A_1334 = vector.shape_cast %broadcast_in_dim3A_1333 : vector<16xi32> to vector<16x1xi32>
      %gather3A_1335 = vector.shape_cast %reshape3A_1334 : vector<16x1xi32> to vector<16xi32>
      %gather3A_1336 = tpu.dynamic_gather %max3A_1000[%gather3A_1335] in [0] : vector<16xf32>, vector<16xi32> -> vector<16xf32>
      %get3A_1337 = arith.constant 11 : i32
      %get3A_1338 = arith.index_cast %get3A_1337 : i32 to index
      %get3A_1339 = arith.constant 0 : index
      %get3A_1340 = tpu.vector_load %arg14[%get3A_1338, %get3A_1339] {strides = array<i32>} : memref<32x32xf32, #tpu.memory_space<vmem>>, vector<1x16xf32>,
      %get3A_1341 = vector.shape_cast %get3A_1340 : vector<1x16xf32> to vector<16xf32>
      %mul3A_1342 = arith.mulf %gather3A_1331, %get3A_1341 : vector<16xf32>
      %add3A_1343 = arith.addf %add3A_1315, %mul3A_1342 : vector<16xf32>
      %mul3A_1344 = arith.mulf %gather3A_1336, %get3A_1341 : vector<16xf32>
      %add3A_1345 = arith.addf %add3A_1317, %mul3A_1344 : vector<16xf32>
      %get3A_1346 = arith.constant 11 : i32
      %get3A_1347 = arith.index_cast %get3A_1346 : i32 to index
      %get3A_1348 = arith.constant 16 : index
      %get3A_1349 = tpu.vector_load %arg14[%get3A_1347, %get3A_1348] {strides = array<i32>} : memref<32x32xf32, #tpu.memory_space<vmem>>, vector<1x16xf32>,
      %get3A_1350 = vector.shape_cast %get3A_1349 : vector<1x16xf32> to vector<16xf32>
      %mul3A_1351 = arith.mulf %gather3A_1331, %get3A_1350 : vector<16xf32>
      %add3A_1352 = arith.addf %add3A_1324, %mul3A_1351 : vector<16xf32>
      %mul3A_1353 = arith.mulf %gather3A_1336, %get3A_1350 : vector<16xf32>
      %add3A_1354 = arith.addf %add3A_1326, %mul3A_1353 : vector<16xf32>
      %broadcast_in_dim3A_1355 = arith.constant 12 : i32
      %broadcast_in_dim3A_1356 = vector.broadcast %broadcast_in_dim3A_1355 : i32 to vector<16xi32>
      %reshape3A_1357 = vector.shape_cast %broadcast_in_dim3A_1356 : vector<16xi32> to vector<16x1xi32>
      %gather3A_1358 = vector.shape_cast %reshape3A_1357 : vector<16x1xi32> to vector<16xi32>
      %gather3A_1359 = tpu.dynamic_gather %max3A_991[%gather3A_1358] in [0] : vector<16xf32>, vector<16xi32> -> vector<16xf32>
      %broadcast_in_dim3A_1360 = arith.constant 12 : i32
      %broadcast_in_dim3A_1361 = vector.broadcast %broadcast_in_dim3A_1360 : i32 to vector<16xi32>
      %reshape3A_1362 = vector.shape_cast %broadcast_in_dim3A_1361 : vector<16xi32> to vector<16x1xi32>
      %gather3A_1363 = vector.shape_cast %reshape3A_1362 : vector<16x1xi32> to vector<16xi32>
      %gather3A_1364 = tpu.dynamic_gather %max3A_1000[%gather3A_1363] in [0] : vector<16xf32>, vector<16xi32> -> vector<16xf32>
      %get3A_1365 = arith.constant 12 : i32
      %get3A_1366 = arith.index_cast %get3A_1365 : i32 to index
      %get3A_1367 = arith.constant 0 : index
      %get3A_1368 = tpu.vector_load %arg14[%get3A_1366, %get3A_1367] {strides = array<i32>} : memref<32x32xf32, #tpu.memory_space<vmem>>, vector<1x16xf32>,
      %get3A_1369 = vector.shape_cast %get3A_1368 : vector<1x16xf32> to vector<16xf32>
      %mul3A_1370 = arith.mulf %gather3A_1359, %get3A_1369 : vector<16xf32>
      %add3A_1371 = arith.addf %add3A_1343, %mul3A_1370 : vector<16xf32>
      %mul3A_1372 = arith.mulf %gather3A_1364, %get3A_1369 : vector<16xf32>
      %add3A_1373 = arith.addf %add3A_1345, %mul3A_1372 : vector<16xf32>
      %get3A_1374 = arith.constant 12 : i32
      %get3A_1375 = arith.index_cast %get3A_1374 : i32 to index
      %get3A_1376 = arith.constant 16 : index
      %get3A_1377 = tpu.vector_load %arg14[%get3A_1375, %get3A_1376] {strides = array<i32>} : memref<32x32xf32, #tpu.memory_space<vmem>>, vector<1x16xf32>,
      %get3A_1378 = vector.shape_cast %get3A_1377 : vector<1x16xf32> to vector<16xf32>
      %mul3A_1379 = arith.mulf %gather3A_1359, %get3A_1378 : vector<16xf32>
      %add3A_1380 = arith.addf %add3A_1352, %mul3A_1379 : vector<16xf32>
      %mul3A_1381 = arith.mulf %gather3A_1364, %get3A_1378 : vector<16xf32>
      %add3A_1382 = arith.addf %add3A_1354, %mul3A_1381 : vector<16xf32>
      %broadcast_in_dim3A_1383 = arith.constant 13 : i32
      %broadcast_in_dim3A_1384 = vector.broadcast %broadcast_in_dim3A_1383 : i32 to vector<16xi32>
      %reshape3A_1385 = vector.shape_cast %broadcast_in_dim3A_1384 : vector<16xi32> to vector<16x1xi32>
      %gather3A_1386 = vector.shape_cast %reshape3A_1385 : vector<16x1xi32> to vector<16xi32>
      %gather3A_1387 = tpu.dynamic_gather %max3A_991[%gather3A_1386] in [0] : vector<16xf32>, vector<16xi32> -> vector<16xf32>
      %broadcast_in_dim3A_1388 = arith.constant 13 : i32
      %broadcast_in_dim3A_1389 = vector.broadcast %broadcast_in_dim3A_1388 : i32 to vector<16xi32>
      %reshape3A_1390 = vector.shape_cast %broadcast_in_dim3A_1389 : vector<16xi32> to vector<16x1xi32>
      %gather3A_1391 = vector.shape_cast %reshape3A_1390 : vector<16x1xi32> to vector<16xi32>
      %gather3A_1392 = tpu.dynamic_gather %max3A_1000[%gather3A_1391] in [0] : vector<16xf32>, vector<16xi32> -> vector<16xf32>
      %get3A_1393 = arith.constant 13 : i32
      %get3A_1394 = arith.index_cast %get3A_1393 : i32 to index
      %get3A_1395 = arith.constant 0 : index
      %get3A_1396 = tpu.vector_load %arg14[%get3A_1394, %get3A_1395] {strides = array<i32>} : memref<32x32xf32, #tpu.memory_space<vmem>>, vector<1x16xf32>,
      %get3A_1397 = vector.shape_cast %get3A_1396 : vector<1x16xf32> to vector<16xf32>
      %mul3A_1398 = arith.mulf %gather3A_1387, %get3A_1397 : vector<16xf32>
      %add3A_1399 = arith.addf %add3A_1371, %mul3A_1398 : vector<16xf32>
      %mul3A_1400 = arith.mulf %gather3A_1392, %get3A_1397 : vector<16xf32>
      %add3A_1401 = arith.addf %add3A_1373, %mul3A_1400 : vector<16xf32>
      %get3A_1402 = arith.constant 13 : i32
      %get3A_1403 = arith.index_cast %get3A_1402 : i32 to index
      %get3A_1404 = arith.constant 16 : index
      %get3A_1405 = tpu.vector_load %arg14[%get3A_1403, %get3A_1404] {strides = array<i32>} : memref<32x32xf32, #tpu.memory_space<vmem>>, vector<1x16xf32>,
      %get3A_1406 = vector.shape_cast %get3A_1405 : vector<1x16xf32> to vector<16xf32>
      %mul3A_1407 = arith.mulf %gather3A_1387, %get3A_1406 : vector<16xf32>
      %add3A_1408 = arith.addf %add3A_1380, %mul3A_1407 : vector<16xf32>
      %mul3A_1409 = arith.mulf %gather3A_1392, %get3A_1406 : vector<16xf32>
      %add3A_1410 = arith.addf %add3A_1382, %mul3A_1409 : vector<16xf32>
      %broadcast_in_dim3A_1411 = arith.constant 14 : i32
      %broadcast_in_dim3A_1412 = vector.broadcast %broadcast_in_dim3A_1411 : i32 to vector<16xi32>
      %reshape3A_1413 = vector.shape_cast %broadcast_in_dim3A_1412 : vector<16xi32> to vector<16x1xi32>
      %gather3A_1414 = vector.shape_cast %reshape3A_1413 : vector<16x1xi32> to vector<16xi32>
      %gather3A_1415 = tpu.dynamic_gather %max3A_991[%gather3A_1414] in [0] : vector<16xf32>, vector<16xi32> -> vector<16xf32>
      %broadcast_in_dim3A_1416 = arith.constant 14 : i32
      %broadcast_in_dim3A_1417 = vector.broadcast %broadcast_in_dim3A_1416 : i32 to vector<16xi32>
      %reshape3A_1418 = vector.shape_cast %broadcast_in_dim3A_1417 : vector<16xi32> to vector<16x1xi32>
      %gather3A_1419 = vector.shape_cast %reshape3A_1418 : vector<16x1xi32> to vector<16xi32>
      %gather3A_1420 = tpu.dynamic_gather %max3A_1000[%gather3A_1419] in [0] : vector<16xf32>, vector<16xi32> -> vector<16xf32>
      %get3A_1421 = arith.constant 14 : i32
      %get3A_1422 = arith.index_cast %get3A_1421 : i32 to index
      %get3A_1423 = arith.constant 0 : index
      %get3A_1424 = tpu.vector_load %arg14[%get3A_1422, %get3A_1423] {strides = array<i32>} : memref<32x32xf32, #tpu.memory_space<vmem>>, vector<1x16xf32>,
      %get3A_1425 = vector.shape_cast %get3A_1424 : vector<1x16xf32> to vector<16xf32>
      %mul3A_1426 = arith.mulf %gather3A_1415, %get3A_1425 : vector<16xf32>
      %add3A_1427 = arith.addf %add3A_1399, %mul3A_1426 : vector<16xf32>
      %mul3A_1428 = arith.mulf %gather3A_1420, %get3A_1425 : vector<16xf32>
      %add3A_1429 = arith.addf %add3A_1401, %mul3A_1428 : vector<16xf32>
      %get3A_1430 = arith.constant 14 : i32
      %get3A_1431 = arith.index_cast %get3A_1430 : i32 to index
      %get3A_1432 = arith.constant 16 : index
      %get3A_1433 = tpu.vector_load %arg14[%get3A_1431, %get3A_1432] {strides = array<i32>} : memref<32x32xf32, #tpu.memory_space<vmem>>, vector<1x16xf32>,
      %get3A_1434 = vector.shape_cast %get3A_1433 : vector<1x16xf32> to vector<16xf32>
      %mul3A_1435 = arith.mulf %gather3A_1415, %get3A_1434 : vector<16xf32>
      %add3A_1436 = arith.addf %add3A_1408, %mul3A_1435 : vector<16xf32>
      %mul3A_1437 = arith.mulf %gather3A_1420, %get3A_1434 : vector<16xf32>
      %add3A_1438 = arith.addf %add3A_1410, %mul3A_1437 : vector<16xf32>
      %broadcast_in_dim3A_1439 = arith.constant 15 : i32
      %broadcast_in_dim3A_1440 = vector.broadcast %broadcast_in_dim3A_1439 : i32 to vector<16xi32>
      %reshape3A_1441 = vector.shape_cast %broadcast_in_dim3A_1440 : vector<16xi32> to vector<16x1xi32>
      %gather3A_1442 = vector.shape_cast %reshape3A_1441 : vector<16x1xi32> to vector<16xi32>
      %gather3A_1443 = tpu.dynamic_gather %max3A_991[%gather3A_1442] in [0] : vector<16xf32>, vector<16xi32> -> vector<16xf32>
      %broadcast_in_dim3A_1444 = arith.constant 15 : i32
      %broadcast_in_dim3A_1445 = vector.broadcast %broadcast_in_dim3A_1444 : i32 to vector<16xi32>
      %reshape3A_1446 = vector.shape_cast %broadcast_in_dim3A_1445 : vector<16xi32> to vector<16x1xi32>
      %gather3A_1447 = vector.shape_cast %reshape3A_1446 : vector<16x1xi32> to vector<16xi32>
      %gather3A_1448 = tpu.dynamic_gather %max3A_1000[%gather3A_1447] in [0] : vector<16xf32>, vector<16xi32> -> vector<16xf32>
      %get3A_1449 = arith.constant 15 : i32
      %get3A_1450 = arith.index_cast %get3A_1449 : i32 to index
      %get3A_1451 = arith.constant 0 : index
      %get3A_1452 = tpu.vector_load %arg14[%get3A_1450, %get3A_1451] {strides = array<i32>} : memref<32x32xf32, #tpu.memory_space<vmem>>, vector<1x16xf32>,
      %get3A_1453 = vector.shape_cast %get3A_1452 : vector<1x16xf32> to vector<16xf32>
      %mul3A_1454 = arith.mulf %gather3A_1443, %get3A_1453 : vector<16xf32>
      %add3A_1455 = arith.addf %add3A_1427, %mul3A_1454 : vector<16xf32>
      %mul3A_1456 = arith.mulf %gather3A_1448, %get3A_1453 : vector<16xf32>
      %add3A_1457 = arith.addf %add3A_1429, %mul3A_1456 : vector<16xf32>
      %get3A_1458 = arith.constant 15 : i32
      %get3A_1459 = arith.index_cast %get3A_1458 : i32 to index
      %get3A_1460 = arith.constant 16 : index
      %get3A_1461 = tpu.vector_load %arg14[%get3A_1459, %get3A_1460] {strides = array<i32>} : memref<32x32xf32, #tpu.memory_space<vmem>>, vector<1x16xf32>,
      %get3A_1462 = vector.shape_cast %get3A_1461 : vector<1x16xf32> to vector<16xf32>
      %mul3A_1463 = arith.mulf %gather3A_1443, %get3A_1462 : vector<16xf32>
      %add3A_1464 = arith.addf %add3A_1436, %mul3A_1463 : vector<16xf32>
      %mul3A_1465 = arith.mulf %gather3A_1448, %get3A_1462 : vector<16xf32>
      %add3A_1466 = arith.addf %add3A_1438, %mul3A_1465 : vector<16xf32>
      %broadcast_in_dim3A_1467 = arith.constant 0 : i32
      %broadcast_in_dim3A_1468 = vector.broadcast %broadcast_in_dim3A_1467 : i32 to vector<16xi32>
      %reshape3A_1469 = vector.shape_cast %broadcast_in_dim3A_1468 : vector<16xi32> to vector<16x1xi32>
      %gather3A_1470 = vector.shape_cast %reshape3A_1469 : vector<16x1xi32> to vector<16xi32>
      %gather3A_1471 = tpu.dynamic_gather %max3A_994[%gather3A_1470] in [0] : vector<16xf32>, vector<16xi32> -> vector<16xf32>
      %broadcast_in_dim3A_1472 = arith.constant 0 : i32
      %broadcast_in_dim3A_1473 = vector.broadcast %broadcast_in_dim3A_1472 : i32 to vector<16xi32>
      %reshape3A_1474 = vector.shape_cast %broadcast_in_dim3A_1473 : vector<16xi32> to vector<16x1xi32>
      %gather3A_1475 = vector.shape_cast %reshape3A_1474 : vector<16x1xi32> to vector<16xi32>
      %gather3A_1476 = tpu.dynamic_gather %max3A_1006[%gather3A_1475] in [0] : vector<16xf32>, vector<16xi32> -> vector<16xf32>
      %get3A_1477 = arith.constant 16 : i32
      %get3A_1478 = arith.index_cast %get3A_1477 : i32 to index
      %get3A_1479 = arith.constant 0 : index
      %get3A_1480 = tpu.vector_load %arg14[%get3A_1478, %get3A_1479] {strides = array<i32>} : memref<32x32xf32, #tpu.memory_space<vmem>>, vector<1x16xf32>,
      %get3A_1481 = vector.shape_cast %get3A_1480 : vector<1x16xf32> to vector<16xf32>
      %mul3A_1482 = arith.mulf %gather3A_1471, %get3A_1481 : vector<16xf32>
      %add3A_1483 = arith.addf %add3A_1455, %mul3A_1482 : vector<16xf32>
      %mul3A_1484 = arith.mulf %gather3A_1476, %get3A_1481 : vector<16xf32>
      %add3A_1485 = arith.addf %add3A_1457, %mul3A_1484 : vector<16xf32>
      %get3A_1486 = arith.constant 16 : i32
      %get3A_1487 = arith.index_cast %get3A_1486 : i32 to index
      %get3A_1488 = arith.constant 16 : index
      %get3A_1489 = tpu.vector_load %arg14[%get3A_1487, %get3A_1488] {strides = array<i32>} : memref<32x32xf32, #tpu.memory_space<vmem>>, vector<1x16xf32>,
      %get3A_1490 = vector.shape_cast %get3A_1489 : vector<1x16xf32> to vector<16xf32>
      %mul3A_1491 = arith.mulf %gather3A_1471, %get3A_1490 : vector<16xf32>
      %add3A_1492 = arith.addf %add3A_1464, %mul3A_1491 : vector<16xf32>
      %mul3A_1493 = arith.mulf %gather3A_1476, %get3A_1490 : vector<16xf32>
      %add3A_1494 = arith.addf %add3A_1466, %mul3A_1493 : vector<16xf32>
      %broadcast_in_dim3A_1495 = arith.constant 1 : i32
      %broadcast_in_dim3A_1496 = vector.broadcast %broadcast_in_dim3A_1495 : i32 to vector<16xi32>
      %reshape3A_1497 = vector.shape_cast %broadcast_in_dim3A_1496 : vector<16xi32> to vector<16x1xi32>
      %gather3A_1498 = vector.shape_cast %reshape3A_1497 : vector<16x1xi32> to vector<16xi32>
      %gather3A_1499 = tpu.dynamic_gather %max3A_994[%gather3A_1498] in [0] : vector<16xf32>, vector<16xi32> -> vector<16xf32>
      %broadcast_in_dim3A_1500 = arith.constant 1 : i32
      %broadcast_in_dim3A_1501 = vector.broadcast %broadcast_in_dim3A_1500 : i32 to vector<16xi32>
      %reshape3A_1502 = vector.shape_cast %broadcast_in_dim3A_1501 : vector<16xi32> to vector<16x1xi32>
      %gather3A_1503 = vector.shape_cast %reshape3A_1502 : vector<16x1xi32> to vector<16xi32>
      %gather3A_1504 = tpu.dynamic_gather %max3A_1006[%gather3A_1503] in [0] : vector<16xf32>, vector<16xi32> -> vector<16xf32>
      %get3A_1505 = arith.constant 17 : i32
      %get3A_1506 = arith.index_cast %get3A_1505 : i32 to index
      %get3A_1507 = arith.constant 0 : index
      %get3A_1508 = tpu.vector_load %arg14[%get3A_1506, %get3A_1507] {strides = array<i32>} : memref<32x32xf32, #tpu.memory_space<vmem>>, vector<1x16xf32>,
      %get3A_1509 = vector.shape_cast %get3A_1508 : vector<1x16xf32> to vector<16xf32>
      %mul3A_1510 = arith.mulf %gather3A_1499, %get3A_1509 : vector<16xf32>
      %add3A_1511 = arith.addf %add3A_1483, %mul3A_1510 : vector<16xf32>
      %mul3A_1512 = arith.mulf %gather3A_1504, %get3A_1509 : vector<16xf32>
      %add3A_1513 = arith.addf %add3A_1485, %mul3A_1512 : vector<16xf32>
      %get3A_1514 = arith.constant 17 : i32
      %get3A_1515 = arith.index_cast %get3A_1514 : i32 to index
      %get3A_1516 = arith.constant 16 : index
      %get3A_1517 = tpu.vector_load %arg14[%get3A_1515, %get3A_1516] {strides = array<i32>} : memref<32x32xf32, #tpu.memory_space<vmem>>, vector<1x16xf32>,
      %get3A_1518 = vector.shape_cast %get3A_1517 : vector<1x16xf32> to vector<16xf32>
      %mul3A_1519 = arith.mulf %gather3A_1499, %get3A_1518 : vector<16xf32>
      %add3A_1520 = arith.addf %add3A_1492, %mul3A_1519 : vector<16xf32>
      %mul3A_1521 = arith.mulf %gather3A_1504, %get3A_1518 : vector<16xf32>
      %add3A_1522 = arith.addf %add3A_1494, %mul3A_1521 : vector<16xf32>
      %broadcast_in_dim3A_1523 = arith.constant 2 : i32
      %broadcast_in_dim3A_1524 = vector.broadcast %broadcast_in_dim3A_1523 : i32 to vector<16xi32>
      %reshape3A_1525 = vector.shape_cast %broadcast_in_dim3A_1524 : vector<16xi32> to vector<16x1xi32>
      %gather3A_1526 = vector.shape_cast %reshape3A_1525 : vector<16x1xi32> to vector<16xi32>
      %gather3A_1527 = tpu.dynamic_gather %max3A_994[%gather3A_1526] in [0] : vector<16xf32>, vector<16xi32> -> vector<16xf32>
      %broadcast_in_dim3A_1528 = arith.constant 2 : i32
      %broadcast_in_dim3A_1529 = vector.broadcast %broadcast_in_dim3A_1528 : i32 to vector<16xi32>
      %reshape3A_1530 = vector.shape_cast %broadcast_in_dim3A_1529 : vector<16xi32> to vector<16x1xi32>
      %gather3A_1531 = vector.shape_cast %reshape3A_1530 : vector<16x1xi32> to vector<16xi32>
      %gather3A_1532 = tpu.dynamic_gather %max3A_1006[%gather3A_1531] in [0] : vector<16xf32>, vector<16xi32> -> vector<16xf32>
      %get3A_1533 = arith.constant 18 : i32
      %get3A_1534 = arith.index_cast %get3A_1533 : i32 to index
      %get3A_1535 = arith.constant 0 : index
      %get3A_1536 = tpu.vector_load %arg14[%get3A_1534, %get3A_1535] {strides = array<i32>} : memref<32x32xf32, #tpu.memory_space<vmem>>, vector<1x16xf32>,
      %get3A_1537 = vector.shape_cast %get3A_1536 : vector<1x16xf32> to vector<16xf32>
      %mul3A_1538 = arith.mulf %gather3A_1527, %get3A_1537 : vector<16xf32>
      %add3A_1539 = arith.addf %add3A_1511, %mul3A_1538 : vector<16xf32>
      %mul3A_1540 = arith.mulf %gather3A_1532, %get3A_1537 : vector<16xf32>
      %add3A_1541 = arith.addf %add3A_1513, %mul3A_1540 : vector<16xf32>
      %get3A_1542 = arith.constant 18 : i32
      %get3A_1543 = arith.index_cast %get3A_1542 : i32 to index
      %get3A_1544 = arith.constant 16 : index
      %get3A_1545 = tpu.vector_load %arg14[%get3A_1543, %get3A_1544] {strides = array<i32>} : memref<32x32xf32, #tpu.memory_space<vmem>>, vector<1x16xf32>,
      %get3A_1546 = vector.shape_cast %get3A_1545 : vector<1x16xf32> to vector<16xf32>
      %mul3A_1547 = arith.mulf %gather3A_1527, %get3A_1546 : vector<16xf32>
      %add3A_1548 = arith.addf %add3A_1520, %mul3A_1547 : vector<16xf32>
      %mul3A_1549 = arith.mulf %gather3A_1532, %get3A_1546 : vector<16xf32>
      %add3A_1550 = arith.addf %add3A_1522, %mul3A_1549 : vector<16xf32>
      %broadcast_in_dim3A_1551 = arith.constant 3 : i32
      %broadcast_in_dim3A_1552 = vector.broadcast %broadcast_in_dim3A_1551 : i32 to vector<16xi32>
      %reshape3A_1553 = vector.shape_cast %broadcast_in_dim3A_1552 : vector<16xi32> to vector<16x1xi32>
      %gather3A_1554 = vector.shape_cast %reshape3A_1553 : vector<16x1xi32> to vector<16xi32>
      %gather3A_1555 = tpu.dynamic_gather %max3A_994[%gather3A_1554] in [0] : vector<16xf32>, vector<16xi32> -> vector<16xf32>
      %broadcast_in_dim3A_1556 = arith.constant 3 : i32
      %broadcast_in_dim3A_1557 = vector.broadcast %broadcast_in_dim3A_1556 : i32 to vector<16xi32>
      %reshape3A_1558 = vector.shape_cast %broadcast_in_dim3A_1557 : vector<16xi32> to vector<16x1xi32>
      %gather3A_1559 = vector.shape_cast %reshape3A_1558 : vector<16x1xi32> to vector<16xi32>
      %gather3A_1560 = tpu.dynamic_gather %max3A_1006[%gather3A_1559] in [0] : vector<16xf32>, vector<16xi32> -> vector<16xf32>
      %get3A_1561 = arith.constant 19 : i32
      %get3A_1562 = arith.index_cast %get3A_1561 : i32 to index
      %get3A_1563 = arith.constant 0 : index
      %get3A_1564 = tpu.vector_load %arg14[%get3A_1562, %get3A_1563] {strides = array<i32>} : memref<32x32xf32, #tpu.memory_space<vmem>>, vector<1x16xf32>,
      %get3A_1565 = vector.shape_cast %get3A_1564 : vector<1x16xf32> to vector<16xf32>
      %mul3A_1566 = arith.mulf %gather3A_1555, %get3A_1565 : vector<16xf32>
      %add3A_1567 = arith.addf %add3A_1539, %mul3A_1566 : vector<16xf32>
      %mul3A_1568 = arith.mulf %gather3A_1560, %get3A_1565 : vector<16xf32>
      %add3A_1569 = arith.addf %add3A_1541, %mul3A_1568 : vector<16xf32>
      %get3A_1570 = arith.constant 19 : i32
      %get3A_1571 = arith.index_cast %get3A_1570 : i32 to index
      %get3A_1572 = arith.constant 16 : index
      %get3A_1573 = tpu.vector_load %arg14[%get3A_1571, %get3A_1572] {strides = array<i32>} : memref<32x32xf32, #tpu.memory_space<vmem>>, vector<1x16xf32>,
      %get3A_1574 = vector.shape_cast %get3A_1573 : vector<1x16xf32> to vector<16xf32>
      %mul3A_1575 = arith.mulf %gather3A_1555, %get3A_1574 : vector<16xf32>
      %add3A_1576 = arith.addf %add3A_1548, %mul3A_1575 : vector<16xf32>
      %mul3A_1577 = arith.mulf %gather3A_1560, %get3A_1574 : vector<16xf32>
      %add3A_1578 = arith.addf %add3A_1550, %mul3A_1577 : vector<16xf32>
      %broadcast_in_dim3A_1579 = arith.constant 4 : i32
      %broadcast_in_dim3A_1580 = vector.broadcast %broadcast_in_dim3A_1579 : i32 to vector<16xi32>
      %reshape3A_1581 = vector.shape_cast %broadcast_in_dim3A_1580 : vector<16xi32> to vector<16x1xi32>
      %gather3A_1582 = vector.shape_cast %reshape3A_1581 : vector<16x1xi32> to vector<16xi32>
      %gather3A_1583 = tpu.dynamic_gather %max3A_994[%gather3A_1582] in [0] : vector<16xf32>, vector<16xi32> -> vector<16xf32>
      %broadcast_in_dim3A_1584 = arith.constant 4 : i32
      %broadcast_in_dim3A_1585 = vector.broadcast %broadcast_in_dim3A_1584 : i32 to vector<16xi32>
      %reshape3A_1586 = vector.shape_cast %broadcast_in_dim3A_1585 : vector<16xi32> to vector<16x1xi32>
      %gather3A_1587 = vector.shape_cast %reshape3A_1586 : vector<16x1xi32> to vector<16xi32>
      %gather3A_1588 = tpu.dynamic_gather %max3A_1006[%gather3A_1587] in [0] : vector<16xf32>, vector<16xi32> -> vector<16xf32>
      %get3A_1589 = arith.constant 20 : i32
      %get3A_1590 = arith.index_cast %get3A_1589 : i32 to index
      %get3A_1591 = arith.constant 0 : index
      %get3A_1592 = tpu.vector_load %arg14[%get3A_1590, %get3A_1591] {strides = array<i32>} : memref<32x32xf32, #tpu.memory_space<vmem>>, vector<1x16xf32>,
      %get3A_1593 = vector.shape_cast %get3A_1592 : vector<1x16xf32> to vector<16xf32>
      %mul3A_1594 = arith.mulf %gather3A_1583, %get3A_1593 : vector<16xf32>
      %add3A_1595 = arith.addf %add3A_1567, %mul3A_1594 : vector<16xf32>
      %mul3A_1596 = arith.mulf %gather3A_1588, %get3A_1593 : vector<16xf32>
      %add3A_1597 = arith.addf %add3A_1569, %mul3A_1596 : vector<16xf32>
      %get3A_1598 = arith.constant 20 : i32
      %get3A_1599 = arith.index_cast %get3A_1598 : i32 to index
      %get3A_1600 = arith.constant 16 : index
      %get3A_1601 = tpu.vector_load %arg14[%get3A_1599, %get3A_1600] {strides = array<i32>} : memref<32x32xf32, #tpu.memory_space<vmem>>, vector<1x16xf32>,
      %get3A_1602 = vector.shape_cast %get3A_1601 : vector<1x16xf32> to vector<16xf32>
      %mul3A_1603 = arith.mulf %gather3A_1583, %get3A_1602 : vector<16xf32>
      %add3A_1604 = arith.addf %add3A_1576, %mul3A_1603 : vector<16xf32>
      %mul3A_1605 = arith.mulf %gather3A_1588, %get3A_1602 : vector<16xf32>
      %add3A_1606 = arith.addf %add3A_1578, %mul3A_1605 : vector<16xf32>
      %broadcast_in_dim3A_1607 = arith.constant 5 : i32
      %broadcast_in_dim3A_1608 = vector.broadcast %broadcast_in_dim3A_1607 : i32 to vector<16xi32>
      %reshape3A_1609 = vector.shape_cast %broadcast_in_dim3A_1608 : vector<16xi32> to vector<16x1xi32>
      %gather3A_1610 = vector.shape_cast %reshape3A_1609 : vector<16x1xi32> to vector<16xi32>
      %gather3A_1611 = tpu.dynamic_gather %max3A_994[%gather3A_1610] in [0] : vector<16xf32>, vector<16xi32> -> vector<16xf32>
      %broadcast_in_dim3A_1612 = arith.constant 5 : i32
      %broadcast_in_dim3A_1613 = vector.broadcast %broadcast_in_dim3A_1612 : i32 to vector<16xi32>
      %reshape3A_1614 = vector.shape_cast %broadcast_in_dim3A_1613 : vector<16xi32> to vector<16x1xi32>
      %gather3A_1615 = vector.shape_cast %reshape3A_1614 : vector<16x1xi32> to vector<16xi32>
      %gather3A_1616 = tpu.dynamic_gather %max3A_1006[%gather3A_1615] in [0] : vector<16xf32>, vector<16xi32> -> vector<16xf32>
      %get3A_1617 = arith.constant 21 : i32
      %get3A_1618 = arith.index_cast %get3A_1617 : i32 to index
      %get3A_1619 = arith.constant 0 : index
      %get3A_1620 = tpu.vector_load %arg14[%get3A_1618, %get3A_1619] {strides = array<i32>} : memref<32x32xf32, #tpu.memory_space<vmem>>, vector<1x16xf32>,
      %get3A_1621 = vector.shape_cast %get3A_1620 : vector<1x16xf32> to vector<16xf32>
      %mul3A_1622 = arith.mulf %gather3A_1611, %get3A_1621 : vector<16xf32>
      %add3A_1623 = arith.addf %add3A_1595, %mul3A_1622 : vector<16xf32>
      %mul3A_1624 = arith.mulf %gather3A_1616, %get3A_1621 : vector<16xf32>
      %add3A_1625 = arith.addf %add3A_1597, %mul3A_1624 : vector<16xf32>
      %get3A_1626 = arith.constant 21 : i32
      %get3A_1627 = arith.index_cast %get3A_1626 : i32 to index
      %get3A_1628 = arith.constant 16 : index
      %get3A_1629 = tpu.vector_load %arg14[%get3A_1627, %get3A_1628] {strides = array<i32>} : memref<32x32xf32, #tpu.memory_space<vmem>>, vector<1x16xf32>,
      %get3A_1630 = vector.shape_cast %get3A_1629 : vector<1x16xf32> to vector<16xf32>
      %mul3A_1631 = arith.mulf %gather3A_1611, %get3A_1630 : vector<16xf32>
      %add3A_1632 = arith.addf %add3A_1604, %mul3A_1631 : vector<16xf32>
      %mul3A_1633 = arith.mulf %gather3A_1616, %get3A_1630 : vector<16xf32>
      %add3A_1634 = arith.addf %add3A_1606, %mul3A_1633 : vector<16xf32>
      %broadcast_in_dim3A_1635 = arith.constant 6 : i32
      %broadcast_in_dim3A_1636 = vector.broadcast %broadcast_in_dim3A_1635 : i32 to vector<16xi32>
      %reshape3A_1637 = vector.shape_cast %broadcast_in_dim3A_1636 : vector<16xi32> to vector<16x1xi32>
      %gather3A_1638 = vector.shape_cast %reshape3A_1637 : vector<16x1xi32> to vector<16xi32>
      %gather3A_1639 = tpu.dynamic_gather %max3A_994[%gather3A_1638] in [0] : vector<16xf32>, vector<16xi32> -> vector<16xf32>
      %broadcast_in_dim3A_1640 = arith.constant 6 : i32
      %broadcast_in_dim3A_1641 = vector.broadcast %broadcast_in_dim3A_1640 : i32 to vector<16xi32>
      %reshape3A_1642 = vector.shape_cast %broadcast_in_dim3A_1641 : vector<16xi32> to vector<16x1xi32>
      %gather3A_1643 = vector.shape_cast %reshape3A_1642 : vector<16x1xi32> to vector<16xi32>
      %gather3A_1644 = tpu.dynamic_gather %max3A_1006[%gather3A_1643] in [0] : vector<16xf32>, vector<16xi32> -> vector<16xf32>
      %get3A_1645 = arith.constant 22 : i32
      %get3A_1646 = arith.index_cast %get3A_1645 : i32 to index
      %get3A_1647 = arith.constant 0 : index
      %get3A_1648 = tpu.vector_load %arg14[%get3A_1646, %get3A_1647] {strides = array<i32>} : memref<32x32xf32, #tpu.memory_space<vmem>>, vector<1x16xf32>,
      %get3A_1649 = vector.shape_cast %get3A_1648 : vector<1x16xf32> to vector<16xf32>
      %mul3A_1650 = arith.mulf %gather3A_1639, %get3A_1649 : vector<16xf32>
      %add3A_1651 = arith.addf %add3A_1623, %mul3A_1650 : vector<16xf32>
      %mul3A_1652 = arith.mulf %gather3A_1644, %get3A_1649 : vector<16xf32>
      %add3A_1653 = arith.addf %add3A_1625, %mul3A_1652 : vector<16xf32>
      %get3A_1654 = arith.constant 22 : i32
      %get3A_1655 = arith.index_cast %get3A_1654 : i32 to index
      %get3A_1656 = arith.constant 16 : index
      %get3A_1657 = tpu.vector_load %arg14[%get3A_1655, %get3A_1656] {strides = array<i32>} : memref<32x32xf32, #tpu.memory_space<vmem>>, vector<1x16xf32>,
      %get3A_1658 = vector.shape_cast %get3A_1657 : vector<1x16xf32> to vector<16xf32>
      %mul3A_1659 = arith.mulf %gather3A_1639, %get3A_1658 : vector<16xf32>
      %add3A_1660 = arith.addf %add3A_1632, %mul3A_1659 : vector<16xf32>
      %mul3A_1661 = arith.mulf %gather3A_1644, %get3A_1658 : vector<16xf32>
      %add3A_1662 = arith.addf %add3A_1634, %mul3A_1661 : vector<16xf32>
      %broadcast_in_dim3A_1663 = arith.constant 7 : i32
      %broadcast_in_dim3A_1664 = vector.broadcast %broadcast_in_dim3A_1663 : i32 to vector<16xi32>
      %reshape3A_1665 = vector.shape_cast %broadcast_in_dim3A_1664 : vector<16xi32> to vector<16x1xi32>
      %gather3A_1666 = vector.shape_cast %reshape3A_1665 : vector<16x1xi32> to vector<16xi32>
      %gather3A_1667 = tpu.dynamic_gather %max3A_994[%gather3A_1666] in [0] : vector<16xf32>, vector<16xi32> -> vector<16xf32>
      %broadcast_in_dim3A_1668 = arith.constant 7 : i32
      %broadcast_in_dim3A_1669 = vector.broadcast %broadcast_in_dim3A_1668 : i32 to vector<16xi32>
      %reshape3A_1670 = vector.shape_cast %broadcast_in_dim3A_1669 : vector<16xi32> to vector<16x1xi32>
      %gather3A_1671 = vector.shape_cast %reshape3A_1670 : vector<16x1xi32> to vector<16xi32>
      %gather3A_1672 = tpu.dynamic_gather %max3A_1006[%gather3A_1671] in [0] : vector<16xf32>, vector<16xi32> -> vector<16xf32>
      %get3A_1673 = arith.constant 23 : i32
      %get3A_1674 = arith.index_cast %get3A_1673 : i32 to index
      %get3A_1675 = arith.constant 0 : index
      %get3A_1676 = tpu.vector_load %arg14[%get3A_1674, %get3A_1675] {strides = array<i32>} : memref<32x32xf32, #tpu.memory_space<vmem>>, vector<1x16xf32>,
      %get3A_1677 = vector.shape_cast %get3A_1676 : vector<1x16xf32> to vector<16xf32>
      %mul3A_1678 = arith.mulf %gather3A_1667, %get3A_1677 : vector<16xf32>
      %add3A_1679 = arith.addf %add3A_1651, %mul3A_1678 : vector<16xf32>
      %mul3A_1680 = arith.mulf %gather3A_1672, %get3A_1677 : vector<16xf32>
      %add3A_1681 = arith.addf %add3A_1653, %mul3A_1680 : vector<16xf32>
      %get3A_1682 = arith.constant 23 : i32
      %get3A_1683 = arith.index_cast %get3A_1682 : i32 to index
      %get3A_1684 = arith.constant 16 : index
      %get3A_1685 = tpu.vector_load %arg14[%get3A_1683, %get3A_1684] {strides = array<i32>} : memref<32x32xf32, #tpu.memory_space<vmem>>, vector<1x16xf32>,
      %get3A_1686 = vector.shape_cast %get3A_1685 : vector<1x16xf32> to vector<16xf32>
      %mul3A_1687 = arith.mulf %gather3A_1667, %get3A_1686 : vector<16xf32>
      %add3A_1688 = arith.addf %add3A_1660, %mul3A_1687 : vector<16xf32>
      %mul3A_1689 = arith.mulf %gather3A_1672, %get3A_1686 : vector<16xf32>
      %add3A_1690 = arith.addf %add3A_1662, %mul3A_1689 : vector<16xf32>
      %broadcast_in_dim3A_1691 = arith.constant 8 : i32
      %broadcast_in_dim3A_1692 = vector.broadcast %broadcast_in_dim3A_1691 : i32 to vector<16xi32>
      %reshape3A_1693 = vector.shape_cast %broadcast_in_dim3A_1692 : vector<16xi32> to vector<16x1xi32>
      %gather3A_1694 = vector.shape_cast %reshape3A_1693 : vector<16x1xi32> to vector<16xi32>
      %gather3A_1695 = tpu.dynamic_gather %max3A_994[%gather3A_1694] in [0] : vector<16xf32>, vector<16xi32> -> vector<16xf32>
      %broadcast_in_dim3A_1696 = arith.constant 8 : i32
      %broadcast_in_dim3A_1697 = vector.broadcast %broadcast_in_dim3A_1696 : i32 to vector<16xi32>
      %reshape3A_1698 = vector.shape_cast %broadcast_in_dim3A_1697 : vector<16xi32> to vector<16x1xi32>
      %gather3A_1699 = vector.shape_cast %reshape3A_1698 : vector<16x1xi32> to vector<16xi32>
      %gather3A_1700 = tpu.dynamic_gather %max3A_1006[%gather3A_1699] in [0] : vector<16xf32>, vector<16xi32> -> vector<16xf32>
      %get3A_1701 = arith.constant 24 : i32
      %get3A_1702 = arith.index_cast %get3A_1701 : i32 to index
      %get3A_1703 = arith.constant 0 : index
      %get3A_1704 = tpu.vector_load %arg14[%get3A_1702, %get3A_1703] {strides = array<i32>} : memref<32x32xf32, #tpu.memory_space<vmem>>, vector<1x16xf32>,
      %get3A_1705 = vector.shape_cast %get3A_1704 : vector<1x16xf32> to vector<16xf32>
      %mul3A_1706 = arith.mulf %gather3A_1695, %get3A_1705 : vector<16xf32>
      %add3A_1707 = arith.addf %add3A_1679, %mul3A_1706 : vector<16xf32>
      %mul3A_1708 = arith.mulf %gather3A_1700, %get3A_1705 : vector<16xf32>
      %add3A_1709 = arith.addf %add3A_1681, %mul3A_1708 : vector<16xf32>
      %get3A_1710 = arith.constant 24 : i32
      %get3A_1711 = arith.index_cast %get3A_1710 : i32 to index
      %get3A_1712 = arith.constant 16 : index
      %get3A_1713 = tpu.vector_load %arg14[%get3A_1711, %get3A_1712] {strides = array<i32>} : memref<32x32xf32, #tpu.memory_space<vmem>>, vector<1x16xf32>,
      %get3A_1714 = vector.shape_cast %get3A_1713 : vector<1x16xf32> to vector<16xf32>
      %mul3A_1715 = arith.mulf %gather3A_1695, %get3A_1714 : vector<16xf32>
      %add3A_1716 = arith.addf %add3A_1688, %mul3A_1715 : vector<16xf32>
      %mul3A_1717 = arith.mulf %gather3A_1700, %get3A_1714 : vector<16xf32>
      %add3A_1718 = arith.addf %add3A_1690, %mul3A_1717 : vector<16xf32>
      %broadcast_in_dim3A_1719 = arith.constant 9 : i32
      %broadcast_in_dim3A_1720 = vector.broadcast %broadcast_in_dim3A_1719 : i32 to vector<16xi32>
      %reshape3A_1721 = vector.shape_cast %broadcast_in_dim3A_1720 : vector<16xi32> to vector<16x1xi32>
      %gather3A_1722 = vector.shape_cast %reshape3A_1721 : vector<16x1xi32> to vector<16xi32>
      %gather3A_1723 = tpu.dynamic_gather %max3A_994[%gather3A_1722] in [0] : vector<16xf32>, vector<16xi32> -> vector<16xf32>
      %broadcast_in_dim3A_1724 = arith.constant 9 : i32
      %broadcast_in_dim3A_1725 = vector.broadcast %broadcast_in_dim3A_1724 : i32 to vector<16xi32>
      %reshape3A_1726 = vector.shape_cast %broadcast_in_dim3A_1725 : vector<16xi32> to vector<16x1xi32>
      %gather3A_1727 = vector.shape_cast %reshape3A_1726 : vector<16x1xi32> to vector<16xi32>
      %gather3A_1728 = tpu.dynamic_gather %max3A_1006[%gather3A_1727] in [0] : vector<16xf32>, vector<16xi32> -> vector<16xf32>
      %get3A_1729 = arith.constant 25 : i32
      %get3A_1730 = arith.index_cast %get3A_1729 : i32 to index
      %get3A_1731 = arith.constant 0 : index
      %get3A_1732 = tpu.vector_load %arg14[%get3A_1730, %get3A_1731] {strides = array<i32>} : memref<32x32xf32, #tpu.memory_space<vmem>>, vector<1x16xf32>,
      %get3A_1733 = vector.shape_cast %get3A_1732 : vector<1x16xf32> to vector<16xf32>
      %mul3A_1734 = arith.mulf %gather3A_1723, %get3A_1733 : vector<16xf32>
      %add3A_1735 = arith.addf %add3A_1707, %mul3A_1734 : vector<16xf32>
      %mul3A_1736 = arith.mulf %gather3A_1728, %get3A_1733 : vector<16xf32>
      %add3A_1737 = arith.addf %add3A_1709, %mul3A_1736 : vector<16xf32>
      %get3A_1738 = arith.constant 25 : i32
      %get3A_1739 = arith.index_cast %get3A_1738 : i32 to index
      %get3A_1740 = arith.constant 16 : index
      %get3A_1741 = tpu.vector_load %arg14[%get3A_1739, %get3A_1740] {strides = array<i32>} : memref<32x32xf32, #tpu.memory_space<vmem>>, vector<1x16xf32>,
      %get3A_1742 = vector.shape_cast %get3A_1741 : vector<1x16xf32> to vector<16xf32>
      %mul3A_1743 = arith.mulf %gather3A_1723, %get3A_1742 : vector<16xf32>
      %add3A_1744 = arith.addf %add3A_1716, %mul3A_1743 : vector<16xf32>
      %mul3A_1745 = arith.mulf %gather3A_1728, %get3A_1742 : vector<16xf32>
      %add3A_1746 = arith.addf %add3A_1718, %mul3A_1745 : vector<16xf32>
      %broadcast_in_dim3A_1747 = arith.constant 10 : i32
      %broadcast_in_dim3A_1748 = vector.broadcast %broadcast_in_dim3A_1747 : i32 to vector<16xi32>
      %reshape3A_1749 = vector.shape_cast %broadcast_in_dim3A_1748 : vector<16xi32> to vector<16x1xi32>
      %gather3A_1750 = vector.shape_cast %reshape3A_1749 : vector<16x1xi32> to vector<16xi32>
      %gather3A_1751 = tpu.dynamic_gather %max3A_994[%gather3A_1750] in [0] : vector<16xf32>, vector<16xi32> -> vector<16xf32>
      %broadcast_in_dim3A_1752 = arith.constant 10 : i32
      %broadcast_in_dim3A_1753 = vector.broadcast %broadcast_in_dim3A_1752 : i32 to vector<16xi32>
      %reshape3A_1754 = vector.shape_cast %broadcast_in_dim3A_1753 : vector<16xi32> to vector<16x1xi32>
      %gather3A_1755 = vector.shape_cast %reshape3A_1754 : vector<16x1xi32> to vector<16xi32>
      %gather3A_1756 = tpu.dynamic_gather %max3A_1006[%gather3A_1755] in [0] : vector<16xf32>, vector<16xi32> -> vector<16xf32>
      %get3A_1757 = arith.constant 26 : i32
      %get3A_1758 = arith.index_cast %get3A_1757 : i32 to index
      %get3A_1759 = arith.constant 0 : index
      %get3A_1760 = tpu.vector_load %arg14[%get3A_1758, %get3A_1759] {strides = array<i32>} : memref<32x32xf32, #tpu.memory_space<vmem>>, vector<1x16xf32>,
      %get3A_1761 = vector.shape_cast %get3A_1760 : vector<1x16xf32> to vector<16xf32>
      %mul3A_1762 = arith.mulf %gather3A_1751, %get3A_1761 : vector<16xf32>
      %add3A_1763 = arith.addf %add3A_1735, %mul3A_1762 : vector<16xf32>
      %mul3A_1764 = arith.mulf %gather3A_1756, %get3A_1761 : vector<16xf32>
      %add3A_1765 = arith.addf %add3A_1737, %mul3A_1764 : vector<16xf32>
      %get3A_1766 = arith.constant 26 : i32
      %get3A_1767 = arith.index_cast %get3A_1766 : i32 to index
      %get3A_1768 = arith.constant 16 : index
      %get3A_1769 = tpu.vector_load %arg14[%get3A_1767, %get3A_1768] {strides = array<i32>} : memref<32x32xf32, #tpu.memory_space<vmem>>, vector<1x16xf32>,
      %get3A_1770 = vector.shape_cast %get3A_1769 : vector<1x16xf32> to vector<16xf32>
      %mul3A_1771 = arith.mulf %gather3A_1751, %get3A_1770 : vector<16xf32>
      %add3A_1772 = arith.addf %add3A_1744, %mul3A_1771 : vector<16xf32>
      %mul3A_1773 = arith.mulf %gather3A_1756, %get3A_1770 : vector<16xf32>
      %add3A_1774 = arith.addf %add3A_1746, %mul3A_1773 : vector<16xf32>
      %broadcast_in_dim3A_1775 = arith.constant 11 : i32
      %broadcast_in_dim3A_1776 = vector.broadcast %broadcast_in_dim3A_1775 : i32 to vector<16xi32>
      %reshape3A_1777 = vector.shape_cast %broadcast_in_dim3A_1776 : vector<16xi32> to vector<16x1xi32>
      %gather3A_1778 = vector.shape_cast %reshape3A_1777 : vector<16x1xi32> to vector<16xi32>
      %gather3A_1779 = tpu.dynamic_gather %max3A_994[%gather3A_1778] in [0] : vector<16xf32>, vector<16xi32> -> vector<16xf32>
      %broadcast_in_dim3A_1780 = arith.constant 11 : i32
      %broadcast_in_dim3A_1781 = vector.broadcast %broadcast_in_dim3A_1780 : i32 to vector<16xi32>
      %reshape3A_1782 = vector.shape_cast %broadcast_in_dim3A_1781 : vector<16xi32> to vector<16x1xi32>
      %gather3A_1783 = vector.shape_cast %reshape3A_1782 : vector<16x1xi32> to vector<16xi32>
      %gather3A_1784 = tpu.dynamic_gather %max3A_1006[%gather3A_1783] in [0] : vector<16xf32>, vector<16xi32> -> vector<16xf32>
      %get3A_1785 = arith.constant 27 : i32
      %get3A_1786 = arith.index_cast %get3A_1785 : i32 to index
      %get3A_1787 = arith.constant 0 : index
      %get3A_1788 = tpu.vector_load %arg14[%get3A_1786, %get3A_1787] {strides = array<i32>} : memref<32x32xf32, #tpu.memory_space<vmem>>, vector<1x16xf32>,
      %get3A_1789 = vector.shape_cast %get3A_1788 : vector<1x16xf32> to vector<16xf32>
      %mul3A_1790 = arith.mulf %gather3A_1779, %get3A_1789 : vector<16xf32>
      %add3A_1791 = arith.addf %add3A_1763, %mul3A_1790 : vector<16xf32>
      %mul3A_1792 = arith.mulf %gather3A_1784, %get3A_1789 : vector<16xf32>
      %add3A_1793 = arith.addf %add3A_1765, %mul3A_1792 : vector<16xf32>
      %get3A_1794 = arith.constant 27 : i32
      %get3A_1795 = arith.index_cast %get3A_1794 : i32 to index
      %get3A_1796 = arith.constant 16 : index
      %get3A_1797 = tpu.vector_load %arg14[%get3A_1795, %get3A_1796] {strides = array<i32>} : memref<32x32xf32, #tpu.memory_space<vmem>>, vector<1x16xf32>,
      %get3A_1798 = vector.shape_cast %get3A_1797 : vector<1x16xf32> to vector<16xf32>
      %mul3A_1799 = arith.mulf %gather3A_1779, %get3A_1798 : vector<16xf32>
      %add3A_1800 = arith.addf %add3A_1772, %mul3A_1799 : vector<16xf32>
      %mul3A_1801 = arith.mulf %gather3A_1784, %get3A_1798 : vector<16xf32>
      %add3A_1802 = arith.addf %add3A_1774, %mul3A_1801 : vector<16xf32>
      %broadcast_in_dim3A_1803 = arith.constant 12 : i32
      %broadcast_in_dim3A_1804 = vector.broadcast %broadcast_in_dim3A_1803 : i32 to vector<16xi32>
      %reshape3A_1805 = vector.shape_cast %broadcast_in_dim3A_1804 : vector<16xi32> to vector<16x1xi32>
      %gather3A_1806 = vector.shape_cast %reshape3A_1805 : vector<16x1xi32> to vector<16xi32>
      %gather3A_1807 = tpu.dynamic_gather %max3A_994[%gather3A_1806] in [0] : vector<16xf32>, vector<16xi32> -> vector<16xf32>
      %broadcast_in_dim3A_1808 = arith.constant 12 : i32
      %broadcast_in_dim3A_1809 = vector.broadcast %broadcast_in_dim3A_1808 : i32 to vector<16xi32>
      %reshape3A_1810 = vector.shape_cast %broadcast_in_dim3A_1809 : vector<16xi32> to vector<16x1xi32>
      %gather3A_1811 = vector.shape_cast %reshape3A_1810 : vector<16x1xi32> to vector<16xi32>
      %gather3A_1812 = tpu.dynamic_gather %max3A_1006[%gather3A_1811] in [0] : vector<16xf32>, vector<16xi32> -> vector<16xf32>
      %get3A_1813 = arith.constant 28 : i32
      %get3A_1814 = arith.index_cast %get3A_1813 : i32 to index
      %get3A_1815 = arith.constant 0 : index
      %get3A_1816 = tpu.vector_load %arg14[%get3A_1814, %get3A_1815] {strides = array<i32>} : memref<32x32xf32, #tpu.memory_space<vmem>>, vector<1x16xf32>,
      %get3A_1817 = vector.shape_cast %get3A_1816 : vector<1x16xf32> to vector<16xf32>
      %mul3A_1818 = arith.mulf %gather3A_1807, %get3A_1817 : vector<16xf32>
      %add3A_1819 = arith.addf %add3A_1791, %mul3A_1818 : vector<16xf32>
      %mul3A_1820 = arith.mulf %gather3A_1812, %get3A_1817 : vector<16xf32>
      %add3A_1821 = arith.addf %add3A_1793, %mul3A_1820 : vector<16xf32>
      %get3A_1822 = arith.constant 28 : i32
      %get3A_1823 = arith.index_cast %get3A_1822 : i32 to index
      %get3A_1824 = arith.constant 16 : index
      %get3A_1825 = tpu.vector_load %arg14[%get3A_1823, %get3A_1824] {strides = array<i32>} : memref<32x32xf32, #tpu.memory_space<vmem>>, vector<1x16xf32>,
      %get3A_1826 = vector.shape_cast %get3A_1825 : vector<1x16xf32> to vector<16xf32>
      %mul3A_1827 = arith.mulf %gather3A_1807, %get3A_1826 : vector<16xf32>
      %add3A_1828 = arith.addf %add3A_1800, %mul3A_1827 : vector<16xf32>
      %mul3A_1829 = arith.mulf %gather3A_1812, %get3A_1826 : vector<16xf32>
      %add3A_1830 = arith.addf %add3A_1802, %mul3A_1829 : vector<16xf32>
      %broadcast_in_dim3A_1831 = arith.constant 13 : i32
      %broadcast_in_dim3A_1832 = vector.broadcast %broadcast_in_dim3A_1831 : i32 to vector<16xi32>
      %reshape3A_1833 = vector.shape_cast %broadcast_in_dim3A_1832 : vector<16xi32> to vector<16x1xi32>
      %gather3A_1834 = vector.shape_cast %reshape3A_1833 : vector<16x1xi32> to vector<16xi32>
      %gather3A_1835 = tpu.dynamic_gather %max3A_994[%gather3A_1834] in [0] : vector<16xf32>, vector<16xi32> -> vector<16xf32>
      %broadcast_in_dim3A_1836 = arith.constant 13 : i32
      %broadcast_in_dim3A_1837 = vector.broadcast %broadcast_in_dim3A_1836 : i32 to vector<16xi32>
      %reshape3A_1838 = vector.shape_cast %broadcast_in_dim3A_1837 : vector<16xi32> to vector<16x1xi32>
      %gather3A_1839 = vector.shape_cast %reshape3A_1838 : vector<16x1xi32> to vector<16xi32>
      %gather3A_1840 = tpu.dynamic_gather %max3A_1006[%gather3A_1839] in [0] : vector<16xf32>, vector<16xi32> -> vector<16xf32>
      %get3A_1841 = arith.constant 29 : i32
      %get3A_1842 = arith.index_cast %get3A_1841 : i32 to index
      %get3A_1843 = arith.constant 0 : index
      %get3A_1844 = tpu.vector_load %arg14[%get3A_1842, %get3A_1843] {strides = array<i32>} : memref<32x32xf32, #tpu.memory_space<vmem>>, vector<1x16xf32>,
      %get3A_1845 = vector.shape_cast %get3A_1844 : vector<1x16xf32> to vector<16xf32>
      %mul3A_1846 = arith.mulf %gather3A_1835, %get3A_1845 : vector<16xf32>
      %add3A_1847 = arith.addf %add3A_1819, %mul3A_1846 : vector<16xf32>
      %mul3A_1848 = arith.mulf %gather3A_1840, %get3A_1845 : vector<16xf32>
      %add3A_1849 = arith.addf %add3A_1821, %mul3A_1848 : vector<16xf32>
      %get3A_1850 = arith.constant 29 : i32
      %get3A_1851 = arith.index_cast %get3A_1850 : i32 to index
      %get3A_1852 = arith.constant 16 : index
      %get3A_1853 = tpu.vector_load %arg14[%get3A_1851, %get3A_1852] {strides = array<i32>} : memref<32x32xf32, #tpu.memory_space<vmem>>, vector<1x16xf32>,
      %get3A_1854 = vector.shape_cast %get3A_1853 : vector<1x16xf32> to vector<16xf32>
      %mul3A_1855 = arith.mulf %gather3A_1835, %get3A_1854 : vector<16xf32>
      %add3A_1856 = arith.addf %add3A_1828, %mul3A_1855 : vector<16xf32>
      %mul3A_1857 = arith.mulf %gather3A_1840, %get3A_1854 : vector<16xf32>
      %add3A_1858 = arith.addf %add3A_1830, %mul3A_1857 : vector<16xf32>
      %broadcast_in_dim3A_1859 = arith.constant 14 : i32
      %broadcast_in_dim3A_1860 = vector.broadcast %broadcast_in_dim3A_1859 : i32 to vector<16xi32>
      %reshape3A_1861 = vector.shape_cast %broadcast_in_dim3A_1860 : vector<16xi32> to vector<16x1xi32>
      %gather3A_1862 = vector.shape_cast %reshape3A_1861 : vector<16x1xi32> to vector<16xi32>
      %gather3A_1863 = tpu.dynamic_gather %max3A_994[%gather3A_1862] in [0] : vector<16xf32>, vector<16xi32> -> vector<16xf32>
      %broadcast_in_dim3A_1864 = arith.constant 14 : i32
      %broadcast_in_dim3A_1865 = vector.broadcast %broadcast_in_dim3A_1864 : i32 to vector<16xi32>
      %reshape3A_1866 = vector.shape_cast %broadcast_in_dim3A_1865 : vector<16xi32> to vector<16x1xi32>
      %gather3A_1867 = vector.shape_cast %reshape3A_1866 : vector<16x1xi32> to vector<16xi32>
      %gather3A_1868 = tpu.dynamic_gather %max3A_1006[%gather3A_1867] in [0] : vector<16xf32>, vector<16xi32> -> vector<16xf32>
      %get3A_1869 = arith.constant 30 : i32
      %get3A_1870 = arith.index_cast %get3A_1869 : i32 to index
      %get3A_1871 = arith.constant 0 : index
      %get3A_1872 = tpu.vector_load %arg14[%get3A_1870, %get3A_1871] {strides = array<i32>} : memref<32x32xf32, #tpu.memory_space<vmem>>, vector<1x16xf32>,
      %get3A_1873 = vector.shape_cast %get3A_1872 : vector<1x16xf32> to vector<16xf32>
      %mul3A_1874 = arith.mulf %gather3A_1863, %get3A_1873 : vector<16xf32>
      %add3A_1875 = arith.addf %add3A_1847, %mul3A_1874 : vector<16xf32>
      %mul3A_1876 = arith.mulf %gather3A_1868, %get3A_1873 : vector<16xf32>
      %add3A_1877 = arith.addf %add3A_1849, %mul3A_1876 : vector<16xf32>
      %get3A_1878 = arith.constant 30 : i32
      %get3A_1879 = arith.index_cast %get3A_1878 : i32 to index
      %get3A_1880 = arith.constant 16 : index
      %get3A_1881 = tpu.vector_load %arg14[%get3A_1879, %get3A_1880] {strides = array<i32>} : memref<32x32xf32, #tpu.memory_space<vmem>>, vector<1x16xf32>,
      %get3A_1882 = vector.shape_cast %get3A_1881 : vector<1x16xf32> to vector<16xf32>
      %mul3A_1883 = arith.mulf %gather3A_1863, %get3A_1882 : vector<16xf32>
      %add3A_1884 = arith.addf %add3A_1856, %mul3A_1883 : vector<16xf32>
      %mul3A_1885 = arith.mulf %gather3A_1868, %get3A_1882 : vector<16xf32>
      %add3A_1886 = arith.addf %add3A_1858, %mul3A_1885 : vector<16xf32>
      %broadcast_in_dim3A_1887 = arith.constant 15 : i32
      %broadcast_in_dim3A_1888 = vector.broadcast %broadcast_in_dim3A_1887 : i32 to vector<16xi32>
      %reshape3A_1889 = vector.shape_cast %broadcast_in_dim3A_1888 : vector<16xi32> to vector<16x1xi32>
      %gather3A_1890 = vector.shape_cast %reshape3A_1889 : vector<16x1xi32> to vector<16xi32>
      %gather3A_1891 = tpu.dynamic_gather %max3A_994[%gather3A_1890] in [0] : vector<16xf32>, vector<16xi32> -> vector<16xf32>
      %broadcast_in_dim3A_1892 = arith.constant 15 : i32
      %broadcast_in_dim3A_1893 = vector.broadcast %broadcast_in_dim3A_1892 : i32 to vector<16xi32>
      %reshape3A_1894 = vector.shape_cast %broadcast_in_dim3A_1893 : vector<16xi32> to vector<16x1xi32>
      %gather3A_1895 = vector.shape_cast %reshape3A_1894 : vector<16x1xi32> to vector<16xi32>
      %gather3A_1896 = tpu.dynamic_gather %max3A_1006[%gather3A_1895] in [0] : vector<16xf32>, vector<16xi32> -> vector<16xf32>
      %get3A_1897 = arith.constant 31 : i32
      %get3A_1898 = arith.index_cast %get3A_1897 : i32 to index
      %get3A_1899 = arith.constant 0 : index
      %get3A_1900 = tpu.vector_load %arg14[%get3A_1898, %get3A_1899] {strides = array<i32>} : memref<32x32xf32, #tpu.memory_space<vmem>>, vector<1x16xf32>,
      %get3A_1901 = vector.shape_cast %get3A_1900 : vector<1x16xf32> to vector<16xf32>
      %mul3A_1902 = arith.mulf %gather3A_1891, %get3A_1901 : vector<16xf32>
      %add3A_1903 = arith.addf %add3A_1875, %mul3A_1902 : vector<16xf32>
      %mul3A_1904 = arith.mulf %gather3A_1896, %get3A_1901 : vector<16xf32>
      %add3A_1905 = arith.addf %add3A_1877, %mul3A_1904 : vector<16xf32>
      %get3A_1906 = arith.constant 31 : i32
      %get3A_1907 = arith.index_cast %get3A_1906 : i32 to index
      %get3A_1908 = arith.constant 16 : index
      %get3A_1909 = tpu.vector_load %arg14[%get3A_1907, %get3A_1908] {strides = array<i32>} : memref<32x32xf32, #tpu.memory_space<vmem>>, vector<1x16xf32>,
      %get3A_1910 = vector.shape_cast %get3A_1909 : vector<1x16xf32> to vector<16xf32>
      %mul3A_1911 = arith.mulf %gather3A_1891, %get3A_1910 : vector<16xf32>
      %add3A_1912 = arith.addf %add3A_1884, %mul3A_1911 : vector<16xf32>
      %mul3A_1913 = arith.mulf %gather3A_1896, %get3A_1910 : vector<16xf32>
      %add3A_1914 = arith.addf %add3A_1886, %mul3A_1913 : vector<16xf32>
      %get3A_1915 = arith.constant 96 : index
      %get3A_1916 = tpu.vector_load %arg11[%get3A_1915] {strides = array<i32>} : memref<160xf32, #tpu.memory_space<vmem>>, vector<16xf32>,
      %get3A_1917 = vector.shape_cast %get3A_1916 : vector<16xf32> to vector<16xf32>
      %mul3A_1918 = arith.mulf %add3A_1903, %get3A_1917 : vector<16xf32>
      %get3A_1919 = arith.constant 112 : index
      %get3A_1920 = tpu.vector_load %arg11[%get3A_1919] {strides = array<i32>} : memref<160xf32, #tpu.memory_space<vmem>>, vector<16xf32>,
      %get3A_1921 = vector.shape_cast %get3A_1920 : vector<16xf32> to vector<16xf32>
      %mul3A_1922 = arith.mulf %add3A_1912, %get3A_1921 : vector<16xf32>
      %add3A_1923 = arith.addf %mul3A_1918, %mul3A_1922 : vector<16xf32>
      %get3A_1924 = arith.constant 128 : index
      %get3A_1925 = tpu.vector_load %arg11[%get3A_1924] {strides = array<i32>} : memref<160xf32, #tpu.memory_space<vmem>>, vector<16xf32>,
      %get3A_1926 = vector.shape_cast %get3A_1925 : vector<16xf32> to vector<16xf32>
      %mul3A_1927 = arith.mulf %add3A_1905, %get3A_1926 : vector<16xf32>
      %add3A_1928 = arith.addf %add3A_1923, %mul3A_1927 : vector<16xf32>
      %get3A_1929 = arith.constant 144 : index
      %get3A_1930 = tpu.vector_load %arg11[%get3A_1929] {strides = array<i32>} : memref<160xf32, #tpu.memory_space<vmem>>, vector<16xf32>,
      %get3A_1931 = vector.shape_cast %get3A_1930 : vector<16xf32> to vector<16xf32>
      %mul3A_1932 = arith.mulf %add3A_1914, %get3A_1931 : vector<16xf32>
      %add3A_1933 = arith.addf %add3A_1928, %mul3A_1932 : vector<16xf32>
      %iota3A = tpu.iota {dimensions = array<i32: 0>} : vector<16xi32>
      %xor3A = arith.constant 1 : i32
      %xor3A_1934 = vector.broadcast %xor3A : i32 to vector<16xi32>
      %xor3A_1935 = arith.xori %iota3A, %xor3A_1934 : vector<16xi32>
      %reshape3A_1936 = vector.shape_cast %xor3A_1935 : vector<16xi32> to vector<16x1xi32>
      %gather3A_1937 = vector.shape_cast %reshape3A_1936 : vector<16x1xi32> to vector<16xi32>
      %gather3A_1938 = tpu.dynamic_gather %add3A_1933[%gather3A_1937] in [0] : vector<16xf32>, vector<16xi32> -> vector<16xf32>
      %add3A_1939 = arith.addf %add3A_1933, %gather3A_1938 : vector<16xf32>
      %xor3A_1940 = arith.constant 2 : i32
      %xor3A_1941 = vector.broadcast %xor3A_1940 : i32 to vector<16xi32>
      %xor3A_1942 = arith.xori %iota3A, %xor3A_1941 : vector<16xi32>
      %reshape3A_1943 = vector.shape_cast %xor3A_1942 : vector<16xi32> to vector<16x1xi32>
      %gather3A_1944 = vector.shape_cast %reshape3A_1943 : vector<16x1xi32> to vector<16xi32>
      %gather3A_1945 = tpu.dynamic_gather %add3A_1939[%gather3A_1944] in [0] : vector<16xf32>, vector<16xi32> -> vector<16xf32>
      %add3A_1946 = arith.addf %add3A_1939, %gather3A_1945 : vector<16xf32>
      %xor3A_1947 = arith.constant 4 : i32
      %xor3A_1948 = vector.broadcast %xor3A_1947 : i32 to vector<16xi32>
      %xor3A_1949 = arith.xori %iota3A, %xor3A_1948 : vector<16xi32>
      %reshape3A_1950 = vector.shape_cast %xor3A_1949 : vector<16xi32> to vector<16x1xi32>
      %gather3A_1951 = vector.shape_cast %reshape3A_1950 : vector<16x1xi32> to vector<16xi32>
      %gather3A_1952 = tpu.dynamic_gather %add3A_1946[%gather3A_1951] in [0] : vector<16xf32>, vector<16xi32> -> vector<16xf32>
      %add3A_1953 = arith.addf %add3A_1946, %gather3A_1952 : vector<16xf32>
      %xor3A_1954 = arith.constant 8 : i32
      %xor3A_1955 = vector.broadcast %xor3A_1954 : i32 to vector<16xi32>
      %xor3A_1956 = arith.xori %iota3A, %xor3A_1955 : vector<16xi32>
      %reshape3A_1957 = vector.shape_cast %xor3A_1956 : vector<16xi32> to vector<16x1xi32>
      %gather3A_1958 = vector.shape_cast %reshape3A_1957 : vector<16x1xi32> to vector<16xi32>
      %gather3A_1959 = tpu.dynamic_gather %add3A_1953[%gather3A_1958] in [0] : vector<16xf32>, vector<16xi32> -> vector<16xf32>
      %add3A_1960 = arith.addf %add3A_1953, %gather3A_1959 : vector<16xf32>
      %sub3A = arith.subf %add3A_1960, %add3A_1960 : vector<16xf32>
      %exp3A = math.exp %sub3A : vector<16xf32>
      %iota3A_1961 = tpu.iota {dimensions = array<i32: 0>} : vector<16xi32>
      %lt3A = arith.constant 4 : i32
      %lt3A_1962 = vector.broadcast %lt3A : i32 to vector<16xi32>
      %lt3A_1963 = arith.cmpi slt, %iota3A_1961, %lt3A_1962 : vector<16xi32>
      %jit3A = arith.constant 1.000000e+00 : f32
      %jit3A_1964 = arith.constant 0.000000e+00 : f32
      %broadcast_in_dim3A_1965 = vector.broadcast %jit3A : f32 to vector<16xf32>
      %broadcast_in_dim3A_1966 = vector.broadcast %jit3A_1964 : f32 to vector<16xf32>
      %select_n3A = arith.select %lt3A_1963, %broadcast_in_dim3A_1965, %broadcast_in_dim3A_1966 : vector<16xi1>, vector<16xf32>
      %iota3A_1967 = tpu.iota {dimensions = array<i32: 0>} : vector<16xi32>
      %xor3A_1968 = arith.constant 1 : i32
      %xor3A_1969 = vector.broadcast %xor3A_1968 : i32 to vector<16xi32>
      %xor3A_1970 = arith.xori %iota3A_1967, %xor3A_1969 : vector<16xi32>
      %reshape3A_1971 = vector.shape_cast %xor3A_1970 : vector<16xi32> to vector<16x1xi32>
      %gather3A_1972 = vector.shape_cast %reshape3A_1971 : vector<16x1xi32> to vector<16xi32>
      %gather3A_1973 = tpu.dynamic_gather %exp3A[%gather3A_1972] in [0] : vector<16xf32>, vector<16xi32> -> vector<16xf32>
      %add3A_1974 = arith.addf %exp3A, %gather3A_1973 : vector<16xf32>
      %xor3A_1975 = arith.constant 2 : i32
      %xor3A_1976 = vector.broadcast %xor3A_1975 : i32 to vector<16xi32>
      %xor3A_1977 = arith.xori %iota3A_1967, %xor3A_1976 : vector<16xi32>
      %reshape3A_1978 = vector.shape_cast %xor3A_1977 : vector<16xi32> to vector<16x1xi32>
      %gather3A_1979 = vector.shape_cast %reshape3A_1978 : vector<16x1xi32> to vector<16xi32>
      %gather3A_1980 = tpu.dynamic_gather %add3A_1974[%gather3A_1979] in [0] : vector<16xf32>, vector<16xi32> -> vector<16xf32>
      %add3A_1981 = arith.addf %add3A_1974, %gather3A_1980 : vector<16xf32>
      %xor3A_1982 = arith.constant 4 : i32
      %xor3A_1983 = vector.broadcast %xor3A_1982 : i32 to vector<16xi32>
      %xor3A_1984 = arith.xori %iota3A_1967, %xor3A_1983 : vector<16xi32>
      %reshape3A_1985 = vector.shape_cast %xor3A_1984 : vector<16xi32> to vector<16x1xi32>
      %gather3A_1986 = vector.shape_cast %reshape3A_1985 : vector<16x1xi32> to vector<16xi32>
      %gather3A_1987 = tpu.dynamic_gather %add3A_1981[%gather3A_1986] in [0] : vector<16xf32>, vector<16xi32> -> vector<16xf32>
      %add3A_1988 = arith.addf %add3A_1981, %gather3A_1987 : vector<16xf32>
      %xor3A_1989 = arith.constant 8 : i32
      %xor3A_1990 = vector.broadcast %xor3A_1989 : i32 to vector<16xi32>
      %xor3A_1991 = arith.xori %iota3A_1967, %xor3A_1990 : vector<16xi32>
      %reshape3A_1992 = vector.shape_cast %xor3A_1991 : vector<16xi32> to vector<16x1xi32>
      %gather3A_1993 = vector.shape_cast %reshape3A_1992 : vector<16x1xi32> to vector<16xi32>
      %gather3A_1994 = tpu.dynamic_gather %add3A_1988[%gather3A_1993] in [0] : vector<16xf32>, vector<16xi32> -> vector<16xf32>
      %add3A_1995 = arith.addf %add3A_1988, %gather3A_1994 : vector<16xf32>
      %mul3A_1996 = arith.constant 6.000000e+00 : f32
      %mul3A_1997 = vector.broadcast %mul3A_1996 : f32 to vector<16xf32>
      %mul3A_1998 = arith.mulf %mul3A_1997, %add3A_1995 : vector<16xf32>
      %mul3A_1999 = arith.mulf %exp3A, %select_n3A : vector<16xf32>
      %iota3A_2000 = tpu.iota {dimensions = array<i32: 0>} : vector<16xi32>
      %xor3A_2001 = arith.constant 1 : i32
      %xor3A_2002 = vector.broadcast %xor3A_2001 : i32 to vector<16xi32>
      %xor3A_2003 = arith.xori %iota3A_2000, %xor3A_2002 : vector<16xi32>
      %reshape3A_2004 = vector.shape_cast %xor3A_2003 : vector<16xi32> to vector<16x1xi32>
      %gather3A_2005 = vector.shape_cast %reshape3A_2004 : vector<16x1xi32> to vector<16xi32>
      %gather3A_2006 = tpu.dynamic_gather %mul3A_1999[%gather3A_2005] in [0] : vector<16xf32>, vector<16xi32> -> vector<16xf32>
      %add3A_2007 = arith.addf %mul3A_1999, %gather3A_2006 : vector<16xf32>
      %xor3A_2008 = arith.constant 2 : i32
      %xor3A_2009 = vector.broadcast %xor3A_2008 : i32 to vector<16xi32>
      %xor3A_2010 = arith.xori %iota3A_2000, %xor3A_2009 : vector<16xi32>
      %reshape3A_2011 = vector.shape_cast %xor3A_2010 : vector<16xi32> to vector<16x1xi32>
      %gather3A_2012 = vector.shape_cast %reshape3A_2011 : vector<16x1xi32> to vector<16xi32>
      %gather3A_2013 = tpu.dynamic_gather %add3A_2007[%gather3A_2012] in [0] : vector<16xf32>, vector<16xi32> -> vector<16xf32>
      %add3A_2014 = arith.addf %add3A_2007, %gather3A_2013 : vector<16xf32>
      %xor3A_2015 = arith.constant 4 : i32
      %xor3A_2016 = vector.broadcast %xor3A_2015 : i32 to vector<16xi32>
      %xor3A_2017 = arith.xori %iota3A_2000, %xor3A_2016 : vector<16xi32>
      %reshape3A_2018 = vector.shape_cast %xor3A_2017 : vector<16xi32> to vector<16x1xi32>
      %gather3A_2019 = vector.shape_cast %reshape3A_2018 : vector<16x1xi32> to vector<16xi32>
      %gather3A_2020 = tpu.dynamic_gather %add3A_2014[%gather3A_2019] in [0] : vector<16xf32>, vector<16xi32> -> vector<16xf32>
      %add3A_2021 = arith.addf %add3A_2014, %gather3A_2020 : vector<16xf32>
      %xor3A_2022 = arith.constant 8 : i32
      %xor3A_2023 = vector.broadcast %xor3A_2022 : i32 to vector<16xi32>
      %xor3A_2024 = arith.xori %iota3A_2000, %xor3A_2023 : vector<16xi32>
      %reshape3A_2025 = vector.shape_cast %xor3A_2024 : vector<16xi32> to vector<16x1xi32>
      %gather3A_2026 = vector.shape_cast %reshape3A_2025 : vector<16x1xi32> to vector<16xi32>
      %gather3A_2027 = tpu.dynamic_gather %add3A_2021[%gather3A_2026] in [0] : vector<16xf32>, vector<16xi32> -> vector<16xf32>
      %add3A_2028 = arith.addf %add3A_2021, %gather3A_2027 : vector<16xf32>
      %add3A_2029 = arith.addf %mul3A_1998, %add3A_2028 : vector<16xf32>
      %div3A = arith.divf %exp3A, %add3A_2029 : vector<16xf32>
      %swap3A_2030 = arith.constant 0 : index
      %swap3A_2031 = tpu.vector_load %arg15[%swap3A_2030] {strides = array<i32>} : memref<112xf32, #tpu.memory_space<vmem>>, vector<16xf32>,
      %swap3A_2032 = vector.shape_cast %swap3A_2031 : vector<16xf32> to vector<16xf32>
      %swap3A_2033 = vector.shape_cast %div3A : vector<16xf32> to vector<16xf32>
      tpu.vector_store %arg15[%swap3A_2030], %swap3A_2033 {strides = array<i32>} : memref<112xf32, #tpu.memory_space<vmem>>, vector<16xf32>,
      %swap3A_2034 = arith.constant 16 : index
      %swap3A_2035 = tpu.vector_load %arg15[%swap3A_2034] {strides = array<i32>} : memref<112xf32, #tpu.memory_space<vmem>>, vector<16xf32>,
      %swap3A_2036 = vector.shape_cast %swap3A_2035 : vector<16xf32> to vector<16xf32>
      %swap3A_2037 = vector.shape_cast %div3A : vector<16xf32> to vector<16xf32>
      tpu.vector_store %arg15[%swap3A_2034], %swap3A_2037 {strides = array<i32>} : memref<112xf32, #tpu.memory_space<vmem>>, vector<16xf32>,
      %swap3A_2038 = arith.constant 32 : index
      %swap3A_2039 = tpu.vector_load %arg15[%swap3A_2038] {strides = array<i32>} : memref<112xf32, #tpu.memory_space<vmem>>, vector<16xf32>,
      %swap3A_2040 = vector.shape_cast %swap3A_2039 : vector<16xf32> to vector<16xf32>
      %swap3A_2041 = vector.shape_cast %div3A : vector<16xf32> to vector<16xf32>
      tpu.vector_store %arg15[%swap3A_2038], %swap3A_2041 {strides = array<i32>} : memref<112xf32, #tpu.memory_space<vmem>>, vector<16xf32>,
      %swap3A_2042 = arith.constant 48 : index
      %swap3A_2043 = tpu.vector_load %arg15[%swap3A_2042] {strides = array<i32>} : memref<112xf32, #tpu.memory_space<vmem>>, vector<16xf32>,
      %swap3A_2044 = vector.shape_cast %swap3A_2043 : vector<16xf32> to vector<16xf32>
      %swap3A_2045 = vector.shape_cast %div3A : vector<16xf32> to vector<16xf32>
      tpu.vector_store %arg15[%swap3A_2042], %swap3A_2045 {strides = array<i32>} : memref<112xf32, #tpu.memory_space<vmem>>, vector<16xf32>,
      %swap3A_2046 = arith.constant 64 : index
      %swap3A_2047 = tpu.vector_load %arg15[%swap3A_2046] {strides = array<i32>} : memref<112xf32, #tpu.memory_space<vmem>>, vector<16xf32>,
      %swap3A_2048 = vector.shape_cast %swap3A_2047 : vector<16xf32> to vector<16xf32>
      %swap3A_2049 = vector.shape_cast %div3A : vector<16xf32> to vector<16xf32>
      tpu.vector_store %arg15[%swap3A_2046], %swap3A_2049 {strides = array<i32>} : memref<112xf32, #tpu.memory_space<vmem>>, vector<16xf32>,
      %swap3A_2050 = arith.constant 80 : index
      %swap3A_2051 = tpu.vector_load %arg15[%swap3A_2050] {strides = array<i32>} : memref<112xf32, #tpu.memory_space<vmem>>, vector<16xf32>,
      %swap3A_2052 = vector.shape_cast %swap3A_2051 : vector<16xf32> to vector<16xf32>
      %swap3A_2053 = vector.shape_cast %div3A : vector<16xf32> to vector<16xf32>
      tpu.vector_store %arg15[%swap3A_2050], %swap3A_2053 {strides = array<i32>} : memref<112xf32, #tpu.memory_space<vmem>>, vector<16xf32>,
      %swap3A_2054 = arith.constant 96 : index
      %swap3A_2055 = tpu.vector_load %arg15[%swap3A_2054] {strides = array<i32>} : memref<112xf32, #tpu.memory_space<vmem>>, vector<16xf32>,
      %swap3A_2056 = vector.shape_cast %swap3A_2055 : vector<16xf32> to vector<16xf32>
      %swap3A_2057 = vector.shape_cast %div3A : vector<16xf32> to vector<16xf32>
      tpu.vector_store %arg15[%swap3A_2054], %swap3A_2057 {strides = array<i32>} : memref<112xf32, #tpu.memory_space<vmem>>, vector<16xf32>,
      "tpu.region"() ({
        %run_scoped3A = tpu.sem_alloc : memref<!tpu.dma_semaphore, #tpu.memory_space<semaphore_mem>>
        tpu.enqueue_dma source(%arg15 : memref<112xf32, #tpu.memory_space<vmem>>) target(%arg6 : memref<112xf32, #tpu.memory_space<hbm>>) target_semaphore(%run_scoped3A : memref<!tpu.dma_semaphore, #tpu.memory_space<semaphore_mem>>)
        tpu.wait_dma2 semaphore(%run_scoped3A : memref<!tpu.dma_semaphore, #tpu.memory_space<semaphore_mem>>) src(%arg15 : memref<112xf32, #tpu.memory_space<vmem>>) dst(%arg6 : memref<112xf32, #tpu.memory_space<hbm>>)
        tpu.yield
      }) : () -> ()
    } else {
    }
    return
  }
}

</mosaic_0001>

<sc_bundles>
// kernel: kernel.3.cloned.1.call-start
scs
__scs_entry_jumppad:
0x0: {  	(pc) =	sbr.rel $0x88, $3  }
0x1: {  	(tag) =	ssettag $0x0;
	lr =	simm.s32 $0x1  }
0x2: {  	[smem:$0x3F99] =	sst lr;
	_ =	strace $0xD0000000  }
0x3: {  	_ = 	snop  }
0x4: {  	_ = 	snop  }
0x5: {  	_ = 	snop  }
0x6: {  	_ = 	snop  }
0x7: {  	_ = 	snop  }
__scs_overlays_trampoline_lowered:
0x8: {  	[smem:$0x3FA8] =	sst s0  }
0x9: {  	[smem:$0x3FA9] =	sst s1  }
0xa: {  	[smem:$0x3FAA] =	sst s2  }
0xb: {  	[smem:$0x3FAB] =	sst s3  }
0xc: {  	[smem:$0x3FAC] =	sst s4  }
0xd: {  	[smem:$0x3FAD] =	sst s5  }
0xe: {  	[smem:$0x3FAE] =	sst s6  }
0xf: {  	[smem:$0x3FAF] =	sst s7  }
0x10: {  	[smem:$0x3FB0] =	sst s8  }
0x11: {  	[smem:$0x3FB1] =	sst s9;
	s0 =	simm.s32 @!p0 $0x0  }
0x12: {  	s1 =	sld [smem:$0x3F97];
	s0 =	simm.s32 @p0 $0x1  }
0x13: {  	[smem:$0x3FB2] =	sst s0;
	s0 =	simm.s32 @!p1 $0x0  }
0x14: {  	s2 =	sld [smem:$0x3F96];
	s0 =	simm.s32 @p1 $0x1  }
0x15: {  	[smem:$0x3FB3] =	sst s0;
	s0 =	simm.s32 @!p2 $0x0  }
0x16: {  	s3 =	sld [smem:$0x3FDB];
	s0 =	simm.s32 @p2 $0x1  }
0x17: {  	s4 =	simm.s32 $0x1BF5;
	[smem:$0x3FB5] =	sst s0  }
0x18: {  	s0 =	sld [smem:$0x3F98];
	_ =	swait.ge [sflag:s4], $0x0  }
0x19: {  	s7 =	sld [smem:$0x3F99]  }
0x1a: {  	s8 =	sadd.s32 $0xFFFFE003, lr  }
0x1b: {  	s9 =	sadd.s32 $0xFFFFFEF7, lr;
	s5 =	simm.s32 $0xFFFFFFFF;
	p2 =	slt.u32 s8, $0xFFFFF086  }
0x1c: {  	p1 =	slt.u32 s9, $0xF7A;
	s5 =	simm.s32 @!p2 $0x0  }
0x1d: {  	s5 =	simm.s32 @p1 $0x1;
	p0 =	seq.s32 s7, s2  }
0x1e: {  	s7 =	smul.u32 @!p0 $0xF7A, s2;
	p2 =	seq.s32 @!p0 s5, $0x0  }
0x1f: {  	s9 =	smul.u32 $0xF7A, s1;
	s8 =	simm.s32 @!p0 $0x1BF5;
	p2 =	por !p2, p0  }
0x20: {  	[sflag:s8] =	ssyncset.s32 @!p0 $0xFFFFF086;
	s6 =	sadd.s32 @!p0 s3, s7;
	s7 =	simm.s32 @!p0 $0x108  }
0x21: {  	s3 =	sadd.s32 s3, s9;
	s6 =	sadd.s32 @!p0 $0x88, s6;
	s7 =	simm.s32 @p2 $0x1082  }
0x22: {  	[simem:s7], [sflag:s8] =	dma.local @!p0 [hbm:s6], $0xF7A  }
0x23: {  	s9 =	sor.u32 $0xD0000000, s2;
	s6 =	simm.s32 $0x108;
	_ =	swait.ge @!p0 [sflag:s8], $0x0  }
0x24: {  	s3 =	sadd.s32 $0x88, s3;
	s6 =	simm.s32 @!p1 $0x1082;
	[sflag:s4] =	ssyncset.s32 $0xFFFFF086  }
0x25: {  	[simem:s6], [sflag:s4] =	dma.local [hbm:s3], $0xF7A  }
0x26: {  	[smem:$0x3F99] =	sst s1;
	(tag) =	ssettag s2;
	_ =	strace s9  }
0x27: {  	s1 =	sld [smem:$0x3FA9]  }
0x28: {  	s2 =	sld [smem:$0x3FAA]  }
0x29: {  	s4 =	sld [smem:$0x3FAC]  }
0x2a: {  	p0 =	seq.s32 s5, $0x0;
	s5 =	sld [smem:$0x3FAD]  }
0x2b: {  	s6 =	sld [smem:$0x3FAE]  }
0x2c: {  	s7 =	sld [smem:$0x3FAF]  }
0x2d: {  	s3 =	simm.s32 $0x108;
	s8 =	sld [smem:$0x3FB0]  }
0x2e: {  	s3 =	simm.s32 @!p0 $0x1082;
	s9 =	sld [smem:$0x3FB1]  }
0x2f: {  	lr =	sadd.s32 s0, s3;
	s0 =	sld [smem:$0x3FA8]  }
0x30: {  	s3 =	sld [smem:$0x3FAB]  }
0x31: {  	[smem:$0x3FB4] =	sst s10  }
0x32: {  	s10 =	sld [smem:$0x3FB2];
	_ =	sdelay $0x3  }
0x33: {  	p0 =	seq.s32 s10, $0x1;
	s10 =	sld [smem:$0x3FB4];
	_ =	sdelay $0x3  }
0x34: {  	[smem:$0x3FB4] =	sst s10  }
0x35: {  	s10 =	sld [smem:$0x3FB3];
	_ =	sdelay $0x3  }
0x36: {  	p1 =	seq.s32 s10, $0x1;
	s10 =	sld [smem:$0x3FB4];
	_ =	sdelay $0x3  }
0x37: {  	[smem:$0x3FB4] =	sst s10  }
0x38: {  	s10 =	sld [smem:$0x3FB5]  }
0x39: {  	_ = 	snop;
	(pc) =	sbr.ind lr, $3  }
0x3a: {  	_ = 	snop  }
0x3b: {  	_ = 	snop  }
0x3c: {  	p2 =	seq.s32 s10, $0x1;
	s10 =	sld [smem:$0x3FB4]  }
0x3d: {  	_ =	shalt  }
0x3e: {  	_ =	shalt  }
0x3f: {  	_ =	shalt  }
0x40: {  	_ =	shalt  }
0x41: {  	_ =	shalt  }
0x42: {  	_ =	shalt  }
0x43: {  	_ =	shalt  }
0x44: {  	_ =	shalt  }
0x45: {  	_ =	shalt  }
0x46: {  	_ =	shalt  }
0x47: {  	_ =	shalt  }
0x48: {  	_ =	shalt  }
0x49: {  	_ =	shalt  }
0x4a: {  	_ =	shalt  }
0x4b: {  	_ =	shalt  }
0x4c: {  	_ =	shalt  }
0x4d: {  	_ =	shalt  }
0x4e: {  	_ =	shalt  }
0x4f: {  	_ =	shalt  }
0x50: {  	_ =	shalt  }
0x51: {  	_ =	shalt  }
0x52: {  	_ =	shalt  }
0x53: {  	_ =	shalt  }
0x54: {  	_ =	shalt  }
0x55: {  	_ =	shalt  }
0x56: {  	_ =	shalt  }
0x57: {  	_ =	shalt  }
0x58: {  	_ =	shalt  }
0x59: {  	_ =	shalt  }
0x5a: {  	_ =	shalt  }
0x5b: {  	_ =	shalt  }
0x5c: {  	_ =	shalt  }
0x5d: {  	_ =	shalt  }
0x5e: {  	_ =	shalt  }
0x5f: {  	_ =	shalt  }
0x60: {  	_ =	shalt  }
0x61: {  	_ =	shalt  }
0x62: {  	_ =	shalt  }
0x63: {  	_ =	shalt  }
0x64: {  	_ =	shalt  }
0x65: {  	_ =	shalt  }
0x66: {  	_ =	shalt  }
0x67: {  	_ =	shalt  }
0x68: {  	_ =	shalt  }
0x69: {  	_ =	shalt  }
0x6a: {  	_ =	shalt  }
0x6b: {  	_ =	shalt  }
0x6c: {  	_ =	shalt  }
0x6d: {  	_ =	shalt  }
0x6e: {  	_ =	shalt  }
0x6f: {  	_ =	shalt  }
0x70: {  	_ =	shalt  }
0x71: {  	_ =	shalt  }
0x72: {  	_ =	shalt  }
0x73: {  	_ =	shalt  }
0x74: {  	_ =	shalt  }
0x75: {  	_ =	shalt  }
0x76: {  	_ =	shalt  }
0x77: {  	_ =	shalt  }
0x78: {  	_ =	shalt  }
0x79: {  	_ =	shalt  }
0x7a: {  	_ =	shalt  }
0x7b: {  	_ =	shalt  }
0x7c: {  	_ =	shalt  }
0x7d: {  	_ =	shalt  }
0x7e: {  	_ =	shalt  }
0x7f: {  	_ =	shalt  }
0x80: {  	_ =	shalt  }
0x81: {  	_ =	shalt  }
0x82: {  	_ =	shalt  }
0x83: {  	_ =	shalt  }
0x84: {  	_ =	shalt  }
0x85: {  	_ =	shalt  }
0x86: {  	_ =	shalt  }
0x87: {  	_ =	shalt  }
.Lfunc_end0:
.L_simem_size_0:
called_computation_lowered:
.L_overlay_start_0:
0x88: {  	s0 =	sld [smem:$0x3FD9]  }
0x89: {  	s1 =	sld [smem:$0x3FFE];
	_ =	sdelay $0x3  }
0x8a: {  	s0 =	sadd.s32 s1, s0  }
0x8b: {  	[smem:$0x3FC0] =	sst s0  }
0x8c: {  	_ = 	snop  }
0x8d: {  	s0 =	sld [smem:$0x3FC8]  }
0x8e: {  	s16 =	sld [smem:$0x3FC6]  }
0x8f: {  	s2 =	sld [smem:$0x3FC4]  }
0x90: {  	s3 =	sld [smem:$0x3FD0];
	(tm) =	ssettm $0x1  }
0x91: {  	s4 =	sld [smem:$0x3FFB];
	_ =	sdelay $0x3  }
0x92: {  	_ =	strace s4  }
0x93: {  	s4 =	sld [smem:$0x3FFC];
	_ =	sdelay $0x3  }
0x94: {  	_ =	strace s4  }
0x95: {  	s4 =	sld [smem:$0x3FFD];
	_ =	sdelay $0x3  }
0x96: {  	_ =	strace s4  }
0x97: {  	_ =	strace $0x8FFFFFFF  }
0x98: {  	s17 =	sld [smem:$0x3FDB];
	_ =	sdelay $0x1  }
0x99: {  	s5 =	simm.s32 $_scs_section_size  }
0x9a: {  	s6 =	simm.s32 $_size__tile_overlayer_lowered;
	s7 =	simm.s32 $_tile_overlayer_lowered  }
0x9b: {  	s20 =	simm.s32 $0x1BFF;
	s19 =	sshll.u32 s7, $0x1;
	s4 =	sadd.s32 s5, s17  }
0x9c: {  	s8 =	simm.s32 $0x0;
	s18 =	sshll.u32 s6, $0x1;
	s6 =	sadd.s32 s19, s4  }
0x9d: {  	[timem:s8], [sflag:s20] =	dma.local [hbm:s6], s18  }
0x9e: {  	_ =	swait.ge [sflag:s20], s18  }
0x9f: {  	s5 =	ssub.s32 $0x0, s18;
	[sflag:s20] =	ssyncset.done $0x0  }
0xa0: {  	[sflag:s20] =	ssyncadd.s32 s5;
	_ =	sdelay $0x1  }
0xa1: {  	s21 =	simm.s32 $0x1B8B  }
0xa2: {  	_ =	swait.ge [sflag:s21], $0x1  }
0xa3: {  	[sflag:s21] =	ssyncset.done $0x0  }
0xa4: {  	s23 =	simm.s32 $0x1B8E;
	s22 =	sld [smem:$0x3FFE];
	[sflag:s21] =	ssyncadd.s32 $0xFFFFFFFF  }
0xa5: {  	s24 =	simm.s32 $execute0_lowered;
	[smem:$0x3FD2] =	sst s23  }
0xa6: {  	s6 =	sshll.u32 s24, $0x1;
	_ =	strace $0x80000046;
	[dreg:$0x1] =	wrdreg $0xFFFFFFFF  }
0xa7: {  	s25 =	simm.s32 $_size_execute0_lowered;
	s4 =	sadd.s32 s4, s6;
	[dreg:$0x0] =	wrdreg $0x0  }
0xa8: {  	s6 =	sshll.u32 s25, $0x1;
	[dreg:$0x2] =	wrdreg s4  }
0xa9: {  	[dreg:$0x3] =	wrdreg s6  }
0xaa: {  	[dreg:$0x4] =	wrdreg $0xC0  }
0xab: {  	_ =	task [dreg:s8], $0x5FFFF  }
0xac: {  	[dreg:$0x1] =	wrdreg $0xFFFFFFFF  }
0xad: {  	[dreg:$0x0] =	wrdreg $0x60  }
0xae: {  	[dreg:$0x2] =	wrdreg s22  }
0xaf: {  	[dreg:$0x3] =	wrdreg s0  }
0xb0: {  	[dreg:$0x4] =	wrdreg s16  }
0xb1: {  	[dreg:$0x5] =	wrdreg s2  }
0xb2: {  	[dreg:$0x6] =	wrdreg s3  }
0xb3: {  	[dreg:$0x7] =	wrdreg $0x38800  }
0xb4: {  	[dreg:$0x8] =	wrdreg $0x9  }
0xb5: {  	_ =	task.clear_ibuf [dreg:s8], $0x9FFFF;
	_ =	strace $0x90000046  }
0xb6: {  	s26 =	simm.s32 $0x9;
	_ =	strace $0x80000048  }
0xb7: {  	_ =	swait.ge [sflag:s26], $0x1  }
0xb8: {  	[sflag:s26] =	ssyncadd.s32 $0xFFFFFFFF  }
0xb9: {  	_ =	strace $0x90000048  }
0xba: {  	_ =	sfence  }
0xbb: {  	s28 =	sld [smem:$0x0];
	_ =	sdelay $0x1  }
0xbc: {  	s29 =	srdreg.scid  }
0xbd: {  	s30 =	sshll.u32 s29, $0xD;
	s31 =	sshrl.u32 s29, $0x2  }
0xbe: {  	s1 =	sand.u32 $0x1, s29;
	s2 =	sand.u32 $0x4000, s30;
	s0 =	sadd.s32 s31, s28  }
0xbf: {  	s1 =	sor.u32 s2, s1;
	s0 =	sshll.u32 s0, $0x11  }
0xc0: {  	s0 =	sor.u32 s0, s1  }
0xc1: {  	s0 =	sadd.s32 $0x8F2B, s0  }
0xc2: {  	[sflag:s0] =	ssyncadd.remote.s32 $0x1  }
0xc3: {  	_ =	sfence.sel $0xFFFF  }
0xc4: {  	[dreg:$0x0] =	wrdreg $0xFFFFFFFF;
	(pc) =	sbr.abs _section_cstart, $3  }
0xc5: {  	[dreg:$0x1] =	wrdreg $0xFFFFFFFF  }
0xc6: {  	_ =	task.clear_ibuf [dreg:s8], $0x2FFFF;
	_ =	strace $0x9FFFFFFF  }
0xc7: {  	(tm) =	ssettm $0x7FFFFFFF  }
tec
execute0_lowered:
.L_overlay_start_1:
0x0: {  	(tag) =	ssettag $0x1  }
0x1: {  	s2 =	rddreg [dreg:$0x0]  }
0x2: {  	s4 =	rddreg [dreg:$0x1]  }
0x3: {  	s5 =	rddreg [dreg:$0x2]  }
0x4: {  	s6 =	rddreg [dreg:$0x3]  }
0x5: {  	s1 =	rddreg [dreg:$0x4]  }
0x6: {  	s3 =	rddreg [dreg:$0x5]  }
0x7: {  	s0 =	rddreg [dreg:$0x6];
	s7 =	simm.s32 $0x0  }
0x8: {  	s8 =	stileid.u32;
	[smem:$0x7FF] =	sst s7  }
0x9: {  	s2 =	sadd.s32 $0xC00, s2;
	p0 =	sne.s32 s8, $0x0;
	_ =	strace $0x80000047  }
0xa: {  	s9 =	sadd.s32 @!p0 $0x1388, s2;
	s10 =	simm.s32 @!p0 $0x0;
	s11 =	simm.s32 @!p0 $0x1300  }
0xb: {  	[tilespmem:s11], [sflag:$0x1] =	stream.linear.gather @!p0 [hbm4b:s9+s10], $0xA0, $0x38;
	[tilespmem:$0x3890] =	vst v63  }
0xc: {  	s9 =	simm.s32 @!p0 $0x1400  }
0xd: {  	[tilespmem:s9], [sflag:$0x1] =	stream.linear.gather @!p0 [hbm4b:s4+s10], $0x400, $0x38;
	[tilespmem:$0x3890] =	vst v63  }
0xe: {  	s4 =	simm.s32 @!p0 $0x1800  }
0xf: {  	[tilespmem:s4], [sflag:$0x1] =	stream.linear.gather @!p0 [hbm4b:s5+s10], $0x1000, $0x38;
	[tilespmem:$0x3890] =	vst v63  }
0x10: {  	s4 =	simm.s32 @!p0 $0x2800  }
0x11: {  	[tilespmem:s4], [sflag:$0x1] =	stream.linear.gather @!p0 [hbm4b:s6+s10], $0x1000, $0x38;
	[tilespmem:$0x3890] =	vst v63  }
0x12: {  	s28 =	smul.u32 $0x138, s8;
	s5 =	sadd.s32 @!p0 $0x1380, s2;
	s6 =	simm.s32 @!p0 $0xA00  }
0x13: {  	[tilespmem:s6], [sflag:$0x1] =	stream.linear.gather @!p0 [hbm4b:s5+s10], $0x40, $0x38;
	[tilespmem:$0x3890] =	vst v63  }
0x14: {  	s29 =	simm.s32 $0x2;
	s2 =	sadd.s32 s2, s28  }
0x15: {  	[tilespmem:s7], [sflag:$0x2] =	stream.linear.gather [hbm4b:s2+s7], $0x9C0, $0x38;
	[tilespmem:$0x3890] =	vst v63  }
0x16: {  	_ =	swait.ge [sflag:s29], $0x9C0  }
0x17: {  	[sflag:s29] =	ssyncset.done $0x0  }
0x18: {  	s30 =	simm.s32 $0x0;
	[sflag:s29] =	ssyncadd.s32 $0xFFFFF640  }
0x19: {  	v0 =	vld [tilespmem:s30+$0x30]  }
0x1a: {  	v2 =	vld [tilespmem:s30+$0x0]  }
0x1b: {  	v1 =	vimm.f32 $0.0e+00;
	s31 =	sshll.u32 s8, $0x7;
	v3 =	vld [tilespmem:s30+$0x10]  }
0x1c: {  	v5 =	vimm.f32 $0.0e+00;
	v6 =	vimm.f32 $0.0e+00;
	v7 =	vimm.f32 $0.0e+00;
	s4 =	simm.s32 $0x100;
	s2 =	sadd.s32 s31, s3;
	v4 =	vld [tilespmem:s30+$0x20]  }
.LBB2_1:
0x1d: {  	p1 =	sne.s32 s4, $0x2600  }
.Ltmp0:
0x1e: {  	s5 =	sshra.s32 s4, $0x2;
	s4 =	sadd.s32 $0x100, s4;
	v1 =	vadd.f32 v0, v1;
	(pc) =	sbr.rel @p1 .LBB2_1-.Ltmp0, $4  }
0x1f: {  	v0 =	vld [tilespmem:s5+$0x30];
	v5 =	vadd.f32 v2, v5  }
0x20: {  	v2 =	vld [tilespmem:s5+$0x0];
	v6 =	vadd.f32 v3, v6  }
0x21: {  	v3 =	vld [tilespmem:s5+$0x10];
	v7 =	vadd.f32 v4, v7  }
0x22: {  	v4 =	vld [tilespmem:s5+$0x20]  }
0x23: {  	_ =	sdelay $0x2  }
0x24: {  	v2 =	vadd.f32 v2, v5;
	v3 =	vadd.f32 v3, v6;
	_ =	sdelay $0x1  }
0x25: {  	v4 =	vadd.f32 v4, v7;
	v2 =	vadd.f32 v3, v2;
	_ =	sdelay $0x1  }
0x26: {  	v0 =	vadd.f32 v0, v1;
	v63 =	vadd.f32 v4, v2;
	_ =	sdelay $0x1  }
0x27: {  	v0 =	vadd.f32 v0, v63;
	_ =	sdelay $0x1  }
0x28: {  	s4 =	simm.s32 $0xA80;
	[tilespmem:$0xA80] =	vst v0  }
0x29: {  	[spmem:s2] =	stream.linear.scatter [tilespmem:s4], [sflag:$0x2], $0x80, $0x38;
	[tilespmem:$0x3890] =	vst v63  }
0x2a: {  	s2 =	simm.s32 $0x2  }
0x2b: {  	_ =	swait.ge [sflag:s2], $0x80  }
0x2c: {  	[sflag:s2] =	ssyncset.done $0x0  }
0x2d: {  	[sflag:s2] =	ssyncadd.s32 $0xFFFFFF80  }
0x2e: {  	[bflag:$0x0] =	sbarrier.arrive $0xFFFF  }
0x2f: {  	_ =	sfence.sel @p0 $0x180000  }
0x30: {  	[bflag:$0x0] =	sbarrier.arrive @p0 $0xFFFF  }
0x31: {  	_ =	strace @p0 $0x90000047  }
0x32: {  	[bflag:$0x2] =	sbarrier.arrive @p0 $0xFFFF  }
0x33: {  	_ =	shalt @p0  }
.LBB2_3:
0x34: {  	s4 =	simm.s32 $0x1  }
0x35: {  	_ =	swait.ge [sflag:s4], $0xA0  }
0x36: {  	[sflag:s4] =	ssyncset.done $0x0  }
0x37: {  	[sflag:s4] =	ssyncadd.s32 $0xFFFFFF60  }
0x38: {  	_ =	swait.ge [sflag:s4], $0x400  }
0x39: {  	[sflag:s4] =	ssyncset.done $0x0  }
0x3a: {  	[sflag:s4] =	ssyncadd.s32 $0xFFFFFC00  }
0x3b: {  	_ =	swait.ge [sflag:s4], $0x1000  }
0x3c: {  	[sflag:s4] =	ssyncset.done $0x0  }
0x3d: {  	[sflag:s4] =	ssyncadd.s32 $0xFFFFF000  }
0x3e: {  	_ =	swait.ge [sflag:s4], $0x1000  }
0x3f: {  	[sflag:s4] =	ssyncset.done $0x0  }
0x40: {  	[sflag:s4] =	ssyncadd.s32 $0xFFFFF000  }
0x41: {  	_ =	swait.ge [sflag:s4], $0x40  }
0x42: {  	[sflag:s4] =	ssyncset.done $0x0  }
0x43: {  	s29 =	simm.s32 $0xB00;
	[sflag:s4] =	ssyncadd.s32 $0xFFFFFFC0  }
0x44: {  	[tilespmem:s29], [sflag:$0x2] =	stream.linear.gather [spmem:s3], $0x800, $0x38;
	[tilespmem:$0x3890] =	vst v63  }
0x45: {  	_ =	swait.ge [sflag:s2], $0x800  }
0x46: {  	[sflag:s2] =	ssyncset.done $0x0  }
0x47: {  	[sflag:s2] =	ssyncadd.s32 $0xFFFFF800  }
0x48: {  	v0 =	vld [tilespmem:$0xB00];
	_ =	sdelay $0x1  }
0x49: {  	v1 =	vld [tilespmem:$0xB80];
	_ =	sdelay $0x1  }
0x4a: {  	v2 =	vld [tilespmem:$0xC00]  }
0x4b: {  	v0 =	vadd.f32 $0.0e+00, v0  }
0x4c: {  	v3 =	vld [tilespmem:$0xC80]  }
0x4d: {  	v0 =	vadd.f32 v1, v0  }
0x4e: {  	v38 =	vld [tilespmem:$0xD00]  }
0x4f: {  	v0 =	vadd.f32 v2, v0  }
0x50: {  	v39 =	vld [tilespmem:$0xD80]  }
0x51: {  	v0 =	vadd.f32 v3, v0  }
0x52: {  	v40 =	vld [tilespmem:$0xE00]  }
0x53: {  	v0 =	vadd.f32 v38, v0  }
0x54: {  	v41 =	vld [tilespmem:$0xE80]  }
0x55: {  	v0 =	vadd.f32 v39, v0  }
0x56: {  	v42 =	vld [tilespmem:$0xF00]  }
0x57: {  	v0 =	vadd.f32 v40, v0  }
0x58: {  	v43 =	vld [tilespmem:$0xF80]  }
0x59: {  	v0 =	vadd.f32 v41, v0  }
0x5a: {  	v44 =	vld [tilespmem:$0x1000]  }
0x5b: {  	v0 =	vadd.f32 v42, v0  }
0x5c: {  	v45 =	vld [tilespmem:$0x1080]  }
0x5d: {  	v0 =	vadd.f32 v43, v0  }
0x5e: {  	v46 =	vld [tilespmem:$0x1100]  }
0x5f: {  	v0 =	vadd.f32 v44, v0  }
0x60: {  	v47 =	vld [tilespmem:$0x1180]  }
0x61: {  	v0 =	vadd.f32 v45, v0  }
0x62: {  	v48 =	vld [tilespmem:$0x1200]  }
0x63: {  	v0 =	vadd.f32 v46, v0  }
0x64: {  	v49 =	vld [tilespmem:$0x1280]  }
0x65: {  	v0 =	vadd.f32 v47, v0  }
0x66: {  	v50 =	vld [tilespmem:$0xA00]  }
0x67: {  	v0 =	vadd.f32 v48, v0  }
0x68: {  	v51 =	vld [tilespmem:$0xA10]  }
0x69: {  	v0 =	vadd.f32 v49, v0  }
0x6a: {  	v52 =	vld [tilespmem:$0xA20]  }
0x6b: {  	v0 =	vadd.f32 v50, v0  }
0x6c: {  	v53 =	vld [tilespmem:$0xA30]  }
0x6d: {  	v0 =	vadd.f32 v51, v0;
	_ =	sdelay $0x1  }
0x6e: {  	v0 =	vadd.f32 v52, v0  }
0x6f: {  	v15 =	vimm.s32 $0x0;
	v11 =	vld [tilespmem:$0x1400]  }
0x70: {  	v7 =	vimm.s32 $0x8;
	v14 =	vimm.s32 $0x1;
	v19 =	vld [tilespmem:$0x1300];
	v16 =	vadd.f32 v53, v0  }
0x71: {  	v6 =	vimm.s32 $0x9;
	v13 =	vimm.s32 $0x2;
	v5 =	vimm.s32 $0xA;
	v22 =	vld [tilespmem:$0x1480]  }
0x72: {  	v12 =	vimm.s32 $0x3;
	v4 =	vimm.s32 $0xB;
	v25 =	vld [tilespmem:$0x1500];
	v0 =	vperm.xlane v16, v15  }
0x73: {  	v10 =	vimm.s32 $0x4;
	v62 =	vld [tilespmem:$0x1580];
	v1 =	vperm.xlane v16, v7;
	v54 =	vperm.xlane v16, v14  }
0x74: {  	v8 =	vimm.s32 $0x5;
	v63 =	vld [tilespmem:$0x1310];
	v55 =	vperm.xlane v16, v6;
	v57 =	vperm.xlane v16, v13  }
0x75: {  	v28 =	vld [tilespmem:$0x1600];
	v9 =	vperm.xlane v16, v5;
	v17 =	vperm.xlane v16, v12;
	v0 =	vadd.f32 v1, v0  }
0x76: {  	v29 =	vld [tilespmem:$0x1410];
	v3 =	vimm.s32 $0xC;
	v20 =	vperm.xlane v16, v4;
	v21 =	vperm.xlane v16, v10  }
0x77: {  	v30 =	vld [tilespmem:$0x1680];
	v23 =	vperm.xlane v16, v3;
	v56 =	vadd.f32 v55, v54;
	v18 =	vmul.f32 $1.999999950e-04, v0  }
0x78: {  	v31 =	vld [tilespmem:$0x1490];
	v58 =	vperm.xlane v16, v8;
	v1 =	vimm.s32 $0xD;
	v2 =	vadd.f32 v9, v57  }
0x79: {  	v32 =	vld [tilespmem:$0x1700];
	v59 =	vadd.f32 v20, v17;
	v26 =	vmul.f32 $1.999999950e-04, v56;
	v11 =	vmul.f32 v11, v18  }
0x7a: {  	v33 =	vld [tilespmem:$0x1510];
	v61 =	vadd.f32 v23, v21;
	v24 =	vperm.xlane v16, v1;
	v60 =	vmul.f32 $1.999999950e-04, v2  }
0x7b: {  	v35 =	vld [tilespmem:$0x1800];
	v21 =	vmul.f32 $1.999999950e-04, v59;
	v22 =	vmul.f32 v22, v26;
	v19 =	vadd.f32 v11, v19  }
0x7c: {  	v37 =	vld [tilespmem:$0x1880];
	v0 =	vimm.s32 $0xE;
	v9 =	vadd.f32 v24, v58;
	v24 =	vmul.f32 $1.999999950e-04, v61  }
0x7d: {  	v39 =	vld [tilespmem:$0x1900];
	v43 =	vperm.xlane v16, v0;
	v41 =	vmul.f32 v25, v60;
	v40 =	vadd.f32 v22, v19  }
0x7e: {  	v46 =	vld [tilespmem:$0x1780];
	v17 =	vmul.f32 v62, v21;
	v27 =	vmul.f32 $1.999999950e-04, v9;
	v11 =	vimm.s32 $0x6  }
0x7f: {  	v51 =	vld [tilespmem:$0x1980];
	v9 =	vimm.s32 $0x7;
	v42 =	vperm.xlane v16, v11;
	v19 =	vadd.f32 v41, v40  }
0x80: {  	v53 =	vld [tilespmem:$0x1A00];
	v2 =	vimm.s32 $0xF;
	v45 =	vmul.f32 v28, v24;
	v44 =	vperm.xlane v16, v9  }
0x81: {  	v56 =	vld [tilespmem:$0x1910];
	v16 =	vperm.xlane v16, v2;
	v22 =	vadd.f32 v43, v42;
	v17 =	vadd.f32 v17, v19  }
0x82: {  	v59 =	vld [tilespmem:$0x1A80];
	v47 =	vmul.f32 v30, v27  }
0x83: {  	v25 =	vld [tilespmem:$0x1590];
	v16 =	vadd.f32 v16, v44;
	v22 =	vmul.f32 $1.999999950e-04, v22;
	v17 =	vadd.f32 v45, v17  }
0x84: {  	v20 =	vmul.f32 v33, v60;
	v60 =	vld [tilespmem:$0x1990]  }
0x85: {  	v28 =	vld [tilespmem:$0x1790];
	v34 =	vmul.f32 $1.999999950e-04, v16;
	v49 =	vmul.f32 v32, v22;
	v48 =	vadd.f32 v47, v17  }
0x86: {  	v30 =	vld [tilespmem:$0x1610]  }
0x87: {  	v32 =	vld [tilespmem:$0x1710];
	v50 =	vmul.f32 v46, v34;
	v16 =	vadd.f32 v49, v48  }
0x88: {  	v18 =	vmul.f32 v29, v18;
	v40 =	vld [tilespmem:$0x1810]  }
0x89: {  	v42 =	vld [tilespmem:$0x1890];
	v36 =	vadd.f32 v50, v16  }
0x8a: {  	v52 =	vmul.f32 v31, v26;
	v18 =	vadd.f32 v18, v63;
	v16 =	vld [tilespmem:$0x1330]  }
0x8b: {  	v17 =	vld [tilespmem:$0x1320];
	v38 =	vperm.xlane v36, v15  }
0x8c: {  	v18 =	vadd.f32 v52, v18;
	v44 =	vld [tilespmem:$0x1B00];
	v21 =	vmul.f32 v25, v21;
	v22 =	vmul.f32 v32, v22  }
0x8d: {  	v19 =	vld [tilespmem:$0x1690];
	v41 =	vperm.xlane v36, v14;
	v58 =	vmul.f32 v40, v38  }
0x8e: {  	v18 =	vadd.f32 v20, v18;
	v45 =	vld [tilespmem:$0x1A10];
	v43 =	vperm.xlane v36, v13;
	v35 =	vmul.f32 v35, v38  }
0x8f: {  	v48 =	vld [tilespmem:$0x1B80];
	v57 =	vperm.xlane v36, v12;
	v63 =	vmul.f32 v42, v41;
	v62 =	vadd.f32 v58, v16  }
0x90: {  	v32 =	vld [tilespmem:$0x2600];
	v61 =	vperm.xlane v36, v10;
	v37 =	vmul.f32 v37, v41;
	v35 =	vadd.f32 v35, v17  }
0x91: {  	v50 =	vld [tilespmem:$0x1A90];
	v46 =	vperm.xlane v36, v8;
	v47 =	vmul.f32 v56, v43;
	v20 =	vadd.f32 v63, v62  }
0x92: {  	v55 =	vmul.f32 v39, v43;
	v26 =	vmul.f32 v53, v61;
	v53 =	vld [tilespmem:$0x1C00];
	v54 =	vadd.f32 v37, v35  }
0x93: {  	v49 =	vmul.f32 v59, v46;
	v52 =	vmul.f32 v60, v57;
	v59 =	vld [tilespmem:$0x1B90];
	v20 =	vadd.f32 v47, v20  }
0x94: {  	v29 =	vmul.f32 v51, v57;
	v31 =	vadd.f32 v55, v54;
	v55 =	vld [tilespmem:$0x1B10]  }
0x95: {  	v18 =	vadd.f32 v21, v18;
	v57 =	vmul.f32 v45, v61;
	v41 =	vld [tilespmem:$0x1D80];
	v20 =	vadd.f32 v52, v20  }
0x96: {  	v24 =	vmul.f32 v30, v24;
	v51 =	vperm.xlane v36, v11;
	v43 =	vld [tilespmem:$0x1C90];
	v29 =	vadd.f32 v29, v31  }
0x97: {  	v56 =	vperm.xlane v36, v9;
	v61 =	vmul.f32 v50, v46;
	v58 =	vld [tilespmem:$0x1C80];
	v20 =	vadd.f32 v57, v20  }
0x98: {  	v18 =	vadd.f32 v24, v18;
	v63 =	vld [tilespmem:$0x1C10];
	v26 =	vadd.f32 v26, v29  }
0x99: {  	v25 =	vmul.f32 v48, v56;
	v48 =	vld [tilespmem:$0x1D10];
	v40 =	vmul.f32 v55, v51;
	v20 =	vadd.f32 v61, v20  }
0x9a: {  	v19 =	vmul.f32 v19, v27;
	v62 =	vld [tilespmem:$0x1D00];
	v54 =	vmul.f32 v44, v51;
	v26 =	vadd.f32 v49, v26  }
0x9b: {  	v60 =	vperm.xlane v36, v7;
	v35 =	vld [tilespmem:$0x2000];
	v46 =	vmul.f32 v59, v56;
	v45 =	vadd.f32 v40, v20  }
0x9c: {  	v18 =	vadd.f32 v19, v18;
	v38 =	vperm.xlane v36, v6;
	v37 =	vld [tilespmem:$0x1F10];
	v26 =	vadd.f32 v54, v26  }
0x9d: {  	v23 =	vmul.f32 v53, v60;
	v53 =	vld [tilespmem:$0x1D90];
	v50 =	vmul.f32 v63, v60;
	v19 =	vadd.f32 v46, v45  }
0x9e: {  	v56 =	vld [tilespmem:$0x1F00];
	v25 =	vadd.f32 v25, v26  }
0x9f: {  	v44 =	vperm.xlane v36, v5;
	v60 =	vld [tilespmem:$0x1F80];
	v55 =	vmul.f32 v43, v38;
	v19 =	vadd.f32 v50, v19  }
0xa0: {  	v28 =	vmul.f32 v28, v34;
	v42 =	vmul.f32 v58, v38;
	v57 =	vld [tilespmem:$0x1E10];
	v23 =	vadd.f32 v23, v25  }
0xa1: {  	v47 =	vld [tilespmem:$0x1E00];
	v59 =	vmul.f32 v48, v44;
	v49 =	vperm.xlane v36, v4;
	v19 =	vadd.f32 v55, v19  }
0xa2: {  	v24 =	vmul.f32 v62, v44;
	v62 =	vld [tilespmem:$0x1E90];
	v38 =	vperm.xlane v36, v2;
	v23 =	vadd.f32 v42, v23  }
0xa3: {  	v51 =	vld [tilespmem:$0x1E80];
	v54 =	vperm.xlane v36, v3;
	v34 =	vmul.f32 v53, v49;
	v19 =	vadd.f32 v59, v19  }
0xa4: {  	v58 =	vperm.xlane v36, v1;
	v52 =	vmul.f32 v41, v49;
	v40 =	vld [tilespmem:$0x2080];
	v23 =	vadd.f32 v24, v23  }
0xa5: {  	v41 =	vmul.f32 v60, v38;
	v60 =	vld [tilespmem:$0x2280];
	v39 =	vmul.f32 v57, v54;
	v19 =	vadd.f32 v34, v19  }
0xa6: {  	v18 =	vadd.f32 v22, v18;
	v21 =	vmul.f32 v47, v54;
	v42 =	vld [tilespmem:$0x1F90];
	v23 =	vadd.f32 v52, v23  }
0xa7: {  	v63 =	vperm.xlane v36, v0;
	v44 =	vmul.f32 v62, v58;
	v62 =	vld [tilespmem:$0x2190];
	v19 =	vadd.f32 v39, v19  }
0xa8: {  	v61 =	vmul.f32 v51, v58;
	v47 =	vld [tilespmem:$0x2010];
	v21 =	vadd.f32 v21, v23  }
0xa9: {  	v18 =	vadd.f32 v28, v18;
	v49 =	vmul.f32 v37, v63;
	v36 =	vld [tilespmem:$0x2210];
	v19 =	vadd.f32 v44, v19  }
0xaa: {  	v22 =	vmul.f32 v56, v63;
	v52 =	vld [tilespmem:$0x2090];
	v21 =	vadd.f32 v61, v21  }
0xab: {  	v43 =	vperm.xlane v18, v15;
	v45 =	vld [tilespmem:$0x2100];
	v54 =	vmul.f32 v42, v38;
	v19 =	vadd.f32 v49, v19  }
0xac: {  	v57 =	vld [tilespmem:$0x2110];
	v21 =	vadd.f32 v22, v21  }
0xad: {  	v48 =	vperm.xlane v18, v14;
	v50 =	vld [tilespmem:$0x2180];
	v59 =	vmul.f32 v47, v43;
	v19 =	vadd.f32 v54, v19  }
0xae: {  	v46 =	vmul.f32 v35, v43;
	v34 =	vld [tilespmem:$0x2300];
	v21 =	vadd.f32 v41, v21  }
0xaf: {  	v53 =	vperm.xlane v18, v13;
	v55 =	vld [tilespmem:$0x2200];
	v33 =	vmul.f32 v52, v48;
	v19 =	vadd.f32 v59, v19  }
0xb0: {  	v58 =	vperm.xlane v18, v12;
	v51 =	vmul.f32 v40, v48;
	v39 =	vld [tilespmem:$0x2380];
	v21 =	vadd.f32 v46, v21  }
0xb1: {  	v38 =	vmul.f32 v57, v53;
	v42 =	vperm.xlane v18, v11;
	v44 =	vld [tilespmem:$0x2400];
	v19 =	vadd.f32 v33, v19  }
0xb2: {  	v63 =	vperm.xlane v18, v10;
	v56 =	vmul.f32 v45, v53;
	v41 =	vld [tilespmem:$0x2290];
	v21 =	vadd.f32 v51, v21  }
0xb3: {  	v43 =	vmul.f32 v62, v58;
	v45 =	vmul.f32 v34, v42;
	v34 =	vld [tilespmem:$0x2510];
	v19 =	vadd.f32 v38, v19  }
0xb4: {  	v37 =	vperm.xlane v18, v8;
	v61 =	vmul.f32 v50, v58;
	v46 =	vld [tilespmem:$0x2310];
	v21 =	vadd.f32 v56, v21  }
0xb5: {  	v47 =	vperm.xlane v18, v9;
	v48 =	vmul.f32 v36, v63;
	v49 =	vld [tilespmem:$0x2480];
	v19 =	vadd.f32 v43, v19  }
0xb6: {  	v35 =	vmul.f32 v55, v63;
	v51 =	vld [tilespmem:$0x2390];
	v21 =	vadd.f32 v61, v21  }
0xb7: {  	v50 =	vmul.f32 v39, v47;
	v39 =	vld [tilespmem:$0x2590];
	v53 =	vmul.f32 v41, v37;
	v19 =	vadd.f32 v48, v19  }
0xb8: {  	v40 =	vmul.f32 v60, v37;
	v56 =	vld [tilespmem:$0x2410];
	v21 =	vadd.f32 v35, v21  }
0xb9: {  	v52 =	vperm.xlane v18, v7;
	v54 =	vld [tilespmem:$0x2500];
	v58 =	vmul.f32 v46, v42;
	v19 =	vadd.f32 v53, v19  }
0xba: {  	v61 =	vld [tilespmem:$0x2490];
	v21 =	vadd.f32 v40, v21  }
0xbb: {  	v55 =	vmul.f32 v44, v52;
	v44 =	vld [tilespmem:$0x2610];
	v63 =	vmul.f32 v51, v47;
	v19 =	vadd.f32 v58, v19  }
0xbc: {  	v59 =	vld [tilespmem:$0x2580];
	v21 =	vadd.f32 v45, v21  }
0xbd: {  	v57 =	vperm.xlane v18, v6;
	v42 =	vld [tilespmem:$0x2700];
	v36 =	vmul.f32 v56, v52;
	v19 =	vadd.f32 v63, v19  }
0xbe: {  	v62 =	vperm.xlane v18, v5;
	v37 =	vld [tilespmem:$0x2680];
	v21 =	vadd.f32 v50, v21  }
0xbf: {  	v47 =	vld [tilespmem:$0x2780];
	v35 =	vperm.xlane v18, v4;
	v41 =	vmul.f32 v61, v57;
	v19 =	vadd.f32 v36, v19  }
0xc0: {  	v60 =	vmul.f32 v49, v57;
	v49 =	vperm.xlane v18, v0;
	v51 =	vld [tilespmem:$0x2690];
	v21 =	vadd.f32 v55, v21  }
0xc1: {  	v46 =	vmul.f32 v34, v62;
	v38 =	vmul.f32 v59, v35;
	v59 =	vld [tilespmem:$0x1340];
	v19 =	vadd.f32 v41, v19  }
0xc2: {  	v33 =	vmul.f32 v54, v62;
	v52 =	vmul.f32 v42, v49;
	v42 =	vld [tilespmem:$0x2900];
	v21 =	vadd.f32 v60, v21  }
0xc3: {  	v40 =	vperm.xlane v18, v3;
	v58 =	vld [tilespmem:$0x2790];
	v50 =	vmul.f32 v39, v35;
	v19 =	vadd.f32 v46, v19  }
0xc4: {  	v55 =	vld [tilespmem:$0x2710];
	v21 =	vadd.f32 v33, v21  }
0xc5: {  	v61 =	vld [tilespmem:$0x2800];
	v45 =	vperm.xlane v18, v1;
	v56 =	vmul.f32 v44, v40;
	v54 =	vadd.f32 v50, v19  }
0xc6: {  	v53 =	vperm.xlane v18, v2;
	v43 =	vmul.f32 v32, v40;
	v44 =	vld [tilespmem:$0x2910];
	v21 =	vadd.f32 v38, v21  }
0xc7: {  	v48 =	vmul.f32 v37, v45;
	v37 =	vld [tilespmem:$0x2890];
	v60 =	vmul.f32 v51, v45;
	v18 =	vadd.f32 v56, v54  }
0xc8: {  	v57 =	vmul.f32 v47, v53;
	v35 =	vmul.f32 v58, v53;
	v33 =	vld [tilespmem:$0x2880];
	v21 =	vadd.f32 v43, v21  }
0xc9: {  	v47 =	vld [tilespmem:$0x2980];
	v23 =	vmul.f32 v55, v49;
	v20 =	vadd.f32 v60, v18;
	v18 =	vmax.f32 v17, $0.0e+00  }
0xca: {  	v55 =	vld [tilespmem:$0x2A10];
	v21 =	vadd.f32 v48, v21;
	v36 =	vperm.xlane v18, v15;
	v41 =	vperm.xlane v18, v14  }
0xcb: {  	v63 =	vld [tilespmem:$0x2810];
	v46 =	vperm.xlane v18, v13;
	v54 =	vperm.xlane v18, v12  }
0xcc: {  	v60 =	vperm.xlane v18, v10;
	v21 =	vadd.f32 v52, v21;
	v39 =	vmul.f32 v61, v36  }
0xcd: {  	v34 =	vadd.f32 v23, v20;
	v29 =	vmul.f32 v33, v41;
	v25 =	vmul.f32 v37, v41  }
0xce: {  	v49 =	vmul.f32 v42, v46;
	v53 =	vmul.f32 v44, v46;
	v21 =	vadd.f32 v57, v21  }
0xcf: {  	v41 =	vmul.f32 v55, v60;
	v57 =	vmul.f32 v47, v54;
	v20 =	vadd.f32 v39, v59  }
0xd0: {  	v39 =	vperm.xlane v18, v8;
	v19 =	vmax.f32 v21, $0.0e+00;
	v21 =	vmul.f32 v63, v36  }
0xd1: {  	v62 =	vld [tilespmem:$0x1350];
	v32 =	vperm.xlane v19, v15;
	v40 =	vperm.xlane v19, v14  }
0xd2: {  	v52 =	vld [tilespmem:$0x2A00];
	v45 =	vperm.xlane v19, v13;
	v51 =	vperm.xlane v19, v12  }
0xd3: {  	v58 =	vperm.xlane v19, v10;
	v46 =	vperm.xlane v19, v11  }
0xd4: {  	v16 =	vmax.f32 v16, $0.0e+00;
	v50 =	vld [tilespmem:$0x2990];
	v38 =	vmul.f32 v61, v32;
	v28 =	vmul.f32 v63, v32  }
0xd5: {  	v20 =	vadd.f32 v29, v20;
	v43 =	vmul.f32 v33, v40;
	v22 =	vmul.f32 v37, v40  }
0xd6: {  	v21 =	vadd.f32 v21, v62;
	v48 =	vmul.f32 v42, v45;
	v24 =	vmul.f32 v44, v45  }
0xd7: {  	v36 =	vld [tilespmem:$0x2A90];
	v20 =	vadd.f32 v49, v20;
	v56 =	vmul.f32 v47, v51;
	v63 =	vmul.f32 v52, v58  }
0xd8: {  	v61 =	vld [tilespmem:$0x2A80];
	v37 =	vmul.f32 v52, v60;
	v49 =	vperm.xlane v18, v11;
	v21 =	vadd.f32 v25, v21  }
0xd9: {  	v40 =	vld [tilespmem:$0x2B00];
	v26 =	vadd.f32 v38, v59;
	v28 =	vadd.f32 v28, v62;
	v59 =	vmul.f32 v50, v51  }
0xda: {  	v44 =	vld [tilespmem:$0x2B10];
	v62 =	vmul.f32 v50, v54;
	v38 =	vperm.xlane v19, v8;
	v21 =	vadd.f32 v53, v21  }
0xdb: {  	v47 =	vld [tilespmem:$0x2B80];
	v53 =	vperm.xlane v19, v9;
	v22 =	vadd.f32 v22, v28;
	v28 =	vmul.f32 v55, v58  }
0xdc: {  	v17 =	vadd.f32 v35, v34;
	v45 =	vmul.f32 v36, v38;
	v55 =	vperm.xlane v18, v9  }
0xdd: {  	v23 =	vadd.f32 v43, v26;
	v42 =	vmul.f32 v61, v38;
	v43 =	vmul.f32 v61, v39  }
0xde: {  	v20 =	vadd.f32 v57, v20;
	v51 =	vmul.f32 v40, v46;
	v52 =	vmul.f32 v40, v49  }
0xdf: {  	v17 =	vmax.f32 v17, $0.0e+00;
	v50 =	vld [tilespmem:$0x2B90];
	v54 =	vmul.f32 v44, v46;
	v57 =	vmul.f32 v44, v49  }
0xe0: {  	v20 =	vadd.f32 v37, v20;
	v58 =	vmul.f32 v47, v53;
	v61 =	vperm.xlane v19, v7  }
0xe1: {  	v21 =	vadd.f32 v62, v21;
	v62 =	vperm.xlane v18, v7;
	v46 =	vperm.xlane v19, v5  }
0xe2: {  	v37 =	vld [tilespmem:$0x2C90];
	v23 =	vadd.f32 v48, v23;
	v22 =	vadd.f32 v24, v22;
	v48 =	vmul.f32 v36, v39  }
0xe3: {  	v40 =	vld [tilespmem:$0x2D00];
	v60 =	vmul.f32 v47, v55;
	v39 =	vperm.xlane v19, v6;
	v21 =	vadd.f32 v41, v21  }
0xe4: {  	v20 =	vadd.f32 v43, v20;
	v27 =	vmul.f32 v50, v53;
	v43 =	vld [tilespmem:$0x2D10];
	v23 =	vadd.f32 v56, v23  }
0xe5: {  	v34 =	vmul.f32 v50, v55;
	v55 =	vperm.xlane v18, v4;
	v22 =	vadd.f32 v59, v22;
	v56 =	vld [tilespmem:$0x2C00]  }
0xe6: {  	v59 =	vld [tilespmem:$0x2C10];
	v21 =	vadd.f32 v48, v21;
	v48 =	vperm.xlane v18, v5;
	v23 =	vadd.f32 v63, v23  }
0xe7: {  	v49 =	vld [tilespmem:$0x2D80];
	v20 =	vadd.f32 v52, v20;
	v47 =	vmul.f32 v37, v39;
	v22 =	vadd.f32 v28, v22  }
0xe8: {  	v53 =	vmul.f32 v40, v48;
	v23 =	vadd.f32 v42, v23;
	v42 =	vperm.xlane v18, v6  }
0xe9: {  	v21 =	vadd.f32 v57, v21;
	v57 =	vmul.f32 v43, v48;
	v48 =	vperm.xlane v19, v0  }
0xea: {  	v63 =	vld [tilespmem:$0x2C80];
	v20 =	vadd.f32 v60, v20;
	v35 =	vmul.f32 v56, v61;
	v36 =	vmul.f32 v56, v62  }
0xeb: {  	v52 =	vld [tilespmem:$0x2D90];
	v22 =	vadd.f32 v45, v22;
	v38 =	vmul.f32 v59, v61;
	v41 =	vmul.f32 v59, v62  }
0xec: {  	v21 =	vadd.f32 v34, v21;
	v59 =	vmul.f32 v49, v55;
	v62 =	vperm.xlane v19, v3  }
0xed: {  	v23 =	vadd.f32 v51, v23;
	v50 =	vmul.f32 v37, v42;
	v51 =	vmul.f32 v40, v46  }
0xee: {  	v60 =	vld [tilespmem:$0x2E10];
	v22 =	vadd.f32 v54, v22;
	v54 =	vperm.xlane v19, v4;
	v37 =	vperm.xlane v18, v3  }
0xef: {  	v56 =	vld [tilespmem:$0x2E00];
	v20 =	vadd.f32 v36, v20;
	v44 =	vmul.f32 v63, v39;
	v45 =	vmul.f32 v63, v42  }
0xf0: {  	v21 =	vadd.f32 v41, v21;
	v36 =	vmul.f32 v52, v55;
	v41 =	vperm.xlane v19, v1  }
0xf1: {  	v63 =	vld [tilespmem:$0x2E80];
	v19 =	vperm.xlane v19, v2;
	v22 =	vadd.f32 v27, v22;
	v27 =	vmul.f32 v43, v46  }
0xf2: {  	v39 =	vld [tilespmem:$0x2E90];
	v23 =	vadd.f32 v58, v23;
	v58 =	vmul.f32 v49, v54;
	v61 =	vmul.f32 v52, v54  }
0xf3: {  	v42 =	vld [tilespmem:$0x2F00];
	v43 =	vmul.f32 v60, v62;
	v20 =	vadd.f32 v45, v20;
	v45 =	vmul.f32 v60, v37  }
0xf4: {  	v49 =	vld [tilespmem:$0x2F10];
	v23 =	vadd.f32 v35, v23;
	v22 =	vadd.f32 v38, v22;
	v38 =	vmul.f32 v56, v62  }
0xf5: {  	v21 =	vadd.f32 v50, v21;
	v40 =	vmul.f32 v56, v37;
	v62 =	vperm.xlane v17, v15  }
0xf6: {  	v15 =	vperm.xlane v16, v15;
	v23 =	vadd.f32 v44, v23;
	v44 =	vperm.xlane v18, v1  }
0xf7: {  	v20 =	vadd.f32 v53, v20;
	v46 =	vmul.f32 v63, v41;
	v50 =	vmul.f32 v39, v41  }
0xf8: {  	v33 =	vld [tilespmem:$0x3090];
	v21 =	vadd.f32 v57, v21;
	v52 =	vmul.f32 v42, v48;
	v41 =	vperm.xlane v17, v13  }
0xf9: {  	v37 =	vld [tilespmem:$0x3100];
	v22 =	vadd.f32 v47, v22;
	v13 =	vperm.xlane v16, v13;
	v56 =	vmul.f32 v49, v48  }
0xfa: {  	v21 =	vadd.f32 v36, v21;
	v36 =	vperm.xlane v17, v14;
	v14 =	vperm.xlane v16, v14  }
0xfb: {  	v23 =	vadd.f32 v51, v23;
	v47 =	vmul.f32 v63, v44;
	v51 =	vperm.xlane v18, v0  }
0xfc: {  	v53 =	vld [tilespmem:$0x2F80];
	v20 =	vadd.f32 v59, v20;
	v26 =	vmul.f32 v39, v44;
	v18 =	vperm.xlane v18, v2  }
0xfd: {  	v55 =	vld [tilespmem:$0x2F90];
	v22 =	vadd.f32 v27, v22;
	v27 =	vperm.xlane v17, v9;
	v9 =	vperm.xlane v16, v9  }
0xfe: {  	v57 =	vld [tilespmem:$0x3000];
	v20 =	vadd.f32 v40, v20;
	v40 =	vmul.f32 v33, v36;
	v44 =	vmul.f32 v37, v41  }
0xff: {  	v21 =	vadd.f32 v45, v21;
	v45 =	vmul.f32 v37, v13;
	v37 =	vperm.xlane v17, v6  }
0x100: {  	v6 =	vperm.xlane v16, v6;
	v54 =	vmul.f32 v42, v51  }
0x101: {  	v23 =	vadd.f32 v58, v23;
	v58 =	vmul.f32 v49, v51;
	v60 =	vmul.f32 v53, v19  }
0x102: {  	v59 =	vld [tilespmem:$0x3010];
	v22 =	vadd.f32 v61, v22;
	v61 =	vmul.f32 v53, v18;
	v19 =	vmul.f32 v55, v19  }
0x103: {  	v18 =	vmul.f32 v55, v18;
	v32 =	vmul.f32 v57, v62  }
0x104: {  	v63 =	vld [tilespmem:$0x3080];
	v34 =	vmul.f32 v57, v15;
	v51 =	vperm.xlane v17, v10  }
0x105: {  	v39 =	vld [tilespmem:$0x3110];
	v10 =	vperm.xlane v16, v10;
	v57 =	vperm.xlane v17, v8  }
0x106: {  	v8 =	vperm.xlane v16, v8;
	v20 =	vadd.f32 v47, v20;
	v21 =	vadd.f32 v26, v21  }
0x107: {  	v42 =	vld [tilespmem:$0x3180];
	v23 =	vadd.f32 v38, v23;
	v35 =	vmul.f32 v59, v62;
	v15 =	vmul.f32 v59, v15  }
0x108: {  	v49 =	vld [tilespmem:$0x3210];
	v22 =	vadd.f32 v43, v22;
	v62 =	vperm.xlane v17, v11;
	v11 =	vperm.xlane v16, v11  }
0x109: {  	v47 =	vld [tilespmem:$0x3200];
	v20 =	vadd.f32 v54, v20;
	v38 =	vmul.f32 v63, v36;
	v24 =	vmul.f32 v63, v14  }
0x10a: {  	v43 =	vld [tilespmem:$0x3190];
	v21 =	vadd.f32 v58, v21;
	v14 =	vmul.f32 v33, v14;
	v13 =	vmul.f32 v39, v13  }
0x10b: {  	v59 =	vld [tilespmem:$0x3310];
	v23 =	vadd.f32 v46, v23;
	v46 =	vperm.xlane v17, v12;
	v12 =	vperm.xlane v16, v12  }
0x10c: {  	v58 =	vld [tilespmem:$0x3300];
	v22 =	vadd.f32 v50, v22;
	v18 =	vadd.f32 v18, v21;
	v21 =	vmul.f32 v39, v41  }
0x10d: {  	v63 =	vld [tilespmem:$0x3380];
	v20 =	vadd.f32 v61, v20;
	v48 =	vmul.f32 v42, v46;
	v50 =	vmul.f32 v42, v12  }
0x10e: {  	v25 =	vld [tilespmem:$0x3390];
	v23 =	vadd.f32 v52, v23;
	v53 =	vmul.f32 v47, v51;
	v54 =	vmul.f32 v47, v10  }
0x10f: {  	v33 =	vld [tilespmem:$0x3480];
	v22 =	vadd.f32 v56, v22;
	v56 =	vmul.f32 v49, v51;
	v10 =	vmul.f32 v49, v10  }
0x110: {  	v42 =	vperm.xlane v17, v5;
	v5 =	vperm.xlane v16, v5;
	v20 =	vadd.f32 v34, v20  }
0x111: {  	v31 =	vld [tilespmem:$0x3410];
	v15 =	vadd.f32 v15, v18;
	v12 =	vmul.f32 v43, v12;
	v26 =	vmul.f32 v58, v11  }
0x112: {  	v52 =	vld [tilespmem:$0x3280];
	v23 =	vadd.f32 v60, v23;
	v11 =	vmul.f32 v59, v11;
	v29 =	vmul.f32 v63, v27  }
0x113: {  	v55 =	vld [tilespmem:$0x3290];
	v19 =	vadd.f32 v19, v22;
	v30 =	vmul.f32 v63, v9;
	v9 =	vmul.f32 v25, v9  }
0x114: {  	v28 =	vld [tilespmem:$0x3400];
	v39 =	vmul.f32 v33, v37;
	v41 =	vmul.f32 v33, v6;
	v20 =	vadd.f32 v24, v20  }
0x115: {  	v34 =	vld [tilespmem:$0x3490];
	v14 =	vadd.f32 v14, v15;
	v24 =	vmul.f32 v43, v46;
	v23 =	vadd.f32 v32, v23  }
0x116: {  	v19 =	vadd.f32 v35, v19;
	v32 =	vperm.xlane v17, v7;
	v7 =	vperm.xlane v16, v7  }
0x117: {  	v15 =	vadd.f32 v45, v20;
	v60 =	vmul.f32 v52, v57;
	v61 =	vmul.f32 v52, v8  }
0x118: {  	v13 =	vadd.f32 v13, v14;
	v14 =	vmul.f32 v55, v57;
	v8 =	vmul.f32 v55, v8  }
0x119: {  	v22 =	vadd.f32 v38, v23;
	v35 =	vmul.f32 v28, v32;
	v36 =	vmul.f32 v28, v7  }
0x11a: {  	v18 =	vadd.f32 v40, v19;
	v7 =	vmul.f32 v31, v7;
	v6 =	vmul.f32 v34, v6  }
0x11b: {  	v28 =	vperm.xlane v17, v2;
	v2 =	vperm.xlane v16, v2;
	v15 =	vadd.f32 v50, v15  }
0x11c: {  	v12 =	vadd.f32 v12, v13;
	v18 =	vadd.f32 v21, v18;
	v21 =	vmul.f32 v59, v62  }
0x11d: {  	v38 =	vld [tilespmem:$0x3500];
	v19 =	vadd.f32 v44, v22;
	v22 =	vperm.xlane v17, v0;
	v0 =	vperm.xlane v16, v0  }
0x11e: {  	v40 =	vld [tilespmem:$0x3510];
	v10 =	vadd.f32 v10, v12;
	v18 =	vadd.f32 v24, v18;
	v24 =	vmul.f32 v58, v62  }
0x11f: {  	v43 =	vld [tilespmem:$0x3580];
	v19 =	vadd.f32 v48, v19;
	v48 =	vperm.xlane v17, v4;
	v4 =	vperm.xlane v16, v4  }
0x120: {  	v58 =	vperm.xlane v17, v1;
	v1 =	vperm.xlane v16, v1;
	v8 =	vadd.f32 v8, v10  }
0x121: {  	v10 =	vmul.f32 v25, v27;
	v19 =	vadd.f32 v53, v19;
	v13 =	vadd.f32 v56, v18  }
0x122: {  	v15 =	vadd.f32 v54, v15;
	v44 =	vmul.f32 v38, v42;
	v45 =	vmul.f32 v38, v5  }
0x123: {  	v47 =	vmul.f32 v40, v42;
	v18 =	vadd.f32 v60, v19;
	v13 =	vadd.f32 v14, v13  }
0x124: {  	v12 =	vadd.f32 v61, v15;
	v5 =	vmul.f32 v40, v5;
	v50 =	vmul.f32 v43, v48  }
0x125: {  	v46 =	vld [tilespmem:$0x3590];
	v52 =	vmul.f32 v43, v4;
	v15 =	vadd.f32 v24, v18;
	v13 =	vadd.f32 v21, v13  }
0x126: {  	v49 =	vld [tilespmem:$0x3600];
	v53 =	vperm.xlane v17, v3;
	v12 =	vadd.f32 v26, v12;
	v8 =	vadd.f32 v11, v8  }
0x127: {  	v11 =	vmul.f32 v31, v32;
	v14 =	vadd.f32 v29, v15;
	v10 =	vadd.f32 v10, v13  }
0x128: {  	v3 =	vperm.xlane v16, v3;
	v12 =	vadd.f32 v30, v12;
	v8 =	vadd.f32 v9, v8  }
0x129: {  	v51 =	vld [tilespmem:$0x3610];
	v18 =	vmul.f32 v34, v37;
	v13 =	vadd.f32 v35, v14;
	v10 =	vadd.f32 v11, v10  }
0x12a: {  	v63 =	vld [tilespmem:$0x3780];
	v4 =	vmul.f32 v46, v4;
	v9 =	vadd.f32 v36, v12;
	v7 =	vadd.f32 v7, v8  }
0x12b: {  	v54 =	vld [tilespmem:$0x3680];
	v55 =	vmul.f32 v49, v53;
	v12 =	vadd.f32 v39, v13;
	v10 =	vadd.f32 v18, v10  }
0x12c: {  	v56 =	vld [tilespmem:$0x3690];
	v57 =	vmul.f32 v49, v3;
	v9 =	vadd.f32 v41, v9;
	v6 =	vadd.f32 v6, v7  }
0x12d: {  	v59 =	vld [tilespmem:$0x3700];
	v8 =	vmul.f32 v46, v48;
	v11 =	vadd.f32 v44, v12;
	v7 =	vadd.f32 v47, v10  }
0x12e: {  	v61 =	vld [tilespmem:$0x3710];
	v60 =	vmul.f32 v51, v53;
	v9 =	vadd.f32 v45, v9;
	v5 =	vadd.f32 v5, v6  }
0x12f: {  	v3 =	vmul.f32 v51, v3;
	v10 =	vadd.f32 v50, v11;
	v7 =	vadd.f32 v8, v7  }
0x130: {  	v23 =	vld [tilespmem:$0x3790];
	v62 =	vmul.f32 v54, v58;
	v6 =	vadd.f32 v52, v9;
	v4 =	vadd.f32 v4, v5  }
0x131: {  	v24 =	vmul.f32 v56, v58;
	v9 =	vadd.f32 v55, v10;
	v5 =	vadd.f32 v60, v7  }
0x132: {  	v26 =	vmul.f32 v59, v22;
	v31 =	vmul.f32 v63, v28;
	v3 =	vadd.f32 v3, v4  }
0x133: {  	v30 =	vld [tilespmem:$0x1370];
	v27 =	vmul.f32 v61, v22;
	v25 =	vadd.f32 v62, v9;
	v4 =	vadd.f32 v24, v5  }
0x134: {  	v32 =	vmul.f32 v59, v0;
	v21 =	vmul.f32 v54, v1;
	v29 =	vld [tilespmem:$0x1360];
	v6 =	vadd.f32 v57, v6  }
0x135: {  	v9 =	vmul.f32 v23, v28;
	v7 =	vadd.f32 v26, v25;
	v4 =	vadd.f32 v27, v4  }
0x136: {  	v0 =	vmul.f32 v61, v0;
	v1 =	vmul.f32 v56, v1;
	v6 =	vadd.f32 v21, v6  }
0x137: {  	v33 =	vld [tilespmem:$0x1380];
	v34 =	vmul.f32 v63, v2;
	v5 =	vadd.f32 v31, v7;
	v4 =	vadd.f32 v9, v4  }
0x138: {  	v2 =	vmul.f32 v23, v2;
	v1 =	vadd.f32 v1, v3;
	v3 =	vadd.f32 v32, v6  }
0x139: {  	v38 =	vimm.s32 $0x67452301;
	v36 =	vld [tilespmem:$0x1390];
	v5 =	vmul.f32 v29, v5;
	v4 =	vmul.f32 v30, v4  }
0x13a: {  	v37 =	vimm.s32 $0xEFCDAB89;
	v0 =	vadd.f32 v0, v1;
	v35 =	vadd.f32 v34, v3  }
0x13b: {  	v6 =	vunpack.c.l.s4.s8 v38;
	v4 =	vadd.f32 v4, v5;
	v5 =	vunpack.c.l.s4.s8 v37  }
0x13c: {  	v0 =	vadd.f32 v2, v0;
	v1 =	vmul.f32 v33, v35  }
0x13d: {  	v42 =	vimm.s32 $0x54761032;
	v40 =	vunpack.c.0.s8.s32 v6;
	v39 =	vunpack.c.0.s8.s32 v5  }
0x13e: {  	v41 =	vimm.s32 $0xDCFE98BA;
	v0 =	vmul.f32 v36, v0;
	v1 =	vadd.f32 v1, v4  }
0x13f: {  	v43 =	vunpack.c.l.s4.s8 v42;
	v3 =	vunpack.c.l.s4.s8 v41;
	v2 =	vcombine.low v40, v39  }
0x140: {  	v0 =	vadd.f32 v0, v1  }
0x141: {  	v46 =	vunpack.c.0.s8.s32 v43;
	v45 =	vunpack.c.0.s8.s32 v3;
	v44 =	vand.u32 $0xF, v2  }
0x142: {  	v49 =	vimm.s32 $0x32107654;
	v48 =	vimm.s32 $0xBA98FEDC;
	v47 =	vperm.xlane v0, v44  }
0x143: {  	v51 =	vunpack.c.l.s4.s8 v49;
	v50 =	vunpack.c.l.s4.s8 v48;
	v2 =	vcombine.low v46, v45  }
0x144: {  	v0 =	vadd.f32 v0, v47  }
0x145: {  	v52 =	vunpack.c.0.s8.s32 v51;
	v3 =	vunpack.c.0.s8.s32 v50;
	v2 =	vand.u32 $0xF, v2  }
0x146: {  	v54 =	vimm.s32 $0xFEDCBA98;
	v53 =	vperm.xlane v0, v2  }
0x147: {  	v55 =	vimm.s32 $0x76543210;
	v6 =	vunpack.c.l.s4.s8 v54;
	v3 =	vcombine.low v52, v3  }
0x148: {  	v4 =	vunpack.c.l.s4.s8 v55;
	v0 =	vadd.f32 v0, v53  }
0x149: {  	v56 =	vunpack.c.0.s8.s32 v6;
	v3 =	vand.u32 $0xF, v3  }
0x14a: {  	v4 =	vunpack.c.0.s8.s32 v4;
	v57 =	vperm.xlane v0, v3  }
0x14b: {  	v5 =	vand.u32 $0xF, v56  }
0x14c: {  	v4 =	vcombine.low v5, v4;
	v0 =	vadd.f32 v0, v57;
	_ =	sdelay $0x1  }
0x14d: {  	v5 =	vperm.xlane v0, v4;
	_ =	sdelay $0x1  }
0x14e: {  	v0 =	vadd.f32 v0, v5;
	_ =	sdelay $0x1  }
0x14f: {  	v0 =	vsub.f32 v0, v0;
	_ =	sdelay $0x1  }
0x150: {  	v0 =	vmul.f32 $1.442695020e+00, v0;
	_ =	sdelay $0x1  }
0x151: {  	(erf) = vpow2.f32 v0;
	_ =	sdelay $0x7  }
0x152: {  	vm0 =	vcmask $0xF00;
	v58 =	vimm.f32 $0.0e+00  }
0x153: {  	v0 =	vsel vm0, $0x3F800000, v58;
	v59 =	vpop (erf)  }
0x154: {  	v60 =	vperm.xlane v59, v44;
	v0 =	vmul.f32 v0, v59;
	_ =	sdelay $0x1  }
0x155: {  	v6 =	vadd.f32 v59, v60;
	v1 =	vperm.xlane v0, v44;
	_ =	sdelay $0x1  }
0x156: {  	v61 =	vperm.xlane v6, v2;
	v0 =	vadd.f32 v0, v1;
	_ =	sdelay $0x1  }
0x157: {  	v62 =	vadd.f32 v6, v61;
	v2 =	vperm.xlane v0, v2;
	_ =	sdelay $0x1  }
0x158: {  	v6 =	vperm.xlane v62, v3;
	v0 =	vadd.f32 v0, v2;
	_ =	sdelay $0x1  }
0x159: {  	v1 =	vadd.f32 v62, v6;
	v2 =	vperm.xlane v0, v3;
	_ =	sdelay $0x1  }
0x15a: {  	v63 =	vperm.xlane v1, v4;
	v0 =	vadd.f32 v0, v2;
	_ =	sdelay $0x1  }
0x15b: {  	v1 =	vadd.f32 v1, v63;
	v2 =	vperm.xlane v0, v4;
	_ =	sdelay $0x1  }
0x15c: {  	v1 =	vmul.f32 $6.000000000e+00, v1;
	v0 =	vadd.f32 v0, v2;
	_ =	sdelay $0x1  }
0x15d: {  	v0 =	vadd.f32 v0, v1;
	_ =	sdelay $0x1  }
0x15e: {  	(erf) = vrcp.f32 v0;
	_ =	sdelay $0x8  }
0x15f: {  	v0 =	vpop (erf)  }
0x160: {  	v0 =	vmul.f32 v0, v59;
	_ =	sdelay $0x1  }
0x161: {  	[tilespmem:$0x3800] =	vst v0  }
0x162: {  	[tilespmem:$0x3810] =	vst v0  }
0x163: {  	[tilespmem:$0x3820] =	vst v0  }
0x164: {  	[tilespmem:$0x3830] =	vst v0  }
0x165: {  	[tilespmem:$0x3840] =	vst v0  }
0x166: {  	[tilespmem:$0x3850] =	vst v0  }
0x167: {  	s30 =	simm.s32 $0x0;
	s31 =	simm.s32 $0x3800;
	[tilespmem:$0x3860] =	vst v0  }
0x168: {  	[hbm4b:s1+s30] =	stream.linear.scatter [tilespmem:s31], [sflag:$0x2], $0x80, $0x38;
	[tilespmem:$0x3890] =	vst v63  }
0x169: {  	_ =	swait.ge [sflag:s2], $0x80  }
0x16a: {  	[sflag:s2] =	ssyncset.done $0x0  }
0x16b: {  	[sflag:s2] =	ssyncadd.s32 $0xFFFFFF80  }
0x16c: {  	_ =	sfence.sel $0x180000  }
0x16d: {  	[bflag:$0x0] =	sbarrier.arrive $0xFFFF  }
0x16e: {  	_ =	strace $0x90000047  }
0x16f: {  	s0 =	sadd.s32 $0x100000, s0;
	[bflag:$0x2] =	sbarrier.arrive $0xFFFF  }
0x170: {  	[sflag:s0] =	ssyncadd.tile.s32 $0x1;
	_ =	shalt  }
.Lfunc_end2:
_tile_overlayer_lowered:
.L_overlay_start_2:
0x171: {  	(tag) =	ssettag $0x2  }
0x172: {  	s0 =	rddreg [dreg:$0x0];
	s2 =	stileid.u32  }
0x173: {  	s1 =	rddreg [dreg:$0x1];
	p0 =	sne.s32 s2, $0x0  }
0x174: {  	s3 =	rddreg [dreg:$0x2];
	[bflag:$0x3] =	sbarrier.arrive $0xFFFF;
	s2 =	simm.s32 @!p0 $0x1C02  }
0x175: {  	[timem:s3], [sflag:s2] =	dma.local @!p0 [hbm:s0], s1  }
0x176: {  	s0 =	simm.s32 @!p0 $0x2  }
0x177: {  	_ =	swait.ge @!p0 [sflag:s0], s1  }
0x178: {  	s1 =	ssub.s32 @!p0 $0x0, s1;
	[sflag:s0] =	ssyncset.done @!p0 $0x0  }
0x179: {  	[sflag:s0] =	ssyncadd.s32 @!p0 s1  }
0x17a: {  	[bflag:$0x3] =	sbarrier.arrive $0xFFFF  }
0x17b: {  	_ =	shalt  }

</sc_bundles>
